<compile_context>
chip_gen: v7x
topology: tpu7x:2x2x1
jax: 0.10.2.dev20260603
libtpu: 0.0.44.dev20260713+nightly
codegen_flags: <defaults>
</compile_context>

<pallas_src>
import functools

import jax
import jax.numpy as jnp
from jax import lax
from jax.experimental import pallas as pl
from jax.experimental.pallas import tpu as pltpu
from jax.experimental.pallas import tpu_sc as plsc

N = 10000
E = 320000
D = 128
NS = 16
EPT = E // NS
BW = 128
CH = 16
NCH = 10
NB = CH * NCH
EPAD = NB * BW
DEPTH = 2
AGG_ROWS = 10240
PAD_ROW = 10080
BLK = 1000
ZB = 40

_mesh = plsc.VectorSubcoreMesh(core_axis_name="c", subcore_axis_name="s")


@functools.partial(
    pl.kernel,
    out_type=jax.ShapeDtypeStruct((2, AGG_ROWS), jnp.float32),
    mesh=_mesh,
    scratch_types=[
        pltpu.VMEM((CH, BW), jnp.int32),
        pltpu.VMEM((BW,), jnp.float32),
        pltpu.VMEM((640,), jnp.float32),
        pltpu.VMEM_SHARED((AGG_ROWS,), jnp.float32),
        pltpu.SemaphoreType.DMA,
    ],
)
def _count_call(src_hbm, outdeg_hbm,
                idx_v, ones_v, zbuf_v, cnt_s_sh, csem):
    cid = lax.axis_index("c")
    sid = lax.axis_index("s")

    def _ones(i, carry):
        ones_v[pl.ds(i * 16, 16)] = jnp.ones((16,), jnp.float32)
        return carry
    lax.fori_loop(0, BW // 16, _ones, 0)

    def _z(i, carry):
        zbuf_v[pl.ds(i * 16, 16)] = jnp.zeros((16,), jnp.float32)
        return carry
    lax.fori_loop(0, 640 // 16, _z, 0)
    sl0 = pl.ds(sid * 640, 640)
    pltpu.sync_copy(zbuf_v, cnt_s_sh.at[sl0])

    plsc.subcore_barrier()

    def _chunk(ch, carry):
        pltpu.sync_copy(src_hbm.at[cid, sid, pl.ds(ch * CH, CH)], idx_v)
        hs = [pltpu.async_copy(ones_v, cnt_s_sh.at[idx_v.at[j]],
                               csem, add=True)
              for j in range(CH)]
        for h in hs:
            h.wait()
        return carry
    lax.fori_loop(0, NCH, _chunk, 0)

    plsc.subcore_barrier()

    sl = pl.ds(sid * 640, 640)
    pltpu.sync_copy(cnt_s_sh.at[sl], outdeg_hbm.at[cid].at[sl])


@functools.partial(
    pl.kernel,
    out_type=(jax.ShapeDtypeStruct((2, N, D), jnp.float32),
              jax.ShapeDtypeStruct((2, AGG_ROWS), jnp.float32)),
    mesh=_mesh,
    scratch_types=[
        pltpu.VMEM((CH, BW), jnp.int32),
        pltpu.VMEM((CH, BW), jnp.int32),
        pltpu.VMEM((BW, D), jnp.float32),
        pltpu.VMEM((BW, D), jnp.float32),
        pltpu.VMEM((BW,), jnp.float32),
        pltpu.VMEM((ZB, D), jnp.float32),
        pltpu.VMEM_SHARED((AGG_ROWS, D), jnp.float32),
        pltpu.VMEM_SHARED((AGG_ROWS,), jnp.float32),
        pltpu.SemaphoreType.DMA,
        pltpu.SemaphoreType.DMA,
        pltpu.SemaphoreType.DMA,
        pltpu.SemaphoreType.DMA,
        pltpu.SemaphoreType.DMA,
    ],
)
def _agg_call(src_hbm, dst_hbm, feat_hbm, out_hbm, indeg_hbm,
              isrc_v, idst_v, rows0_v, rows1_v, ones_v,
              zbuf_v, agg_sh, cnt_sh,
              gs0, gs1, ss0, ss1, csem):
    cid = lax.axis_index("c")
    sid = lax.axis_index("s")

    def _z(k, carry):
        zbuf_v[k // 8, pl.ds((k % 8) * 16, 16)] = jnp.zeros((16,), jnp.float32)
        return carry
    lax.fori_loop(0, ZB * 8, _z, 0)

    def _ones(i, carry):
        ones_v[pl.ds(i * 16, 16)] = jnp.ones((16,), jnp.float32)
        return carry
    lax.fori_loop(0, BW // 16, _ones, 0)

    def _zcnt(i, carry):
        pltpu.sync_copy(zbuf_v.at[0], cnt_sh.at[pl.ds(sid * 640 + i * D, D)])
        return carry
    lax.fori_loop(0, 640 // D, _zcnt, 0)

    rows = (rows0_v, rows1_v)
    gsem = (gs0, gs1)
    ssem = (ss0, ss1)

    def _zc(i, carry):
        pltpu.sync_copy(zbuf_v, agg_sh.at[pl.ds(sid * 640 + i * ZB, ZB)])
        return carry
    lax.fori_loop(0, 640 // ZB, _zc, 0)

    plsc.subcore_barrier()

    feat_c = feat_hbm.at[cid]

    def _chunk(ch, carry):
        pltpu.sync_copy(src_hbm.at[cid, sid, pl.ds(ch * CH, CH)], isrc_v)
        pltpu.sync_copy(dst_hbm.at[cid, sid, pl.ds(ch * CH, CH)], idst_v)

        def _grp(g, c2):
            j0 = g * DEPTH
            gh = [pltpu.async_copy(feat_c.at[isrc_v.at[j0 + b]],
                                   rows[b], gsem[b])
                  for b in range(DEPTH)]
            ih = [pltpu.async_copy(ones_v, cnt_sh.at[idst_v.at[j0 + b]],
                                   csem, add=True)
                  for b in range(DEPTH)]
            sh = []
            for b in range(DEPTH):
                gh[b].wait()
                sh.append(pltpu.async_copy(
                    rows[b], agg_sh.at[idst_v.at[j0 + b]],
                    ssem[b], add=True))
            for b in range(DEPTH):
                sh[b].wait()
                ih[b].wait()
            return c2
        lax.fori_loop(0, CH // DEPTH, _grp, 0)
        return carry
    lax.fori_loop(0, NCH, _chunk, 0)

    plsc.subcore_barrier()

    @pl.when(sid < 15)
    def _():
        sl = pl.ds(sid * 640, 640)
        pltpu.sync_copy(agg_sh.at[sl], out_hbm.at[cid].at[sl])

    @pl.when(sid == 15)
    def _():
        sl = pl.ds(15 * 640, N - 15 * 640)
        pltpu.sync_copy(agg_sh.at[sl], out_hbm.at[cid].at[sl])

    slc = pl.ds(sid * 640, 640)
    pltpu.sync_copy(cnt_sh.at[slc], indeg_hbm.at[cid].at[slc])


def _mm_body(x_ref, w_ref, b_ref, o_ref):
    h = jnp.dot(x_ref[0], w_ref[0], preferred_element_type=jnp.float32,
                precision=lax.Precision.HIGHEST)
    o_ref[0] = h + b_ref[0]


def _scale_body(x_ref, deg_ref, o_ref):
    s = lax.rsqrt(jnp.maximum(deg_ref[0], 1.0))
    o_ref[0] = x_ref[0] * s


def _mm_call(x2, W2, b2):
    return pl.pallas_call(
        _mm_body,
        grid=(2, N // BLK),
        in_specs=[
            pl.BlockSpec((1, BLK, D), lambda c, i: (c, i, 0)),
            pl.BlockSpec((1, D, D), lambda c, i: (c, 0, 0)),
            pl.BlockSpec((1, 1, D), lambda c, i: (c, 0, 0)),
        ],
        out_specs=pl.BlockSpec((1, BLK, D), lambda c, i: (c, i, 0)),
        out_shape=jax.ShapeDtypeStruct((2, N, D), jnp.float32),
    )(x2, W2, b2.reshape(2, 1, D))


def _scale_call(h2, deg2):
    return pl.pallas_call(
        _scale_body,
        grid=(2, N // BLK),
        in_specs=[
            pl.BlockSpec((1, BLK, D), lambda c, i: (c, i, 0)),
            pl.BlockSpec((1, BLK, 1), lambda c, i: (c, i, 0)),
        ],
        out_specs=pl.BlockSpec((1, BLK, D), lambda c, i: (c, i, 0)),
        out_shape=jax.ShapeDtypeStruct((2, N, D), jnp.float32),
    )(h2, deg2)


def _out_body(a_ref, w_ref, b_ref, deg_ref, o_ref):
    s = lax.rsqrt(jnp.maximum(deg_ref[0], 1.0))
    h = jnp.dot(a_ref[0] * s, w_ref[0], preferred_element_type=jnp.float32,
                precision=lax.Precision.HIGHEST)
    o_ref[0] = h + b_ref[0]


def _out_call(a2, W2, b2, deg2):
    return pl.pallas_call(
        _out_body,
        grid=(2, N // BLK),
        in_specs=[
            pl.BlockSpec((1, BLK, D), lambda c, i: (c, i, 0)),
            pl.BlockSpec((1, D, D), lambda c, i: (c, 0, 0)),
            pl.BlockSpec((1, 1, D), lambda c, i: (c, 0, 0)),
            pl.BlockSpec((1, BLK, 1), lambda c, i: (c, i, 0)),
        ],
        out_specs=pl.BlockSpec((1, BLK, D), lambda c, i: (c, i, 0)),
        out_shape=jax.ShapeDtypeStruct((2, N, D), jnp.float32),
    )(a2, W2, b2.reshape(2, 1, D), deg2)


def kernel(x_user, x_item, edge_index_rates, edge_index_rated_by,
           W_user, b_user, W_item, b_item,
           W_rates, b_rates, W_rated_by, b_rated_by):
    src_r = edge_index_rates[0].astype(jnp.int32)
    dst_r = edge_index_rates[1].astype(jnp.int32)
    src_b = edge_index_rated_by[0].astype(jnp.int32)
    dst_b = edge_index_rated_by[1].astype(jnp.int32)

    def prep(a, pad_val):
        a = a.reshape(NS, EPT)
        a = jnp.pad(a, ((0, 0), (0, EPAD - EPT)), constant_values=pad_val)
        return a.reshape(NS, NB, BW)

    srcB = jnp.stack([prep(src_r, 0), prep(src_b, 0)])
    dstB = jnp.stack([prep(dst_r, PAD_ROW), prep(dst_b, PAD_ROW)])
    srcC = jnp.stack([prep(src_r, PAD_ROW), prep(src_b, PAD_ROW)])

    outdeg_p = _count_call(srcC)
    outdeg = outdeg_p[:, :N]

    x2 = jnp.stack([x_user, x_item])
    W2 = jnp.stack([W_user, W_item])
    b2 = jnp.stack([b_user, b_item])
    h2 = _mm_call(x2, W2, b2)
    feat = _scale_call(h2, outdeg.reshape(2, N, 1))

    agg, indeg_p = _agg_call(srcB, dstB, feat)
    indeg = indeg_p[:, :N]

    Wc = jnp.stack([W_rates, W_rated_by])
    bc = jnp.stack([b_rates, b_rated_by])
    out = _out_call(agg, Wc, bc, indeg.reshape(2, N, 1))

    return (out[1], out[0])

# --- scband reference (transcript-rebuilt; emitter-appended) ---
"""Pipeline reference for scband-hetero-rgcnlayer-88510686036237 (READ-ONLY COPY).

The authoritative reference and input builder live on the scoring server;
editing this copy changes nothing except your own understanding.
"""

import jax, jax.numpy as jnp
import numpy as np

N_USER = 10000
N_ITEM = 10000
E = 320000
D_IN = 128
D_OUT = 128


def setup_inputs(seed: int = 0) -> dict:
    key = jax.random.key(seed)
    ks = jax.random.split(key, 14)
    x_user = jax.random.normal(ks[0], (N_USER, D_IN), dtype=jnp.float32)
    x_item = jax.random.normal(ks[1], (N_ITEM, D_IN), dtype=jnp.float32)
    edge_index_rates = jnp.stack([
        jax.random.randint(ks[2], (E,), 0, N_USER),
        jax.random.randint(ks[3], (E,), 0, N_ITEM),
    ]).astype(jnp.int64)
    edge_index_rated_by = jnp.stack([
        jax.random.randint(ks[4], (E,), 0, N_ITEM),
        jax.random.randint(ks[5], (E,), 0, N_USER),
    ]).astype(jnp.int64)
    s = 1.0 / np.sqrt(D_IN)
    W_user = jax.random.uniform(ks[6], (D_IN, D_OUT), jnp.float32, -s, s)
    b_user = jax.random.uniform(ks[7], (D_OUT,), jnp.float32, -s, s)
    W_item = jax.random.uniform(ks[8], (D_IN, D_OUT), jnp.float32, -s, s)
    b_item = jax.random.uniform(ks[9], (D_OUT,), jnp.float32, -s, s)
    W_rates = jax.random.normal(ks[10], (D_OUT, D_OUT), jnp.float32) * s
    b_rates = jnp.zeros((D_OUT,), jnp.float32)
    W_rated_by = jax.random.normal(ks[11], (D_OUT, D_OUT), jnp.float32) * s
    b_rated_by = jnp.zeros((D_OUT,), jnp.float32)
    return {
        "x_user": x_user, "x_item": x_item,
        "edge_index_rates": edge_index_rates,
        "edge_index_rated_by": edge_index_rated_by,
        "W_user": W_user, "b_user": b_user,
        "W_item": W_item, "b_item": b_item,
        "W_rates": W_rates, "b_rates": b_rates,
        "W_rated_by": W_rated_by, "b_rated_by": b_rated_by,
    }


def _graph_conv_both(edge_index, h_src, n_src, n_dst, W, b):
    # Faithful to dgl.nn.GraphConv(norm='both') on a bipartite block,
    # in_feats == out_feats -> aggregate first, then apply weight.
    src = edge_index[0]
    dst = edge_index[1]
    out_deg = jnp.clip(jnp.bincount(src, length=n_src).astype(jnp.float32), 1.0, None)
    feat = h_src * (out_deg ** -0.5)[:, None]
    msgs = jnp.take(feat, src, axis=0)
    agg = jax.ops.segment_sum(msgs, dst, num_segments=n_dst)
    in_deg = jnp.clip(jnp.bincount(dst, length=n_dst).astype(jnp.float32), 1.0, None)
    agg = agg * (in_deg ** -0.5)[:, None]
    return agg @ W + b


def reference(x_user, x_item, edge_index_rates, edge_index_rated_by,
              W_user, b_user, W_item, b_item,
              W_rates, b_rates, W_rated_by, b_rated_by):
    # Per-node-type linear projection
    h_user = x_user @ W_user + b_user
    h_item = x_item @ W_item + b_item
    # etype ('user', 'rates', 'item'): messages user -> item
    out_item = _graph_conv_both(edge_index_rates, h_user, N_USER, N_ITEM, W_rates, b_rates)
    # etype ('item', 'rated_by', 'user'): messages item -> user
    out_user = _graph_conv_both(edge_index_rated_by, h_item, N_ITEM, N_USER, W_rated_by, b_rated_by)
    # Each dst type receives exactly one etype output; mean over stack of 1 is identity.
    h_new_user = jnp.mean(jnp.stack([out_user], axis=0), axis=0)
    h_new_item = jnp.mean(jnp.stack([out_item], axis=0), axis=0)
    return (h_new_user, h_new_item)

if __name__ == "__main__":
    import jax
    _d = setup_inputs()
    print(jax.jit(kernel)(*tuple(_d.values())))

</pallas_src>

<mosaic_0001>
#map = affine_map<(d0, d1) -> (0, 0, 0, 0)>
#map1 = affine_map<(d0, d1) -> (0, 0, 0)>
#map2 = affine_map<(d0, d1) -> (0, 0)>
module attributes {stable_mosaic.version = 14 : i64} {
  func.func @_agg_call(%arg0: i32, %arg1: i32, %arg2: memref<2x16x160x128xi32, #tpu.memory_space<hbm>>, %arg3: memref<2x16x160x128xi32, #tpu.memory_space<hbm>>, %arg4: memref<2x10000x128xf32, #tpu.memory_space<hbm>>, %arg5: memref<2x10000x128xf32, #tpu.memory_space<hbm>>, %arg6: memref<2x10240xf32, #tpu.memory_space<hbm>>, %arg7: memref<16x128xi32, #tpu.memory_space<vmem>>, %arg8: memref<16x128xi32, #tpu.memory_space<vmem>>, %arg9: memref<128x128xf32, #tpu.memory_space<vmem>>, %arg10: memref<128x128xf32, #tpu.memory_space<vmem>>, %arg11: memref<128xf32, #tpu.memory_space<vmem>>, %arg12: memref<40x128xf32, #tpu.memory_space<vmem>>, %arg13: memref<10240x128xf32, #tpu.memory_space<vmem_shared>>, %arg14: memref<10240xf32, #tpu.memory_space<vmem_shared>>, %arg15: memref<!tpu.dma_semaphore, #tpu.memory_space<semaphore_mem>>, %arg16: memref<!tpu.dma_semaphore, #tpu.memory_space<semaphore_mem>>, %arg17: memref<!tpu.dma_semaphore, #tpu.memory_space<semaphore_mem>>, %arg18: memref<!tpu.dma_semaphore, #tpu.memory_space<semaphore_mem>>, %arg19: memref<!tpu.dma_semaphore, #tpu.memory_space<semaphore_mem>>) attributes {dimension_semantics = [#tpu.dimension_semantics<core_parallel>, #tpu.dimension_semantics<subcore_parallel>], iteration_bounds = array<i64: 2, 16>, scalar_prefetch = 0 : i64, scratch_operands = 13 : i64, tpu.core_type = #tpu.core_type<sc_vector_subcore>, window_params = [{transform_indices = #map}, {transform_indices = #map}, {transform_indices = #map1}, {transform_indices = #map1}, {transform_indices = #map2}]} {
    %scan3A = arith.constant 0 : i32
    %scan3A_0 = arith.constant 0 : i32
    %scan3A_1 = arith.constant 320 : i32
    %scan3A_2 = arith.addi %scan3A_0, %scan3A_1 : i32
    %scan3A_3 = arith.constant 1 : i32
    scf.for %scan3A_37 = %scan3A_0 to %scan3A_2 step %scan3A_3  : i32 {
      %broadcast_in_dim3A = arith.constant 0.000000e+00 : f32
      %broadcast_in_dim3A_38 = vector.broadcast %broadcast_in_dim3A : f32 to vector<16xf32>
      %jit3A = arith.constant 8 : i32
      %div3A = arith.divsi %scan3A_37, %jit3A : i32
      %sign3A = arith.constant 0 : i32
      %sign3A_39 = arith.cmpi sgt, %scan3A_37, %sign3A : i32
      %sign3A_40 = arith.extui %sign3A_39 : i1 to i32
      %sign3A_41 = arith.constant 0 : i32
      %sign3A_42 = arith.cmpi slt, %scan3A_37, %sign3A_41 : i32
      %sign3A_43 = arith.extui %sign3A_42 : i1 to i32
      %sign3A_44 = arith.subi %sign3A_40, %sign3A_43 : i32
      %sign3A_45 = arith.constant 0 : i32
      %sign3A_46 = arith.cmpi sgt, %jit3A, %sign3A_45 : i32
      %sign3A_47 = arith.extui %sign3A_46 : i1 to i32
      %sign3A_48 = arith.constant 0 : i32
      %sign3A_49 = arith.cmpi slt, %jit3A, %sign3A_48 : i32
      %sign3A_50 = arith.extui %sign3A_49 : i1 to i32
      %sign3A_51 = arith.subi %sign3A_47, %sign3A_50 : i32
      %ne3A = arith.cmpi ne, %sign3A_44, %sign3A_51 : i32
      %rem3A = arith.remsi %scan3A_37, %jit3A : i32
      %ne3A_52 = arith.constant 0 : i32
      %ne3A_53 = arith.cmpi ne, %rem3A, %ne3A_52 : i32
      %and3A = arith.andi %ne3A, %ne3A_53 : i1
      %sub3A = arith.constant 1 : i32
      %sub3A_54 = arith.subi %div3A, %sub3A : i32
      %select_n3A = arith.select %and3A, %sub3A_54, %div3A : i32
      %jit3A_55 = arith.constant 8 : i32
      %eq3A_56 = arith.constant 0 : i32
      %eq3A_57 = arith.cmpi eq, %jit3A_55, %eq3A_56 : i32
      %jit3A_58 = arith.constant 1 : i32
      %select_n3A_59 = arith.select %eq3A_57, %jit3A_58, %jit3A_55 : i32
      %rem3A_60 = arith.remsi %scan3A_37, %select_n3A_59 : i32
      %ne3A_61 = arith.constant 0 : i32
      %ne3A_62 = arith.cmpi ne, %rem3A_60, %ne3A_61 : i32
      %lt3A_63 = arith.constant 0 : i32
      %lt3A_64 = arith.cmpi slt, %rem3A_60, %lt3A_63 : i32
      %lt3A_65 = arith.constant 0 : i32
      %lt3A_66 = arith.cmpi slt, %select_n3A_59, %lt3A_65 : i32
      %ne3A_67 = arith.xori %lt3A_64, %lt3A_66 : i1
      %and3A_68 = arith.andi %ne3A_67, %ne3A_62 : i1
      %add3A = arith.addi %rem3A_60, %select_n3A_59 : i32
      %select_n3A_69 = arith.select %and3A_68, %add3A, %rem3A_60 : i32
      %mul3A_70 = arith.constant 16 : i32
      %mul3A_71 = arith.muli %select_n3A_69, %mul3A_70 : i32
      %swap3A = arith.index_cast %select_n3A : i32 to index
      %swap3A_72 = arith.index_cast %mul3A_71 : i32 to index
      %swap3A_73 = tpu.vector_load %arg12[%swap3A, %swap3A_72] {strides = array<i32>} : memref<40x128xf32, #tpu.memory_space<vmem>>, vector<1x16xf32>,
      %swap3A_74 = vector.shape_cast %swap3A_73 : vector<1x16xf32> to vector<16xf32>
      %swap3A_75 = vector.shape_cast %broadcast_in_dim3A_38 : vector<16xf32> to vector<1x16xf32>
      tpu.vector_store %arg12[%swap3A, %swap3A_72], %swap3A_75 {strides = array<i32>} : memref<40x128xf32, #tpu.memory_space<vmem>>, vector<1x16xf32>,
    }
    %scan3A_4 = arith.constant 320 : i32
    %scan3A_5 = arith.constant 0 : i32
    %scan3A_6 = arith.constant 0 : i32
    %scan3A_7 = arith.constant 8 : i32
    %scan3A_8 = arith.addi %scan3A_6, %scan3A_7 : i32
    %scan3A_9 = arith.constant 1 : i32
    scf.for %scan3A_37 = %scan3A_6 to %scan3A_8 step %scan3A_9  : i32 {
      %broadcast_in_dim3A = arith.constant 1.000000e+00 : f32
      %broadcast_in_dim3A_38 = vector.broadcast %broadcast_in_dim3A : f32 to vector<16xf32>
      %mul3A_39 = arith.constant 16 : i32
      %mul3A_40 = arith.muli %scan3A_37, %mul3A_39 : i32
      %swap3A = arith.index_cast %mul3A_40 : i32 to index
      %swap3A_41 = tpu.vector_load %arg11[%swap3A] {strides = array<i32>} : memref<128xf32, #tpu.memory_space<vmem>>, vector<16xf32>,
      %swap3A_42 = vector.shape_cast %swap3A_41 : vector<16xf32> to vector<16xf32>
      %swap3A_43 = vector.shape_cast %broadcast_in_dim3A_38 : vector<16xf32> to vector<16xf32>
      tpu.vector_store %arg11[%swap3A], %swap3A_43 {strides = array<i32>} : memref<128xf32, #tpu.memory_space<vmem>>, vector<16xf32>,
    }
    %scan3A_10 = arith.constant 8 : i32
    %scan3A_11 = arith.constant 0 : i32
    %scan3A_12 = arith.constant 0 : i32
    %scan3A_13 = arith.constant 5 : i32
    %scan3A_14 = arith.addi %scan3A_12, %scan3A_13 : i32
    %scan3A_15 = arith.constant 1 : i32
    scf.for %scan3A_37 = %scan3A_12 to %scan3A_14 step %scan3A_15  : i32 {
      %mul3A_38 = arith.constant 640 : i32
      %mul3A_39 = arith.muli %arg1, %mul3A_38 : i32
      %mul3A_40 = arith.constant 128 : i32
      %mul3A_41 = arith.muli %scan3A_37, %mul3A_40 : i32
      %add3A = arith.addi %mul3A_39, %mul3A_41 : i32
      %run_scoped3A = arith.constant 0 : i32
      "tpu.region"() ({
        %run_scoped3A_42 = tpu.sem_alloc : memref<!tpu.dma_semaphore, #tpu.memory_space<semaphore_mem>>
        %dma_start3A = arith.constant 0 : i32
        %dma_start3A_43 = tpu.memref_slice %arg12[%run_scoped3A, %dma_start3A] : memref<40x128xf32, #tpu.memory_space<vmem>> -> memref<1x128xf32, #tpu.memory_space<vmem>>
        %dma_start3A_44 = tpu.memref_squeeze %dma_start3A_43 : memref<1x128xf32, #tpu.memory_space<vmem>> -> memref<128xf32, #tpu.memory_space<vmem>>
        %dma_start3A_45 = tpu.memref_slice %arg14[%add3A] : memref<10240xf32, #tpu.memory_space<vmem_shared>> -> memref<128xf32, #tpu.memory_space<vmem_shared>>
        %dma_start3A_46 = tpu.memref_slice %arg14[%add3A] : memref<10240xf32, #tpu.memory_space<vmem_shared>> -> memref<128xf32, #tpu.memory_space<vmem_shared>>
        %dma_start3A_47 = arith.constant 0 : i32
        %dma_start3A_48 = tpu.memref_slice %arg12[%run_scoped3A, %dma_start3A_47] : memref<40x128xf32, #tpu.memory_space<vmem>> -> memref<1x128xf32, #tpu.memory_space<vmem>>
        %dma_start3A_49 = tpu.memref_squeeze %dma_start3A_48 : memref<1x128xf32, #tpu.memory_space<vmem>> -> memref<128xf32, #tpu.memory_space<vmem>>
        tpu.enqueue_dma source(%dma_start3A_49 : memref<128xf32, #tpu.memory_space<vmem>>) target(%dma_start3A_46 : memref<128xf32, #tpu.memory_space<vmem_shared>>) target_semaphore(%run_scoped3A_42 : memref<!tpu.dma_semaphore, #tpu.memory_space<semaphore_mem>>)
        %dma_wait3A = arith.constant 0 : i32
        %dma_wait3A_50 = tpu.memref_slice %arg12[%run_scoped3A, %dma_wait3A] : memref<40x128xf32, #tpu.memory_space<vmem>> -> memref<1x128xf32, #tpu.memory_space<vmem>>
        %dma_wait3A_51 = tpu.memref_squeeze %dma_wait3A_50 : memref<1x128xf32, #tpu.memory_space<vmem>> -> memref<128xf32, #tpu.memory_space<vmem>>
        %dma_wait3A_52 = tpu.memref_slice %arg14[%add3A] : memref<10240xf32, #tpu.memory_space<vmem_shared>> -> memref<128xf32, #tpu.memory_space<vmem_shared>>
        %dma_wait3A_53 = tpu.memref_slice %arg14[%add3A] : memref<10240xf32, #tpu.memory_space<vmem_shared>> -> memref<128xf32, #tpu.memory_space<vmem_shared>>
        %dma_wait3A_54 = arith.constant 0 : i32
        %dma_wait3A_55 = tpu.memref_slice %arg12[%run_scoped3A, %dma_wait3A_54] : memref<40x128xf32, #tpu.memory_space<vmem>> -> memref<1x128xf32, #tpu.memory_space<vmem>>
        %dma_wait3A_56 = tpu.memref_squeeze %dma_wait3A_55 : memref<1x128xf32, #tpu.memory_space<vmem>> -> memref<128xf32, #tpu.memory_space<vmem>>
        tpu.wait_dma2 semaphore(%run_scoped3A_42 : memref<!tpu.dma_semaphore, #tpu.memory_space<semaphore_mem>>) src(%dma_wait3A_56 : memref<128xf32, #tpu.memory_space<vmem>>) dst(%dma_wait3A_53 : memref<128xf32, #tpu.memory_space<vmem_shared>>)
        tpu.yield
      }) : () -> ()
    }
    %scan3A_16 = arith.constant 5 : i32
    %scan3A_17 = arith.constant 0 : i32
    %scan3A_18 = arith.constant 0 : i32
    %scan3A_19 = arith.constant 16 : i32
    %scan3A_20 = arith.addi %scan3A_18, %scan3A_19 : i32
    %scan3A_21 = arith.constant 1 : i32
    scf.for %scan3A_37 = %scan3A_18 to %scan3A_20 step %scan3A_21  : i32 {
      %mul3A_38 = arith.constant 640 : i32
      %mul3A_39 = arith.muli %arg1, %mul3A_38 : i32
      %mul3A_40 = arith.constant 40 : i32
      %mul3A_41 = arith.muli %scan3A_37, %mul3A_40 : i32
      %add3A = arith.addi %mul3A_39, %mul3A_41 : i32
      "tpu.region"() ({
        %run_scoped3A = tpu.sem_alloc : memref<!tpu.dma_semaphore, #tpu.memory_space<semaphore_mem>>
        %dma_start3A = arith.constant 0 : i32
        %dma_start3A_42 = tpu.memref_slice %arg13[%add3A, %dma_start3A] : memref<10240x128xf32, #tpu.memory_space<vmem_shared>> -> memref<40x128xf32, #tpu.memory_space<vmem_shared>>
        %dma_start3A_43 = arith.constant 0 : i32
        %dma_start3A_44 = tpu.memref_slice %arg13[%add3A, %dma_start3A_43] : memref<10240x128xf32, #tpu.memory_space<vmem_shared>> -> memref<40x128xf32, #tpu.memory_space<vmem_shared>>
        tpu.enqueue_dma source(%arg12 : memref<40x128xf32, #tpu.memory_space<vmem>>) target(%dma_start3A_44 : memref<40x128xf32, #tpu.memory_space<vmem_shared>>) target_semaphore(%run_scoped3A : memref<!tpu.dma_semaphore, #tpu.memory_space<semaphore_mem>>)
        %dma_wait3A = arith.constant 0 : i32
        %dma_wait3A_45 = tpu.memref_slice %arg13[%add3A, %dma_wait3A] : memref<10240x128xf32, #tpu.memory_space<vmem_shared>> -> memref<40x128xf32, #tpu.memory_space<vmem_shared>>
        %dma_wait3A_46 = arith.constant 0 : i32
        %dma_wait3A_47 = tpu.memref_slice %arg13[%add3A, %dma_wait3A_46] : memref<10240x128xf32, #tpu.memory_space<vmem_shared>> -> memref<40x128xf32, #tpu.memory_space<vmem_shared>>
        tpu.wait_dma2 semaphore(%run_scoped3A : memref<!tpu.dma_semaphore, #tpu.memory_space<semaphore_mem>>) src(%arg12 : memref<40x128xf32, #tpu.memory_space<vmem>>) dst(%dma_wait3A_47 : memref<40x128xf32, #tpu.memory_space<vmem_shared>>)
        tpu.yield
      }) : () -> ()
    }
    %scan3A_22 = arith.constant 16 : i32
    %barrier3A = arith.constant 0 : index
    tpu.barrier barrier_id(%barrier3A)
    %scan3A_23 = arith.constant 0 : i32
    %scan3A_24 = arith.constant 0 : i32
    %scan3A_25 = arith.constant 10 : i32
    %scan3A_26 = arith.addi %scan3A_24, %scan3A_25 : i32
    %scan3A_27 = arith.constant 1 : i32
    scf.for %scan3A_37 = %scan3A_24 to %scan3A_26 step %scan3A_27  : i32 {
      %mul3A_38 = arith.constant 16 : i32
      %mul3A_39 = arith.muli %scan3A_37, %mul3A_38 : i32
      "tpu.region"() ({
        %run_scoped3A = tpu.sem_alloc : memref<!tpu.dma_semaphore, #tpu.memory_space<semaphore_mem>>
        %dma_start3A = arith.constant 0 : i32
        %dma_start3A_48 = tpu.memref_slice %arg2[%arg0, %arg1, %mul3A_39, %dma_start3A] : memref<2x16x160x128xi32, #tpu.memory_space<hbm>> -> memref<1x1x16x128xi32, #tpu.memory_space<hbm>>
        %dma_start3A_49 = tpu.memref_squeeze %dma_start3A_48 : memref<1x1x16x128xi32, #tpu.memory_space<hbm>> -> memref<16x128xi32, #tpu.memory_space<hbm>>
        %dma_start3A_50 = arith.constant 0 : i32
        %dma_start3A_51 = tpu.memref_slice %arg2[%arg0, %arg1, %mul3A_39, %dma_start3A_50] : memref<2x16x160x128xi32, #tpu.memory_space<hbm>> -> memref<1x1x16x128xi32, #tpu.memory_space<hbm>>
        %dma_start3A_52 = tpu.memref_squeeze %dma_start3A_51 : memref<1x1x16x128xi32, #tpu.memory_space<hbm>> -> memref<16x128xi32, #tpu.memory_space<hbm>>
        tpu.enqueue_dma source(%dma_start3A_52 : memref<16x128xi32, #tpu.memory_space<hbm>>) target(%arg7 : memref<16x128xi32, #tpu.memory_space<vmem>>) target_semaphore(%run_scoped3A : memref<!tpu.dma_semaphore, #tpu.memory_space<semaphore_mem>>)
        %dma_wait3A = arith.constant 0 : i32
        %dma_wait3A_53 = tpu.memref_slice %arg2[%arg0, %arg1, %mul3A_39, %dma_wait3A] : memref<2x16x160x128xi32, #tpu.memory_space<hbm>> -> memref<1x1x16x128xi32, #tpu.memory_space<hbm>>
        %dma_wait3A_54 = tpu.memref_squeeze %dma_wait3A_53 : memref<1x1x16x128xi32, #tpu.memory_space<hbm>> -> memref<16x128xi32, #tpu.memory_space<hbm>>
        %dma_wait3A_55 = arith.constant 0 : i32
        %dma_wait3A_56 = tpu.memref_slice %arg2[%arg0, %arg1, %mul3A_39, %dma_wait3A_55] : memref<2x16x160x128xi32, #tpu.memory_space<hbm>> -> memref<1x1x16x128xi32, #tpu.memory_space<hbm>>
        %dma_wait3A_57 = tpu.memref_squeeze %dma_wait3A_56 : memref<1x1x16x128xi32, #tpu.memory_space<hbm>> -> memref<16x128xi32, #tpu.memory_space<hbm>>
        tpu.wait_dma2 semaphore(%run_scoped3A : memref<!tpu.dma_semaphore, #tpu.memory_space<semaphore_mem>>) src(%dma_wait3A_57 : memref<16x128xi32, #tpu.memory_space<hbm>>) dst(%arg7 : memref<16x128xi32, #tpu.memory_space<vmem>>)
        tpu.yield
      }) : () -> ()
      %mul3A_40 = arith.constant 16 : i32
      %mul3A_41 = arith.muli %scan3A_37, %mul3A_40 : i32
      "tpu.region"() ({
        %run_scoped3A = tpu.sem_alloc : memref<!tpu.dma_semaphore, #tpu.memory_space<semaphore_mem>>
        %dma_start3A = arith.constant 0 : i32
        %dma_start3A_48 = tpu.memref_slice %arg3[%arg0, %arg1, %mul3A_41, %dma_start3A] : memref<2x16x160x128xi32, #tpu.memory_space<hbm>> -> memref<1x1x16x128xi32, #tpu.memory_space<hbm>>
        %dma_start3A_49 = tpu.memref_squeeze %dma_start3A_48 : memref<1x1x16x128xi32, #tpu.memory_space<hbm>> -> memref<16x128xi32, #tpu.memory_space<hbm>>
        %dma_start3A_50 = arith.constant 0 : i32
        %dma_start3A_51 = tpu.memref_slice %arg3[%arg0, %arg1, %mul3A_41, %dma_start3A_50] : memref<2x16x160x128xi32, #tpu.memory_space<hbm>> -> memref<1x1x16x128xi32, #tpu.memory_space<hbm>>
        %dma_start3A_52 = tpu.memref_squeeze %dma_start3A_51 : memref<1x1x16x128xi32, #tpu.memory_space<hbm>> -> memref<16x128xi32, #tpu.memory_space<hbm>>
        tpu.enqueue_dma source(%dma_start3A_52 : memref<16x128xi32, #tpu.memory_space<hbm>>) target(%arg8 : memref<16x128xi32, #tpu.memory_space<vmem>>) target_semaphore(%run_scoped3A : memref<!tpu.dma_semaphore, #tpu.memory_space<semaphore_mem>>)
        %dma_wait3A = arith.constant 0 : i32
        %dma_wait3A_53 = tpu.memref_slice %arg3[%arg0, %arg1, %mul3A_41, %dma_wait3A] : memref<2x16x160x128xi32, #tpu.memory_space<hbm>> -> memref<1x1x16x128xi32, #tpu.memory_space<hbm>>
        %dma_wait3A_54 = tpu.memref_squeeze %dma_wait3A_53 : memref<1x1x16x128xi32, #tpu.memory_space<hbm>> -> memref<16x128xi32, #tpu.memory_space<hbm>>
        %dma_wait3A_55 = arith.constant 0 : i32
        %dma_wait3A_56 = tpu.memref_slice %arg3[%arg0, %arg1, %mul3A_41, %dma_wait3A_55] : memref<2x16x160x128xi32, #tpu.memory_space<hbm>> -> memref<1x1x16x128xi32, #tpu.memory_space<hbm>>
        %dma_wait3A_57 = tpu.memref_squeeze %dma_wait3A_56 : memref<1x1x16x128xi32, #tpu.memory_space<hbm>> -> memref<16x128xi32, #tpu.memory_space<hbm>>
        tpu.wait_dma2 semaphore(%run_scoped3A : memref<!tpu.dma_semaphore, #tpu.memory_space<semaphore_mem>>) src(%dma_wait3A_57 : memref<16x128xi32, #tpu.memory_space<hbm>>) dst(%arg8 : memref<16x128xi32, #tpu.memory_space<vmem>>)
        tpu.yield
      }) : () -> ()
      %scan3A_42 = arith.constant 0 : i32
      %scan3A_43 = arith.constant 0 : i32
      %scan3A_44 = arith.constant 8 : i32
      %scan3A_45 = arith.addi %scan3A_43, %scan3A_44 : i32
      %scan3A_46 = arith.constant 1 : i32
      scf.for %scan3A_48 = %scan3A_43 to %scan3A_45 step %scan3A_46  : i32 {
        %mul3A_49 = arith.constant 2 : i32
        %mul3A_50 = arith.muli %scan3A_48, %mul3A_49 : i32
        %add3A = arith.constant 0 : i32
        %add3A_51 = arith.addi %mul3A_50, %add3A : i32
        %dma_start3A = arith.constant 0 : i32
        %dma_start3A_52 = tpu.memref_slice %arg7[%add3A_51, %dma_start3A] : memref<16x128xi32, #tpu.memory_space<vmem>> -> memref<1x128xi32, #tpu.memory_space<vmem>>
        %dma_start3A_53 = tpu.memref_squeeze %dma_start3A_52 : memref<1x128xi32, #tpu.memory_space<vmem>> -> memref<128xi32, #tpu.memory_space<vmem>>
        %dma_start3A_54 = arith.constant 0 : i32
        %dma_start3A_55 = arith.constant 0 : i32
        %dma_start3A_56 = tpu.memref_slice %arg4[%arg0, %dma_start3A_54, %dma_start3A_55] : memref<2x10000x128xf32, #tpu.memory_space<hbm>> -> memref<1x10000x128xf32, #tpu.memory_space<hbm>>
        %dma_start3A_57 = tpu.memref_squeeze %dma_start3A_56 : memref<1x10000x128xf32, #tpu.memory_space<hbm>> -> memref<10000x128xf32, #tpu.memory_space<hbm>>
        %dma_start3A_58 = arith.constant 0 : i32
        %dma_start3A_59 = arith.constant 0 : i32
        %dma_start3A_60 = tpu.memref_slice %dma_start3A_57[%dma_start3A_58, %dma_start3A_59] : memref<10000x128xf32, #tpu.memory_space<hbm>> -> memref<10000x128xf32, #tpu.memory_space<hbm>>
        tpu.enqueue_indirect_dma source(%dma_start3A_60 : memref<10000x128xf32, #tpu.memory_space<hbm>>) target(%arg9 : memref<128x128xf32, #tpu.memory_space<vmem>>) offsets(%dma_start3A_53 : memref<128xi32, #tpu.memory_space<vmem>>) semaphore(%arg15 : memref<!tpu.dma_semaphore, #tpu.memory_space<semaphore_mem>>)
        %add3A_61 = arith.constant 1 : i32
        %add3A_62 = arith.addi %mul3A_50, %add3A_61 : i32
        %dma_start3A_63 = arith.constant 0 : i32
        %dma_start3A_64 = tpu.memref_slice %arg7[%add3A_62, %dma_start3A_63] : memref<16x128xi32, #tpu.memory_space<vmem>> -> memref<1x128xi32, #tpu.memory_space<vmem>>
        %dma_start3A_65 = tpu.memref_squeeze %dma_start3A_64 : memref<1x128xi32, #tpu.memory_space<vmem>> -> memref<128xi32, #tpu.memory_space<vmem>>
        %dma_start3A_66 = arith.constant 0 : i32
        %dma_start3A_67 = arith.constant 0 : i32
        %dma_start3A_68 = tpu.memref_slice %arg4[%arg0, %dma_start3A_66, %dma_start3A_67] : memref<2x10000x128xf32, #tpu.memory_space<hbm>> -> memref<1x10000x128xf32, #tpu.memory_space<hbm>>
        %dma_start3A_69 = tpu.memref_squeeze %dma_start3A_68 : memref<1x10000x128xf32, #tpu.memory_space<hbm>> -> memref<10000x128xf32, #tpu.memory_space<hbm>>
        %dma_start3A_70 = arith.constant 0 : i32
        %dma_start3A_71 = arith.constant 0 : i32
        %dma_start3A_72 = tpu.memref_slice %dma_start3A_69[%dma_start3A_70, %dma_start3A_71] : memref<10000x128xf32, #tpu.memory_space<hbm>> -> memref<10000x128xf32, #tpu.memory_space<hbm>>
        tpu.enqueue_indirect_dma source(%dma_start3A_72 : memref<10000x128xf32, #tpu.memory_space<hbm>>) target(%arg10 : memref<128x128xf32, #tpu.memory_space<vmem>>) offsets(%dma_start3A_65 : memref<128xi32, #tpu.memory_space<vmem>>) semaphore(%arg16 : memref<!tpu.dma_semaphore, #tpu.memory_space<semaphore_mem>>)
        %add3A_73 = arith.constant 0 : i32
        %add3A_74 = arith.addi %mul3A_50, %add3A_73 : i32
        %dma_start3A_75 = arith.constant 0 : i32
        %dma_start3A_76 = tpu.memref_slice %arg8[%add3A_74, %dma_start3A_75] : memref<16x128xi32, #tpu.memory_space<vmem>> -> memref<1x128xi32, #tpu.memory_space<vmem>>
        %dma_start3A_77 = tpu.memref_squeeze %dma_start3A_76 : memref<1x128xi32, #tpu.memory_space<vmem>> -> memref<128xi32, #tpu.memory_space<vmem>>
        %dma_start3A_78 = arith.constant 0 : i32
        %dma_start3A_79 = tpu.memref_slice %arg14[%dma_start3A_78] : memref<10240xf32, #tpu.memory_space<vmem_shared>> -> memref<10240xf32, #tpu.memory_space<vmem_shared>>
        tpu.enqueue_indirect_dma source(%arg11 : memref<128xf32, #tpu.memory_space<vmem>>) target(%dma_start3A_79 : memref<10240xf32, #tpu.memory_space<vmem_shared>>) offsets(%dma_start3A_77 : memref<128xi32, #tpu.memory_space<vmem>>) semaphore(%arg19 : memref<!tpu.dma_semaphore, #tpu.memory_space<semaphore_mem>>) {add = true}
        %add3A_80 = arith.constant 1 : i32
        %add3A_81 = arith.addi %mul3A_50, %add3A_80 : i32
        %dma_start3A_82 = arith.constant 0 : i32
        %dma_start3A_83 = tpu.memref_slice %arg8[%add3A_81, %dma_start3A_82] : memref<16x128xi32, #tpu.memory_space<vmem>> -> memref<1x128xi32, #tpu.memory_space<vmem>>
        %dma_start3A_84 = tpu.memref_squeeze %dma_start3A_83 : memref<1x128xi32, #tpu.memory_space<vmem>> -> memref<128xi32, #tpu.memory_space<vmem>>
        %dma_start3A_85 = arith.constant 0 : i32
        %dma_start3A_86 = tpu.memref_slice %arg14[%dma_start3A_85] : memref<10240xf32, #tpu.memory_space<vmem_shared>> -> memref<10240xf32, #tpu.memory_space<vmem_shared>>
        tpu.enqueue_indirect_dma source(%arg11 : memref<128xf32, #tpu.memory_space<vmem>>) target(%dma_start3A_86 : memref<10240xf32, #tpu.memory_space<vmem_shared>>) offsets(%dma_start3A_84 : memref<128xi32, #tpu.memory_space<vmem>>) semaphore(%arg19 : memref<!tpu.dma_semaphore, #tpu.memory_space<semaphore_mem>>) {add = true}
        %dma_wait3A = arith.constant 0 : i32
        %dma_wait3A_87 = tpu.memref_slice %arg7[%add3A_51, %dma_wait3A] : memref<16x128xi32, #tpu.memory_space<vmem>> -> memref<1x128xi32, #tpu.memory_space<vmem>>
        %dma_wait3A_88 = tpu.memref_squeeze %dma_wait3A_87 : memref<1x128xi32, #tpu.memory_space<vmem>> -> memref<128xi32, #tpu.memory_space<vmem>>
        %dma_wait3A_89 = arith.constant 0 : i32
        %dma_wait3A_90 = arith.constant 0 : i32
        %dma_wait3A_91 = tpu.memref_slice %arg4[%arg0, %dma_wait3A_89, %dma_wait3A_90] : memref<2x10000x128xf32, #tpu.memory_space<hbm>> -> memref<1x10000x128xf32, #tpu.memory_space<hbm>>
        %dma_wait3A_92 = tpu.memref_squeeze %dma_wait3A_91 : memref<1x10000x128xf32, #tpu.memory_space<hbm>> -> memref<10000x128xf32, #tpu.memory_space<hbm>>
        %dma_wait3A_93 = arith.constant 0 : i32
        %dma_wait3A_94 = arith.constant 0 : i32
        %dma_wait3A_95 = tpu.memref_slice %dma_wait3A_92[%dma_wait3A_93, %dma_wait3A_94] : memref<10000x128xf32, #tpu.memory_space<hbm>> -> memref<10000x128xf32, #tpu.memory_space<hbm>>
        tpu.wait_indirect_dma semaphore(%arg15 : memref<!tpu.dma_semaphore, #tpu.memory_space<semaphore_mem>>) src(%dma_wait3A_95 : memref<10000x128xf32, #tpu.memory_space<hbm>>) dst(%arg9 : memref<128x128xf32, #tpu.memory_space<vmem>>)
        %add3A_96 = arith.constant 0 : i32
        %add3A_97 = arith.addi %mul3A_50, %add3A_96 : i32
        %dma_start3A_98 = arith.constant 0 : i32
        %dma_start3A_99 = tpu.memref_slice %arg8[%add3A_97, %dma_start3A_98] : memref<16x128xi32, #tpu.memory_space<vmem>> -> memref<1x128xi32, #tpu.memory_space<vmem>>
        %dma_start3A_100 = tpu.memref_squeeze %dma_start3A_99 : memref<1x128xi32, #tpu.memory_space<vmem>> -> memref<128xi32, #tpu.memory_space<vmem>>
        %dma_start3A_101 = arith.constant 0 : i32
        %dma_start3A_102 = arith.constant 0 : i32
        %dma_start3A_103 = tpu.memref_slice %arg13[%dma_start3A_101, %dma_start3A_102] : memref<10240x128xf32, #tpu.memory_space<vmem_shared>> -> memref<10240x128xf32, #tpu.memory_space<vmem_shared>>
        tpu.enqueue_indirect_dma source(%arg9 : memref<128x128xf32, #tpu.memory_space<vmem>>) target(%dma_start3A_103 : memref<10240x128xf32, #tpu.memory_space<vmem_shared>>) offsets(%dma_start3A_100 : memref<128xi32, #tpu.memory_space<vmem>>) semaphore(%arg17 : memref<!tpu.dma_semaphore, #tpu.memory_space<semaphore_mem>>) {add = true}
        %dma_wait3A_104 = arith.constant 0 : i32
        %dma_wait3A_105 = tpu.memref_slice %arg7[%add3A_62, %dma_wait3A_104] : memref<16x128xi32, #tpu.memory_space<vmem>> -> memref<1x128xi32, #tpu.memory_space<vmem>>
        %dma_wait3A_106 = tpu.memref_squeeze %dma_wait3A_105 : memref<1x128xi32, #tpu.memory_space<vmem>> -> memref<128xi32, #tpu.memory_space<vmem>>
        %dma_wait3A_107 = arith.constant 0 : i32
        %dma_wait3A_108 = arith.constant 0 : i32
        %dma_wait3A_109 = tpu.memref_slice %arg4[%arg0, %dma_wait3A_107, %dma_wait3A_108] : memref<2x10000x128xf32, #tpu.memory_space<hbm>> -> memref<1x10000x128xf32, #tpu.memory_space<hbm>>
        %dma_wait3A_110 = tpu.memref_squeeze %dma_wait3A_109 : memref<1x10000x128xf32, #tpu.memory_space<hbm>> -> memref<10000x128xf32, #tpu.memory_space<hbm>>
        %dma_wait3A_111 = arith.constant 0 : i32
        %dma_wait3A_112 = arith.constant 0 : i32
        %dma_wait3A_113 = tpu.memref_slice %dma_wait3A_110[%dma_wait3A_111, %dma_wait3A_112] : memref<10000x128xf32, #tpu.memory_space<hbm>> -> memref<10000x128xf32, #tpu.memory_space<hbm>>
        tpu.wait_indirect_dma semaphore(%arg16 : memref<!tpu.dma_semaphore, #tpu.memory_space<semaphore_mem>>) src(%dma_wait3A_113 : memref<10000x128xf32, #tpu.memory_space<hbm>>) dst(%arg10 : memref<128x128xf32, #tpu.memory_space<vmem>>)
        %add3A_114 = arith.constant 1 : i32
        %add3A_115 = arith.addi %mul3A_50, %add3A_114 : i32
        %dma_start3A_116 = arith.constant 0 : i32
        %dma_start3A_117 = tpu.memref_slice %arg8[%add3A_115, %dma_start3A_116] : memref<16x128xi32, #tpu.memory_space<vmem>> -> memref<1x128xi32, #tpu.memory_space<vmem>>
        %dma_start3A_118 = tpu.memref_squeeze %dma_start3A_117 : memref<1x128xi32, #tpu.memory_space<vmem>> -> memref<128xi32, #tpu.memory_space<vmem>>
        %dma_start3A_119 = arith.constant 0 : i32
        %dma_start3A_120 = arith.constant 0 : i32
        %dma_start3A_121 = tpu.memref_slice %arg13[%dma_start3A_119, %dma_start3A_120] : memref<10240x128xf32, #tpu.memory_space<vmem_shared>> -> memref<10240x128xf32, #tpu.memory_space<vmem_shared>>
        tpu.enqueue_indirect_dma source(%arg10 : memref<128x128xf32, #tpu.memory_space<vmem>>) target(%dma_start3A_121 : memref<10240x128xf32, #tpu.memory_space<vmem_shared>>) offsets(%dma_start3A_118 : memref<128xi32, #tpu.memory_space<vmem>>) semaphore(%arg18 : memref<!tpu.dma_semaphore, #tpu.memory_space<semaphore_mem>>) {add = true}
        %dma_wait3A_122 = arith.constant 0 : i32
        %dma_wait3A_123 = tpu.memref_slice %arg8[%add3A_97, %dma_wait3A_122] : memref<16x128xi32, #tpu.memory_space<vmem>> -> memref<1x128xi32, #tpu.memory_space<vmem>>
        %dma_wait3A_124 = tpu.memref_squeeze %dma_wait3A_123 : memref<1x128xi32, #tpu.memory_space<vmem>> -> memref<128xi32, #tpu.memory_space<vmem>>
        %dma_wait3A_125 = arith.constant 0 : i32
        %dma_wait3A_126 = arith.constant 0 : i32
        %dma_wait3A_127 = tpu.memref_slice %arg13[%dma_wait3A_125, %dma_wait3A_126] : memref<10240x128xf32, #tpu.memory_space<vmem_shared>> -> memref<10240x128xf32, #tpu.memory_space<vmem_shared>>
        tpu.wait_indirect_dma semaphore(%arg17 : memref<!tpu.dma_semaphore, #tpu.memory_space<semaphore_mem>>) src(%arg9 : memref<128x128xf32, #tpu.memory_space<vmem>>) dst(%dma_wait3A_127 : memref<10240x128xf32, #tpu.memory_space<vmem_shared>>)
        %dma_wait3A_128 = arith.constant 0 : i32
        %dma_wait3A_129 = tpu.memref_slice %arg8[%add3A_74, %dma_wait3A_128] : memref<16x128xi32, #tpu.memory_space<vmem>> -> memref<1x128xi32, #tpu.memory_space<vmem>>
        %dma_wait3A_130 = tpu.memref_squeeze %dma_wait3A_129 : memref<1x128xi32, #tpu.memory_space<vmem>> -> memref<128xi32, #tpu.memory_space<vmem>>
        %dma_wait3A_131 = arith.constant 0 : i32
        %dma_wait3A_132 = tpu.memref_slice %arg14[%dma_wait3A_131] : memref<10240xf32, #tpu.memory_space<vmem_shared>> -> memref<10240xf32, #tpu.memory_space<vmem_shared>>
        tpu.wait_indirect_dma semaphore(%arg19 : memref<!tpu.dma_semaphore, #tpu.memory_space<semaphore_mem>>) src(%arg11 : memref<128xf32, #tpu.memory_space<vmem>>) dst(%dma_wait3A_132 : memref<10240xf32, #tpu.memory_space<vmem_shared>>)
        %dma_wait3A_133 = arith.constant 0 : i32
        %dma_wait3A_134 = tpu.memref_slice %arg8[%add3A_115, %dma_wait3A_133] : memref<16x128xi32, #tpu.memory_space<vmem>> -> memref<1x128xi32, #tpu.memory_space<vmem>>
        %dma_wait3A_135 = tpu.memref_squeeze %dma_wait3A_134 : memref<1x128xi32, #tpu.memory_space<vmem>> -> memref<128xi32, #tpu.memory_space<vmem>>
        %dma_wait3A_136 = arith.constant 0 : i32
        %dma_wait3A_137 = arith.constant 0 : i32
        %dma_wait3A_138 = tpu.memref_slice %arg13[%dma_wait3A_136, %dma_wait3A_137] : memref<10240x128xf32, #tpu.memory_space<vmem_shared>> -> memref<10240x128xf32, #tpu.memory_space<vmem_shared>>
        tpu.wait_indirect_dma semaphore(%arg18 : memref<!tpu.dma_semaphore, #tpu.memory_space<semaphore_mem>>) src(%arg10 : memref<128x128xf32, #tpu.memory_space<vmem>>) dst(%dma_wait3A_138 : memref<10240x128xf32, #tpu.memory_space<vmem_shared>>)
        %dma_wait3A_139 = arith.constant 0 : i32
        %dma_wait3A_140 = tpu.memref_slice %arg8[%add3A_81, %dma_wait3A_139] : memref<16x128xi32, #tpu.memory_space<vmem>> -> memref<1x128xi32, #tpu.memory_space<vmem>>
        %dma_wait3A_141 = tpu.memref_squeeze %dma_wait3A_140 : memref<1x128xi32, #tpu.memory_space<vmem>> -> memref<128xi32, #tpu.memory_space<vmem>>
        %dma_wait3A_142 = arith.constant 0 : i32
        %dma_wait3A_143 = tpu.memref_slice %arg14[%dma_wait3A_142] : memref<10240xf32, #tpu.memory_space<vmem_shared>> -> memref<10240xf32, #tpu.memory_space<vmem_shared>>
        tpu.wait_indirect_dma semaphore(%arg19 : memref<!tpu.dma_semaphore, #tpu.memory_space<semaphore_mem>>) src(%arg11 : memref<128xf32, #tpu.memory_space<vmem>>) dst(%dma_wait3A_143 : memref<10240xf32, #tpu.memory_space<vmem_shared>>)
      }
      %scan3A_47 = arith.constant 8 : i32
    }
    %scan3A_28 = arith.constant 10 : i32
    %barrier3A_29 = arith.constant 0 : index
    tpu.barrier barrier_id(%barrier3A_29)
    %lt3A = arith.constant 15 : i32
    %lt3A_30 = arith.cmpi slt, %arg1, %lt3A : i32
    %convert_element_type3A = arith.extui %lt3A_30 : i1 to i32
    %cond3A = arith.constant 0 : i32
    %cond3A_31 = arith.cmpi ne, %convert_element_type3A, %cond3A : i32
    scf.if %cond3A_31 {
      %mul3A_37 = arith.constant 640 : i32
      %mul3A_38 = arith.muli %arg1, %mul3A_37 : i32
      "tpu.region"() ({
        %run_scoped3A = tpu.sem_alloc : memref<!tpu.dma_semaphore, #tpu.memory_space<semaphore_mem>>
        %dma_start3A = arith.constant 0 : i32
        %dma_start3A_39 = arith.constant 0 : i32
        %dma_start3A_40 = tpu.memref_slice %arg5[%arg0, %dma_start3A, %dma_start3A_39] : memref<2x10000x128xf32, #tpu.memory_space<hbm>> -> memref<1x10000x128xf32, #tpu.memory_space<hbm>>
        %dma_start3A_41 = tpu.memref_squeeze %dma_start3A_40 : memref<1x10000x128xf32, #tpu.memory_space<hbm>> -> memref<10000x128xf32, #tpu.memory_space<hbm>>
        %dma_start3A_42 = arith.constant 0 : i32
        %dma_start3A_43 = tpu.memref_slice %dma_start3A_41[%mul3A_38, %dma_start3A_42] : memref<10000x128xf32, #tpu.memory_space<hbm>> -> memref<640x128xf32, #tpu.memory_space<hbm>>
        %dma_start3A_44 = arith.constant 0 : i32
        %dma_start3A_45 = tpu.memref_slice %arg13[%mul3A_38, %dma_start3A_44] : memref<10240x128xf32, #tpu.memory_space<vmem_shared>> -> memref<640x128xf32, #tpu.memory_space<vmem_shared>>
        tpu.enqueue_dma source(%dma_start3A_45 : memref<640x128xf32, #tpu.memory_space<vmem_shared>>) target(%dma_start3A_43 : memref<640x128xf32, #tpu.memory_space<hbm>>) target_semaphore(%run_scoped3A : memref<!tpu.dma_semaphore, #tpu.memory_space<semaphore_mem>>)
        %dma_wait3A = arith.constant 0 : i32
        %dma_wait3A_46 = arith.constant 0 : i32
        %dma_wait3A_47 = tpu.memref_slice %arg5[%arg0, %dma_wait3A, %dma_wait3A_46] : memref<2x10000x128xf32, #tpu.memory_space<hbm>> -> memref<1x10000x128xf32, #tpu.memory_space<hbm>>
        %dma_wait3A_48 = tpu.memref_squeeze %dma_wait3A_47 : memref<1x10000x128xf32, #tpu.memory_space<hbm>> -> memref<10000x128xf32, #tpu.memory_space<hbm>>
        %dma_wait3A_49 = arith.constant 0 : i32
        %dma_wait3A_50 = tpu.memref_slice %dma_wait3A_48[%mul3A_38, %dma_wait3A_49] : memref<10000x128xf32, #tpu.memory_space<hbm>> -> memref<640x128xf32, #tpu.memory_space<hbm>>
        %dma_wait3A_51 = arith.constant 0 : i32
        %dma_wait3A_52 = tpu.memref_slice %arg13[%mul3A_38, %dma_wait3A_51] : memref<10240x128xf32, #tpu.memory_space<vmem_shared>> -> memref<640x128xf32, #tpu.memory_space<vmem_shared>>
        tpu.wait_dma2 semaphore(%run_scoped3A : memref<!tpu.dma_semaphore, #tpu.memory_space<semaphore_mem>>) src(%dma_wait3A_52 : memref<640x128xf32, #tpu.memory_space<vmem_shared>>) dst(%dma_wait3A_50 : memref<640x128xf32, #tpu.memory_space<hbm>>)
        tpu.yield
      }) : () -> ()
    } else {
    }
    %eq3A = arith.constant 15 : i32
    %eq3A_32 = arith.cmpi eq, %arg1, %eq3A : i32
    %convert_element_type3A_33 = arith.extui %eq3A_32 : i1 to i32
    %cond3A_34 = arith.constant 0 : i32
    %cond3A_35 = arith.cmpi ne, %convert_element_type3A_33, %cond3A_34 : i32
    scf.if %cond3A_35 {
      "tpu.region"() ({
        %run_scoped3A = tpu.sem_alloc : memref<!tpu.dma_semaphore, #tpu.memory_space<semaphore_mem>>
        %dma_start3A = arith.constant 0 : i32
        %dma_start3A_37 = arith.constant 0 : i32
        %dma_start3A_38 = tpu.memref_slice %arg5[%arg0, %dma_start3A, %dma_start3A_37] : memref<2x10000x128xf32, #tpu.memory_space<hbm>> -> memref<1x10000x128xf32, #tpu.memory_space<hbm>>
        %dma_start3A_39 = tpu.memref_squeeze %dma_start3A_38 : memref<1x10000x128xf32, #tpu.memory_space<hbm>> -> memref<10000x128xf32, #tpu.memory_space<hbm>>
        %dma_start3A_40 = arith.constant 9600 : i32
        %dma_start3A_41 = arith.constant 0 : i32
        %dma_start3A_42 = tpu.memref_slice %dma_start3A_39[%dma_start3A_40, %dma_start3A_41] : memref<10000x128xf32, #tpu.memory_space<hbm>> -> memref<400x128xf32, #tpu.memory_space<hbm>>
        %dma_start3A_43 = arith.constant 9600 : i32
        %dma_start3A_44 = arith.constant 0 : i32
        %dma_start3A_45 = tpu.memref_slice %arg13[%dma_start3A_43, %dma_start3A_44] : memref<10240x128xf32, #tpu.memory_space<vmem_shared>> -> memref<400x128xf32, #tpu.memory_space<vmem_shared>>
        tpu.enqueue_dma source(%dma_start3A_45 : memref<400x128xf32, #tpu.memory_space<vmem_shared>>) target(%dma_start3A_42 : memref<400x128xf32, #tpu.memory_space<hbm>>) target_semaphore(%run_scoped3A : memref<!tpu.dma_semaphore, #tpu.memory_space<semaphore_mem>>)
        %dma_wait3A = arith.constant 0 : i32
        %dma_wait3A_46 = arith.constant 0 : i32
        %dma_wait3A_47 = tpu.memref_slice %arg5[%arg0, %dma_wait3A, %dma_wait3A_46] : memref<2x10000x128xf32, #tpu.memory_space<hbm>> -> memref<1x10000x128xf32, #tpu.memory_space<hbm>>
        %dma_wait3A_48 = tpu.memref_squeeze %dma_wait3A_47 : memref<1x10000x128xf32, #tpu.memory_space<hbm>> -> memref<10000x128xf32, #tpu.memory_space<hbm>>
        %dma_wait3A_49 = arith.constant 9600 : i32
        %dma_wait3A_50 = arith.constant 0 : i32
        %dma_wait3A_51 = tpu.memref_slice %dma_wait3A_48[%dma_wait3A_49, %dma_wait3A_50] : memref<10000x128xf32, #tpu.memory_space<hbm>> -> memref<400x128xf32, #tpu.memory_space<hbm>>
        %dma_wait3A_52 = arith.constant 9600 : i32
        %dma_wait3A_53 = arith.constant 0 : i32
        %dma_wait3A_54 = tpu.memref_slice %arg13[%dma_wait3A_52, %dma_wait3A_53] : memref<10240x128xf32, #tpu.memory_space<vmem_shared>> -> memref<400x128xf32, #tpu.memory_space<vmem_shared>>
        tpu.wait_dma2 semaphore(%run_scoped3A : memref<!tpu.dma_semaphore, #tpu.memory_space<semaphore_mem>>) src(%dma_wait3A_54 : memref<400x128xf32, #tpu.memory_space<vmem_shared>>) dst(%dma_wait3A_51 : memref<400x128xf32, #tpu.memory_space<hbm>>)
        tpu.yield
      }) : () -> ()
    } else {
    }
    %mul3A = arith.constant 640 : i32
    %mul3A_36 = arith.muli %arg1, %mul3A : i32
    "tpu.region"() ({
      %run_scoped3A = tpu.sem_alloc : memref<!tpu.dma_semaphore, #tpu.memory_space<semaphore_mem>>
      %dma_start3A = arith.constant 0 : i32
      %dma_start3A_37 = tpu.memref_slice %arg6[%arg0, %dma_start3A] : memref<2x10240xf32, #tpu.memory_space<hbm>> -> memref<1x10240xf32, #tpu.memory_space<hbm>>
      %dma_start3A_38 = tpu.memref_squeeze %dma_start3A_37 : memref<1x10240xf32, #tpu.memory_space<hbm>> -> memref<10240xf32, #tpu.memory_space<hbm>>
      %dma_start3A_39 = tpu.memref_slice %dma_start3A_38[%mul3A_36] : memref<10240xf32, #tpu.memory_space<hbm>> -> memref<640xf32, #tpu.memory_space<hbm>>
      %dma_start3A_40 = tpu.memref_slice %arg14[%mul3A_36] : memref<10240xf32, #tpu.memory_space<vmem_shared>> -> memref<640xf32, #tpu.memory_space<vmem_shared>>
      tpu.enqueue_dma source(%dma_start3A_40 : memref<640xf32, #tpu.memory_space<vmem_shared>>) target(%dma_start3A_39 : memref<640xf32, #tpu.memory_space<hbm>>) target_semaphore(%run_scoped3A : memref<!tpu.dma_semaphore, #tpu.memory_space<semaphore_mem>>)
      %dma_wait3A = arith.constant 0 : i32
      %dma_wait3A_41 = tpu.memref_slice %arg6[%arg0, %dma_wait3A] : memref<2x10240xf32, #tpu.memory_space<hbm>> -> memref<1x10240xf32, #tpu.memory_space<hbm>>
      %dma_wait3A_42 = tpu.memref_squeeze %dma_wait3A_41 : memref<1x10240xf32, #tpu.memory_space<hbm>> -> memref<10240xf32, #tpu.memory_space<hbm>>
      %dma_wait3A_43 = tpu.memref_slice %dma_wait3A_42[%mul3A_36] : memref<10240xf32, #tpu.memory_space<hbm>> -> memref<640xf32, #tpu.memory_space<hbm>>
      %dma_wait3A_44 = tpu.memref_slice %arg14[%mul3A_36] : memref<10240xf32, #tpu.memory_space<vmem_shared>> -> memref<640xf32, #tpu.memory_space<vmem_shared>>
      tpu.wait_dma2 semaphore(%run_scoped3A : memref<!tpu.dma_semaphore, #tpu.memory_space<semaphore_mem>>) src(%dma_wait3A_44 : memref<640xf32, #tpu.memory_space<vmem_shared>>) dst(%dma_wait3A_43 : memref<640xf32, #tpu.memory_space<hbm>>)
      tpu.yield
    }) : () -> ()
    return
  }
}

#map = affine_map<(d0, d1) -> (0, 0, 0, 0)>
#map1 = affine_map<(d0, d1) -> (0, 0)>
module attributes {stable_mosaic.version = 14 : i64} {
  func.func @_count_call(%arg0: i32, %arg1: i32, %arg2: memref<2x16x160x128xi32, #tpu.memory_space<hbm>>, %arg3: memref<2x10240xf32, #tpu.memory_space<hbm>>, %arg4: memref<16x128xi32, #tpu.memory_space<vmem>>, %arg5: memref<128xf32, #tpu.memory_space<vmem>>, %arg6: memref<640xf32, #tpu.memory_space<vmem>>, %arg7: memref<10240xf32, #tpu.memory_space<vmem_shared>>, %arg8: memref<!tpu.dma_semaphore, #tpu.memory_space<semaphore_mem>>) attributes {dimension_semantics = [#tpu.dimension_semantics<core_parallel>, #tpu.dimension_semantics<subcore_parallel>], iteration_bounds = array<i64: 2, 16>, scalar_prefetch = 0 : i64, scratch_operands = 5 : i64, tpu.core_type = #tpu.core_type<sc_vector_subcore>, window_params = [{transform_indices = #map}, {transform_indices = #map1}]} {
    %scan3A = arith.constant 0 : i32
    %scan3A_0 = arith.constant 0 : i32
    %scan3A_1 = arith.constant 8 : i32
    %scan3A_2 = arith.addi %scan3A_0, %scan3A_1 : i32
    %scan3A_3 = arith.constant 1 : i32
    scf.for %scan3A_21 = %scan3A_0 to %scan3A_2 step %scan3A_3  : i32 {
      %broadcast_in_dim3A = arith.constant 1.000000e+00 : f32
      %broadcast_in_dim3A_22 = vector.broadcast %broadcast_in_dim3A : f32 to vector<16xf32>
      %mul3A_23 = arith.constant 16 : i32
      %mul3A_24 = arith.muli %scan3A_21, %mul3A_23 : i32
      %swap3A = arith.index_cast %mul3A_24 : i32 to index
      %swap3A_25 = tpu.vector_load %arg5[%swap3A] {strides = array<i32>} : memref<128xf32, #tpu.memory_space<vmem>>, vector<16xf32>,
      %swap3A_26 = vector.shape_cast %swap3A_25 : vector<16xf32> to vector<16xf32>
      %swap3A_27 = vector.shape_cast %broadcast_in_dim3A_22 : vector<16xf32> to vector<16xf32>
      tpu.vector_store %arg5[%swap3A], %swap3A_27 {strides = array<i32>} : memref<128xf32, #tpu.memory_space<vmem>>, vector<16xf32>,
    }
    %scan3A_4 = arith.constant 8 : i32
    %scan3A_5 = arith.constant 0 : i32
    %scan3A_6 = arith.constant 0 : i32
    %scan3A_7 = arith.constant 40 : i32
    %scan3A_8 = arith.addi %scan3A_6, %scan3A_7 : i32
    %scan3A_9 = arith.constant 1 : i32
    scf.for %scan3A_21 = %scan3A_6 to %scan3A_8 step %scan3A_9  : i32 {
      %broadcast_in_dim3A = arith.constant 0.000000e+00 : f32
      %broadcast_in_dim3A_22 = vector.broadcast %broadcast_in_dim3A : f32 to vector<16xf32>
      %mul3A_23 = arith.constant 16 : i32
      %mul3A_24 = arith.muli %scan3A_21, %mul3A_23 : i32
      %swap3A = arith.index_cast %mul3A_24 : i32 to index
      %swap3A_25 = tpu.vector_load %arg6[%swap3A] {strides = array<i32>} : memref<640xf32, #tpu.memory_space<vmem>>, vector<16xf32>,
      %swap3A_26 = vector.shape_cast %swap3A_25 : vector<16xf32> to vector<16xf32>
      %swap3A_27 = vector.shape_cast %broadcast_in_dim3A_22 : vector<16xf32> to vector<16xf32>
      tpu.vector_store %arg6[%swap3A], %swap3A_27 {strides = array<i32>} : memref<640xf32, #tpu.memory_space<vmem>>, vector<16xf32>,
    }
    %scan3A_10 = arith.constant 40 : i32
    %mul3A = arith.constant 640 : i32
    %mul3A_11 = arith.muli %arg1, %mul3A : i32
    "tpu.region"() ({
      %run_scoped3A = tpu.sem_alloc : memref<!tpu.dma_semaphore, #tpu.memory_space<semaphore_mem>>
      %dma_start3A = tpu.memref_slice %arg7[%mul3A_11] : memref<10240xf32, #tpu.memory_space<vmem_shared>> -> memref<640xf32, #tpu.memory_space<vmem_shared>>
      %dma_start3A_21 = tpu.memref_slice %arg7[%mul3A_11] : memref<10240xf32, #tpu.memory_space<vmem_shared>> -> memref<640xf32, #tpu.memory_space<vmem_shared>>
      tpu.enqueue_dma source(%arg6 : memref<640xf32, #tpu.memory_space<vmem>>) target(%dma_start3A_21 : memref<640xf32, #tpu.memory_space<vmem_shared>>) target_semaphore(%run_scoped3A : memref<!tpu.dma_semaphore, #tpu.memory_space<semaphore_mem>>)
      %dma_wait3A = tpu.memref_slice %arg7[%mul3A_11] : memref<10240xf32, #tpu.memory_space<vmem_shared>> -> memref<640xf32, #tpu.memory_space<vmem_shared>>
      %dma_wait3A_22 = tpu.memref_slice %arg7[%mul3A_11] : memref<10240xf32, #tpu.memory_space<vmem_shared>> -> memref<640xf32, #tpu.memory_space<vmem_shared>>
      tpu.wait_dma2 semaphore(%run_scoped3A : memref<!tpu.dma_semaphore, #tpu.memory_space<semaphore_mem>>) src(%arg6 : memref<640xf32, #tpu.memory_space<vmem>>) dst(%dma_wait3A_22 : memref<640xf32, #tpu.memory_space<vmem_shared>>)
      tpu.yield
    }) : () -> ()
    %barrier3A = arith.constant 0 : index
    tpu.barrier barrier_id(%barrier3A)
    %scan3A_12 = arith.constant 0 : i32
    %scan3A_13 = arith.constant 0 : i32
    %scan3A_14 = arith.constant 10 : i32
    %scan3A_15 = arith.addi %scan3A_13, %scan3A_14 : i32
    %scan3A_16 = arith.constant 1 : i32
    scf.for %scan3A_21 = %scan3A_13 to %scan3A_15 step %scan3A_16  : i32 {
      %mul3A_22 = arith.constant 16 : i32
      %mul3A_23 = arith.muli %scan3A_21, %mul3A_22 : i32
      "tpu.region"() ({
        %run_scoped3A = tpu.sem_alloc : memref<!tpu.dma_semaphore, #tpu.memory_space<semaphore_mem>>
        %dma_start3A_214 = arith.constant 0 : i32
        %dma_start3A_215 = tpu.memref_slice %arg2[%arg0, %arg1, %mul3A_23, %dma_start3A_214] : memref<2x16x160x128xi32, #tpu.memory_space<hbm>> -> memref<1x1x16x128xi32, #tpu.memory_space<hbm>>
        %dma_start3A_216 = tpu.memref_squeeze %dma_start3A_215 : memref<1x1x16x128xi32, #tpu.memory_space<hbm>> -> memref<16x128xi32, #tpu.memory_space<hbm>>
        %dma_start3A_217 = arith.constant 0 : i32
        %dma_start3A_218 = tpu.memref_slice %arg2[%arg0, %arg1, %mul3A_23, %dma_start3A_217] : memref<2x16x160x128xi32, #tpu.memory_space<hbm>> -> memref<1x1x16x128xi32, #tpu.memory_space<hbm>>
        %dma_start3A_219 = tpu.memref_squeeze %dma_start3A_218 : memref<1x1x16x128xi32, #tpu.memory_space<hbm>> -> memref<16x128xi32, #tpu.memory_space<hbm>>
        tpu.enqueue_dma source(%dma_start3A_219 : memref<16x128xi32, #tpu.memory_space<hbm>>) target(%arg4 : memref<16x128xi32, #tpu.memory_space<vmem>>) target_semaphore(%run_scoped3A : memref<!tpu.dma_semaphore, #tpu.memory_space<semaphore_mem>>)
        %dma_wait3A_220 = arith.constant 0 : i32
        %dma_wait3A_221 = tpu.memref_slice %arg2[%arg0, %arg1, %mul3A_23, %dma_wait3A_220] : memref<2x16x160x128xi32, #tpu.memory_space<hbm>> -> memref<1x1x16x128xi32, #tpu.memory_space<hbm>>
        %dma_wait3A_222 = tpu.memref_squeeze %dma_wait3A_221 : memref<1x1x16x128xi32, #tpu.memory_space<hbm>> -> memref<16x128xi32, #tpu.memory_space<hbm>>
        %dma_wait3A_223 = arith.constant 0 : i32
        %dma_wait3A_224 = tpu.memref_slice %arg2[%arg0, %arg1, %mul3A_23, %dma_wait3A_223] : memref<2x16x160x128xi32, #tpu.memory_space<hbm>> -> memref<1x1x16x128xi32, #tpu.memory_space<hbm>>
        %dma_wait3A_225 = tpu.memref_squeeze %dma_wait3A_224 : memref<1x1x16x128xi32, #tpu.memory_space<hbm>> -> memref<16x128xi32, #tpu.memory_space<hbm>>
        tpu.wait_dma2 semaphore(%run_scoped3A : memref<!tpu.dma_semaphore, #tpu.memory_space<semaphore_mem>>) src(%dma_wait3A_225 : memref<16x128xi32, #tpu.memory_space<hbm>>) dst(%arg4 : memref<16x128xi32, #tpu.memory_space<vmem>>)
        tpu.yield
      }) : () -> ()
      %dma_start3A = arith.constant 0 : i32
      %dma_start3A_24 = arith.constant 0 : i32
      %dma_start3A_25 = tpu.memref_slice %arg4[%dma_start3A, %dma_start3A_24] : memref<16x128xi32, #tpu.memory_space<vmem>> -> memref<1x128xi32, #tpu.memory_space<vmem>>
      %dma_start3A_26 = tpu.memref_squeeze %dma_start3A_25 : memref<1x128xi32, #tpu.memory_space<vmem>> -> memref<128xi32, #tpu.memory_space<vmem>>
      %dma_start3A_27 = arith.constant 0 : i32
      %dma_start3A_28 = tpu.memref_slice %arg7[%dma_start3A_27] : memref<10240xf32, #tpu.memory_space<vmem_shared>> -> memref<10240xf32, #tpu.memory_space<vmem_shared>>
      tpu.enqueue_indirect_dma source(%arg5 : memref<128xf32, #tpu.memory_space<vmem>>) target(%dma_start3A_28 : memref<10240xf32, #tpu.memory_space<vmem_shared>>) offsets(%dma_start3A_26 : memref<128xi32, #tpu.memory_space<vmem>>) semaphore(%arg8 : memref<!tpu.dma_semaphore, #tpu.memory_space<semaphore_mem>>) {add = true}
      %dma_start3A_29 = arith.constant 1 : i32
      %dma_start3A_30 = arith.constant 0 : i32
      %dma_start3A_31 = tpu.memref_slice %arg4[%dma_start3A_29, %dma_start3A_30] : memref<16x128xi32, #tpu.memory_space<vmem>> -> memref<1x128xi32, #tpu.memory_space<vmem>>
      %dma_start3A_32 = tpu.memref_squeeze %dma_start3A_31 : memref<1x128xi32, #tpu.memory_space<vmem>> -> memref<128xi32, #tpu.memory_space<vmem>>
      %dma_start3A_33 = arith.constant 0 : i32
      %dma_start3A_34 = tpu.memref_slice %arg7[%dma_start3A_33] : memref<10240xf32, #tpu.memory_space<vmem_shared>> -> memref<10240xf32, #tpu.memory_space<vmem_shared>>
      tpu.enqueue_indirect_dma source(%arg5 : memref<128xf32, #tpu.memory_space<vmem>>) target(%dma_start3A_34 : memref<10240xf32, #tpu.memory_space<vmem_shared>>) offsets(%dma_start3A_32 : memref<128xi32, #tpu.memory_space<vmem>>) semaphore(%arg8 : memref<!tpu.dma_semaphore, #tpu.memory_space<semaphore_mem>>) {add = true}
      %dma_start3A_35 = arith.constant 2 : i32
      %dma_start3A_36 = arith.constant 0 : i32
      %dma_start3A_37 = tpu.memref_slice %arg4[%dma_start3A_35, %dma_start3A_36] : memref<16x128xi32, #tpu.memory_space<vmem>> -> memref<1x128xi32, #tpu.memory_space<vmem>>
      %dma_start3A_38 = tpu.memref_squeeze %dma_start3A_37 : memref<1x128xi32, #tpu.memory_space<vmem>> -> memref<128xi32, #tpu.memory_space<vmem>>
      %dma_start3A_39 = arith.constant 0 : i32
      %dma_start3A_40 = tpu.memref_slice %arg7[%dma_start3A_39] : memref<10240xf32, #tpu.memory_space<vmem_shared>> -> memref<10240xf32, #tpu.memory_space<vmem_shared>>
      tpu.enqueue_indirect_dma source(%arg5 : memref<128xf32, #tpu.memory_space<vmem>>) target(%dma_start3A_40 : memref<10240xf32, #tpu.memory_space<vmem_shared>>) offsets(%dma_start3A_38 : memref<128xi32, #tpu.memory_space<vmem>>) semaphore(%arg8 : memref<!tpu.dma_semaphore, #tpu.memory_space<semaphore_mem>>) {add = true}
      %dma_start3A_41 = arith.constant 3 : i32
      %dma_start3A_42 = arith.constant 0 : i32
      %dma_start3A_43 = tpu.memref_slice %arg4[%dma_start3A_41, %dma_start3A_42] : memref<16x128xi32, #tpu.memory_space<vmem>> -> memref<1x128xi32, #tpu.memory_space<vmem>>
      %dma_start3A_44 = tpu.memref_squeeze %dma_start3A_43 : memref<1x128xi32, #tpu.memory_space<vmem>> -> memref<128xi32, #tpu.memory_space<vmem>>
      %dma_start3A_45 = arith.constant 0 : i32
      %dma_start3A_46 = tpu.memref_slice %arg7[%dma_start3A_45] : memref<10240xf32, #tpu.memory_space<vmem_shared>> -> memref<10240xf32, #tpu.memory_space<vmem_shared>>
      tpu.enqueue_indirect_dma source(%arg5 : memref<128xf32, #tpu.memory_space<vmem>>) target(%dma_start3A_46 : memref<10240xf32, #tpu.memory_space<vmem_shared>>) offsets(%dma_start3A_44 : memref<128xi32, #tpu.memory_space<vmem>>) semaphore(%arg8 : memref<!tpu.dma_semaphore, #tpu.memory_space<semaphore_mem>>) {add = true}
      %dma_start3A_47 = arith.constant 4 : i32
      %dma_start3A_48 = arith.constant 0 : i32
      %dma_start3A_49 = tpu.memref_slice %arg4[%dma_start3A_47, %dma_start3A_48] : memref<16x128xi32, #tpu.memory_space<vmem>> -> memref<1x128xi32, #tpu.memory_space<vmem>>
      %dma_start3A_50 = tpu.memref_squeeze %dma_start3A_49 : memref<1x128xi32, #tpu.memory_space<vmem>> -> memref<128xi32, #tpu.memory_space<vmem>>
      %dma_start3A_51 = arith.constant 0 : i32
      %dma_start3A_52 = tpu.memref_slice %arg7[%dma_start3A_51] : memref<10240xf32, #tpu.memory_space<vmem_shared>> -> memref<10240xf32, #tpu.memory_space<vmem_shared>>
      tpu.enqueue_indirect_dma source(%arg5 : memref<128xf32, #tpu.memory_space<vmem>>) target(%dma_start3A_52 : memref<10240xf32, #tpu.memory_space<vmem_shared>>) offsets(%dma_start3A_50 : memref<128xi32, #tpu.memory_space<vmem>>) semaphore(%arg8 : memref<!tpu.dma_semaphore, #tpu.memory_space<semaphore_mem>>) {add = true}
      %dma_start3A_53 = arith.constant 5 : i32
      %dma_start3A_54 = arith.constant 0 : i32
      %dma_start3A_55 = tpu.memref_slice %arg4[%dma_start3A_53, %dma_start3A_54] : memref<16x128xi32, #tpu.memory_space<vmem>> -> memref<1x128xi32, #tpu.memory_space<vmem>>
      %dma_start3A_56 = tpu.memref_squeeze %dma_start3A_55 : memref<1x128xi32, #tpu.memory_space<vmem>> -> memref<128xi32, #tpu.memory_space<vmem>>
      %dma_start3A_57 = arith.constant 0 : i32
      %dma_start3A_58 = tpu.memref_slice %arg7[%dma_start3A_57] : memref<10240xf32, #tpu.memory_space<vmem_shared>> -> memref<10240xf32, #tpu.memory_space<vmem_shared>>
      tpu.enqueue_indirect_dma source(%arg5 : memref<128xf32, #tpu.memory_space<vmem>>) target(%dma_start3A_58 : memref<10240xf32, #tpu.memory_space<vmem_shared>>) offsets(%dma_start3A_56 : memref<128xi32, #tpu.memory_space<vmem>>) semaphore(%arg8 : memref<!tpu.dma_semaphore, #tpu.memory_space<semaphore_mem>>) {add = true}
      %dma_start3A_59 = arith.constant 6 : i32
      %dma_start3A_60 = arith.constant 0 : i32
      %dma_start3A_61 = tpu.memref_slice %arg4[%dma_start3A_59, %dma_start3A_60] : memref<16x128xi32, #tpu.memory_space<vmem>> -> memref<1x128xi32, #tpu.memory_space<vmem>>
      %dma_start3A_62 = tpu.memref_squeeze %dma_start3A_61 : memref<1x128xi32, #tpu.memory_space<vmem>> -> memref<128xi32, #tpu.memory_space<vmem>>
      %dma_start3A_63 = arith.constant 0 : i32
      %dma_start3A_64 = tpu.memref_slice %arg7[%dma_start3A_63] : memref<10240xf32, #tpu.memory_space<vmem_shared>> -> memref<10240xf32, #tpu.memory_space<vmem_shared>>
      tpu.enqueue_indirect_dma source(%arg5 : memref<128xf32, #tpu.memory_space<vmem>>) target(%dma_start3A_64 : memref<10240xf32, #tpu.memory_space<vmem_shared>>) offsets(%dma_start3A_62 : memref<128xi32, #tpu.memory_space<vmem>>) semaphore(%arg8 : memref<!tpu.dma_semaphore, #tpu.memory_space<semaphore_mem>>) {add = true}
      %dma_start3A_65 = arith.constant 7 : i32
      %dma_start3A_66 = arith.constant 0 : i32
      %dma_start3A_67 = tpu.memref_slice %arg4[%dma_start3A_65, %dma_start3A_66] : memref<16x128xi32, #tpu.memory_space<vmem>> -> memref<1x128xi32, #tpu.memory_space<vmem>>
      %dma_start3A_68 = tpu.memref_squeeze %dma_start3A_67 : memref<1x128xi32, #tpu.memory_space<vmem>> -> memref<128xi32, #tpu.memory_space<vmem>>
      %dma_start3A_69 = arith.constant 0 : i32
      %dma_start3A_70 = tpu.memref_slice %arg7[%dma_start3A_69] : memref<10240xf32, #tpu.memory_space<vmem_shared>> -> memref<10240xf32, #tpu.memory_space<vmem_shared>>
      tpu.enqueue_indirect_dma source(%arg5 : memref<128xf32, #tpu.memory_space<vmem>>) target(%dma_start3A_70 : memref<10240xf32, #tpu.memory_space<vmem_shared>>) offsets(%dma_start3A_68 : memref<128xi32, #tpu.memory_space<vmem>>) semaphore(%arg8 : memref<!tpu.dma_semaphore, #tpu.memory_space<semaphore_mem>>) {add = true}
      %dma_start3A_71 = arith.constant 8 : i32
      %dma_start3A_72 = arith.constant 0 : i32
      %dma_start3A_73 = tpu.memref_slice %arg4[%dma_start3A_71, %dma_start3A_72] : memref<16x128xi32, #tpu.memory_space<vmem>> -> memref<1x128xi32, #tpu.memory_space<vmem>>
      %dma_start3A_74 = tpu.memref_squeeze %dma_start3A_73 : memref<1x128xi32, #tpu.memory_space<vmem>> -> memref<128xi32, #tpu.memory_space<vmem>>
      %dma_start3A_75 = arith.constant 0 : i32
      %dma_start3A_76 = tpu.memref_slice %arg7[%dma_start3A_75] : memref<10240xf32, #tpu.memory_space<vmem_shared>> -> memref<10240xf32, #tpu.memory_space<vmem_shared>>
      tpu.enqueue_indirect_dma source(%arg5 : memref<128xf32, #tpu.memory_space<vmem>>) target(%dma_start3A_76 : memref<10240xf32, #tpu.memory_space<vmem_shared>>) offsets(%dma_start3A_74 : memref<128xi32, #tpu.memory_space<vmem>>) semaphore(%arg8 : memref<!tpu.dma_semaphore, #tpu.memory_space<semaphore_mem>>) {add = true}
      %dma_start3A_77 = arith.constant 9 : i32
      %dma_start3A_78 = arith.constant 0 : i32
      %dma_start3A_79 = tpu.memref_slice %arg4[%dma_start3A_77, %dma_start3A_78] : memref<16x128xi32, #tpu.memory_space<vmem>> -> memref<1x128xi32, #tpu.memory_space<vmem>>
      %dma_start3A_80 = tpu.memref_squeeze %dma_start3A_79 : memref<1x128xi32, #tpu.memory_space<vmem>> -> memref<128xi32, #tpu.memory_space<vmem>>
      %dma_start3A_81 = arith.constant 0 : i32
      %dma_start3A_82 = tpu.memref_slice %arg7[%dma_start3A_81] : memref<10240xf32, #tpu.memory_space<vmem_shared>> -> memref<10240xf32, #tpu.memory_space<vmem_shared>>
      tpu.enqueue_indirect_dma source(%arg5 : memref<128xf32, #tpu.memory_space<vmem>>) target(%dma_start3A_82 : memref<10240xf32, #tpu.memory_space<vmem_shared>>) offsets(%dma_start3A_80 : memref<128xi32, #tpu.memory_space<vmem>>) semaphore(%arg8 : memref<!tpu.dma_semaphore, #tpu.memory_space<semaphore_mem>>) {add = true}
      %dma_start3A_83 = arith.constant 10 : i32
      %dma_start3A_84 = arith.constant 0 : i32
      %dma_start3A_85 = tpu.memref_slice %arg4[%dma_start3A_83, %dma_start3A_84] : memref<16x128xi32, #tpu.memory_space<vmem>> -> memref<1x128xi32, #tpu.memory_space<vmem>>
      %dma_start3A_86 = tpu.memref_squeeze %dma_start3A_85 : memref<1x128xi32, #tpu.memory_space<vmem>> -> memref<128xi32, #tpu.memory_space<vmem>>
      %dma_start3A_87 = arith.constant 0 : i32
      %dma_start3A_88 = tpu.memref_slice %arg7[%dma_start3A_87] : memref<10240xf32, #tpu.memory_space<vmem_shared>> -> memref<10240xf32, #tpu.memory_space<vmem_shared>>
      tpu.enqueue_indirect_dma source(%arg5 : memref<128xf32, #tpu.memory_space<vmem>>) target(%dma_start3A_88 : memref<10240xf32, #tpu.memory_space<vmem_shared>>) offsets(%dma_start3A_86 : memref<128xi32, #tpu.memory_space<vmem>>) semaphore(%arg8 : memref<!tpu.dma_semaphore, #tpu.memory_space<semaphore_mem>>) {add = true}
      %dma_start3A_89 = arith.constant 11 : i32
      %dma_start3A_90 = arith.constant 0 : i32
      %dma_start3A_91 = tpu.memref_slice %arg4[%dma_start3A_89, %dma_start3A_90] : memref<16x128xi32, #tpu.memory_space<vmem>> -> memref<1x128xi32, #tpu.memory_space<vmem>>
      %dma_start3A_92 = tpu.memref_squeeze %dma_start3A_91 : memref<1x128xi32, #tpu.memory_space<vmem>> -> memref<128xi32, #tpu.memory_space<vmem>>
      %dma_start3A_93 = arith.constant 0 : i32
      %dma_start3A_94 = tpu.memref_slice %arg7[%dma_start3A_93] : memref<10240xf32, #tpu.memory_space<vmem_shared>> -> memref<10240xf32, #tpu.memory_space<vmem_shared>>
      tpu.enqueue_indirect_dma source(%arg5 : memref<128xf32, #tpu.memory_space<vmem>>) target(%dma_start3A_94 : memref<10240xf32, #tpu.memory_space<vmem_shared>>) offsets(%dma_start3A_92 : memref<128xi32, #tpu.memory_space<vmem>>) semaphore(%arg8 : memref<!tpu.dma_semaphore, #tpu.memory_space<semaphore_mem>>) {add = true}
      %dma_start3A_95 = arith.constant 12 : i32
      %dma_start3A_96 = arith.constant 0 : i32
      %dma_start3A_97 = tpu.memref_slice %arg4[%dma_start3A_95, %dma_start3A_96] : memref<16x128xi32, #tpu.memory_space<vmem>> -> memref<1x128xi32, #tpu.memory_space<vmem>>
      %dma_start3A_98 = tpu.memref_squeeze %dma_start3A_97 : memref<1x128xi32, #tpu.memory_space<vmem>> -> memref<128xi32, #tpu.memory_space<vmem>>
      %dma_start3A_99 = arith.constant 0 : i32
      %dma_start3A_100 = tpu.memref_slice %arg7[%dma_start3A_99] : memref<10240xf32, #tpu.memory_space<vmem_shared>> -> memref<10240xf32, #tpu.memory_space<vmem_shared>>
      tpu.enqueue_indirect_dma source(%arg5 : memref<128xf32, #tpu.memory_space<vmem>>) target(%dma_start3A_100 : memref<10240xf32, #tpu.memory_space<vmem_shared>>) offsets(%dma_start3A_98 : memref<128xi32, #tpu.memory_space<vmem>>) semaphore(%arg8 : memref<!tpu.dma_semaphore, #tpu.memory_space<semaphore_mem>>) {add = true}
      %dma_start3A_101 = arith.constant 13 : i32
      %dma_start3A_102 = arith.constant 0 : i32
      %dma_start3A_103 = tpu.memref_slice %arg4[%dma_start3A_101, %dma_start3A_102] : memref<16x128xi32, #tpu.memory_space<vmem>> -> memref<1x128xi32, #tpu.memory_space<vmem>>
      %dma_start3A_104 = tpu.memref_squeeze %dma_start3A_103 : memref<1x128xi32, #tpu.memory_space<vmem>> -> memref<128xi32, #tpu.memory_space<vmem>>
      %dma_start3A_105 = arith.constant 0 : i32
      %dma_start3A_106 = tpu.memref_slice %arg7[%dma_start3A_105] : memref<10240xf32, #tpu.memory_space<vmem_shared>> -> memref<10240xf32, #tpu.memory_space<vmem_shared>>
      tpu.enqueue_indirect_dma source(%arg5 : memref<128xf32, #tpu.memory_space<vmem>>) target(%dma_start3A_106 : memref<10240xf32, #tpu.memory_space<vmem_shared>>) offsets(%dma_start3A_104 : memref<128xi32, #tpu.memory_space<vmem>>) semaphore(%arg8 : memref<!tpu.dma_semaphore, #tpu.memory_space<semaphore_mem>>) {add = true}
      %dma_start3A_107 = arith.constant 14 : i32
      %dma_start3A_108 = arith.constant 0 : i32
      %dma_start3A_109 = tpu.memref_slice %arg4[%dma_start3A_107, %dma_start3A_108] : memref<16x128xi32, #tpu.memory_space<vmem>> -> memref<1x128xi32, #tpu.memory_space<vmem>>
      %dma_start3A_110 = tpu.memref_squeeze %dma_start3A_109 : memref<1x128xi32, #tpu.memory_space<vmem>> -> memref<128xi32, #tpu.memory_space<vmem>>
      %dma_start3A_111 = arith.constant 0 : i32
      %dma_start3A_112 = tpu.memref_slice %arg7[%dma_start3A_111] : memref<10240xf32, #tpu.memory_space<vmem_shared>> -> memref<10240xf32, #tpu.memory_space<vmem_shared>>
      tpu.enqueue_indirect_dma source(%arg5 : memref<128xf32, #tpu.memory_space<vmem>>) target(%dma_start3A_112 : memref<10240xf32, #tpu.memory_space<vmem_shared>>) offsets(%dma_start3A_110 : memref<128xi32, #tpu.memory_space<vmem>>) semaphore(%arg8 : memref<!tpu.dma_semaphore, #tpu.memory_space<semaphore_mem>>) {add = true}
      %dma_start3A_113 = arith.constant 15 : i32
      %dma_start3A_114 = arith.constant 0 : i32
      %dma_start3A_115 = tpu.memref_slice %arg4[%dma_start3A_113, %dma_start3A_114] : memref<16x128xi32, #tpu.memory_space<vmem>> -> memref<1x128xi32, #tpu.memory_space<vmem>>
      %dma_start3A_116 = tpu.memref_squeeze %dma_start3A_115 : memref<1x128xi32, #tpu.memory_space<vmem>> -> memref<128xi32, #tpu.memory_space<vmem>>
      %dma_start3A_117 = arith.constant 0 : i32
      %dma_start3A_118 = tpu.memref_slice %arg7[%dma_start3A_117] : memref<10240xf32, #tpu.memory_space<vmem_shared>> -> memref<10240xf32, #tpu.memory_space<vmem_shared>>
      tpu.enqueue_indirect_dma source(%arg5 : memref<128xf32, #tpu.memory_space<vmem>>) target(%dma_start3A_118 : memref<10240xf32, #tpu.memory_space<vmem_shared>>) offsets(%dma_start3A_116 : memref<128xi32, #tpu.memory_space<vmem>>) semaphore(%arg8 : memref<!tpu.dma_semaphore, #tpu.memory_space<semaphore_mem>>) {add = true}
      %dma_wait3A = arith.constant 0 : i32
      %dma_wait3A_119 = arith.constant 0 : i32
      %dma_wait3A_120 = tpu.memref_slice %arg4[%dma_wait3A, %dma_wait3A_119] : memref<16x128xi32, #tpu.memory_space<vmem>> -> memref<1x128xi32, #tpu.memory_space<vmem>>
      %dma_wait3A_121 = tpu.memref_squeeze %dma_wait3A_120 : memref<1x128xi32, #tpu.memory_space<vmem>> -> memref<128xi32, #tpu.memory_space<vmem>>
      %dma_wait3A_122 = arith.constant 0 : i32
      %dma_wait3A_123 = tpu.memref_slice %arg7[%dma_wait3A_122] : memref<10240xf32, #tpu.memory_space<vmem_shared>> -> memref<10240xf32, #tpu.memory_space<vmem_shared>>
      tpu.wait_indirect_dma semaphore(%arg8 : memref<!tpu.dma_semaphore, #tpu.memory_space<semaphore_mem>>) src(%arg5 : memref<128xf32, #tpu.memory_space<vmem>>) dst(%dma_wait3A_123 : memref<10240xf32, #tpu.memory_space<vmem_shared>>)
      %dma_wait3A_124 = arith.constant 1 : i32
      %dma_wait3A_125 = arith.constant 0 : i32
      %dma_wait3A_126 = tpu.memref_slice %arg4[%dma_wait3A_124, %dma_wait3A_125] : memref<16x128xi32, #tpu.memory_space<vmem>> -> memref<1x128xi32, #tpu.memory_space<vmem>>
      %dma_wait3A_127 = tpu.memref_squeeze %dma_wait3A_126 : memref<1x128xi32, #tpu.memory_space<vmem>> -> memref<128xi32, #tpu.memory_space<vmem>>
      %dma_wait3A_128 = arith.constant 0 : i32
      %dma_wait3A_129 = tpu.memref_slice %arg7[%dma_wait3A_128] : memref<10240xf32, #tpu.memory_space<vmem_shared>> -> memref<10240xf32, #tpu.memory_space<vmem_shared>>
      tpu.wait_indirect_dma semaphore(%arg8 : memref<!tpu.dma_semaphore, #tpu.memory_space<semaphore_mem>>) src(%arg5 : memref<128xf32, #tpu.memory_space<vmem>>) dst(%dma_wait3A_129 : memref<10240xf32, #tpu.memory_space<vmem_shared>>)
      %dma_wait3A_130 = arith.constant 2 : i32
      %dma_wait3A_131 = arith.constant 0 : i32
      %dma_wait3A_132 = tpu.memref_slice %arg4[%dma_wait3A_130, %dma_wait3A_131] : memref<16x128xi32, #tpu.memory_space<vmem>> -> memref<1x128xi32, #tpu.memory_space<vmem>>
      %dma_wait3A_133 = tpu.memref_squeeze %dma_wait3A_132 : memref<1x128xi32, #tpu.memory_space<vmem>> -> memref<128xi32, #tpu.memory_space<vmem>>
      %dma_wait3A_134 = arith.constant 0 : i32
      %dma_wait3A_135 = tpu.memref_slice %arg7[%dma_wait3A_134] : memref<10240xf32, #tpu.memory_space<vmem_shared>> -> memref<10240xf32, #tpu.memory_space<vmem_shared>>
      tpu.wait_indirect_dma semaphore(%arg8 : memref<!tpu.dma_semaphore, #tpu.memory_space<semaphore_mem>>) src(%arg5 : memref<128xf32, #tpu.memory_space<vmem>>) dst(%dma_wait3A_135 : memref<10240xf32, #tpu.memory_space<vmem_shared>>)
      %dma_wait3A_136 = arith.constant 3 : i32
      %dma_wait3A_137 = arith.constant 0 : i32
      %dma_wait3A_138 = tpu.memref_slice %arg4[%dma_wait3A_136, %dma_wait3A_137] : memref<16x128xi32, #tpu.memory_space<vmem>> -> memref<1x128xi32, #tpu.memory_space<vmem>>
      %dma_wait3A_139 = tpu.memref_squeeze %dma_wait3A_138 : memref<1x128xi32, #tpu.memory_space<vmem>> -> memref<128xi32, #tpu.memory_space<vmem>>
      %dma_wait3A_140 = arith.constant 0 : i32
      %dma_wait3A_141 = tpu.memref_slice %arg7[%dma_wait3A_140] : memref<10240xf32, #tpu.memory_space<vmem_shared>> -> memref<10240xf32, #tpu.memory_space<vmem_shared>>
      tpu.wait_indirect_dma semaphore(%arg8 : memref<!tpu.dma_semaphore, #tpu.memory_space<semaphore_mem>>) src(%arg5 : memref<128xf32, #tpu.memory_space<vmem>>) dst(%dma_wait3A_141 : memref<10240xf32, #tpu.memory_space<vmem_shared>>)
      %dma_wait3A_142 = arith.constant 4 : i32
      %dma_wait3A_143 = arith.constant 0 : i32
      %dma_wait3A_144 = tpu.memref_slice %arg4[%dma_wait3A_142, %dma_wait3A_143] : memref<16x128xi32, #tpu.memory_space<vmem>> -> memref<1x128xi32, #tpu.memory_space<vmem>>
      %dma_wait3A_145 = tpu.memref_squeeze %dma_wait3A_144 : memref<1x128xi32, #tpu.memory_space<vmem>> -> memref<128xi32, #tpu.memory_space<vmem>>
      %dma_wait3A_146 = arith.constant 0 : i32
      %dma_wait3A_147 = tpu.memref_slice %arg7[%dma_wait3A_146] : memref<10240xf32, #tpu.memory_space<vmem_shared>> -> memref<10240xf32, #tpu.memory_space<vmem_shared>>
      tpu.wait_indirect_dma semaphore(%arg8 : memref<!tpu.dma_semaphore, #tpu.memory_space<semaphore_mem>>) src(%arg5 : memref<128xf32, #tpu.memory_space<vmem>>) dst(%dma_wait3A_147 : memref<10240xf32, #tpu.memory_space<vmem_shared>>)
      %dma_wait3A_148 = arith.constant 5 : i32
      %dma_wait3A_149 = arith.constant 0 : i32
      %dma_wait3A_150 = tpu.memref_slice %arg4[%dma_wait3A_148, %dma_wait3A_149] : memref<16x128xi32, #tpu.memory_space<vmem>> -> memref<1x128xi32, #tpu.memory_space<vmem>>
      %dma_wait3A_151 = tpu.memref_squeeze %dma_wait3A_150 : memref<1x128xi32, #tpu.memory_space<vmem>> -> memref<128xi32, #tpu.memory_space<vmem>>
      %dma_wait3A_152 = arith.constant 0 : i32
      %dma_wait3A_153 = tpu.memref_slice %arg7[%dma_wait3A_152] : memref<10240xf32, #tpu.memory_space<vmem_shared>> -> memref<10240xf32, #tpu.memory_space<vmem_shared>>
      tpu.wait_indirect_dma semaphore(%arg8 : memref<!tpu.dma_semaphore, #tpu.memory_space<semaphore_mem>>) src(%arg5 : memref<128xf32, #tpu.memory_space<vmem>>) dst(%dma_wait3A_153 : memref<10240xf32, #tpu.memory_space<vmem_shared>>)
      %dma_wait3A_154 = arith.constant 6 : i32
      %dma_wait3A_155 = arith.constant 0 : i32
      %dma_wait3A_156 = tpu.memref_slice %arg4[%dma_wait3A_154, %dma_wait3A_155] : memref<16x128xi32, #tpu.memory_space<vmem>> -> memref<1x128xi32, #tpu.memory_space<vmem>>
      %dma_wait3A_157 = tpu.memref_squeeze %dma_wait3A_156 : memref<1x128xi32, #tpu.memory_space<vmem>> -> memref<128xi32, #tpu.memory_space<vmem>>
      %dma_wait3A_158 = arith.constant 0 : i32
      %dma_wait3A_159 = tpu.memref_slice %arg7[%dma_wait3A_158] : memref<10240xf32, #tpu.memory_space<vmem_shared>> -> memref<10240xf32, #tpu.memory_space<vmem_shared>>
      tpu.wait_indirect_dma semaphore(%arg8 : memref<!tpu.dma_semaphore, #tpu.memory_space<semaphore_mem>>) src(%arg5 : memref<128xf32, #tpu.memory_space<vmem>>) dst(%dma_wait3A_159 : memref<10240xf32, #tpu.memory_space<vmem_shared>>)
      %dma_wait3A_160 = arith.constant 7 : i32
      %dma_wait3A_161 = arith.constant 0 : i32
      %dma_wait3A_162 = tpu.memref_slice %arg4[%dma_wait3A_160, %dma_wait3A_161] : memref<16x128xi32, #tpu.memory_space<vmem>> -> memref<1x128xi32, #tpu.memory_space<vmem>>
      %dma_wait3A_163 = tpu.memref_squeeze %dma_wait3A_162 : memref<1x128xi32, #tpu.memory_space<vmem>> -> memref<128xi32, #tpu.memory_space<vmem>>
      %dma_wait3A_164 = arith.constant 0 : i32
      %dma_wait3A_165 = tpu.memref_slice %arg7[%dma_wait3A_164] : memref<10240xf32, #tpu.memory_space<vmem_shared>> -> memref<10240xf32, #tpu.memory_space<vmem_shared>>
      tpu.wait_indirect_dma semaphore(%arg8 : memref<!tpu.dma_semaphore, #tpu.memory_space<semaphore_mem>>) src(%arg5 : memref<128xf32, #tpu.memory_space<vmem>>) dst(%dma_wait3A_165 : memref<10240xf32, #tpu.memory_space<vmem_shared>>)
      %dma_wait3A_166 = arith.constant 8 : i32
      %dma_wait3A_167 = arith.constant 0 : i32
      %dma_wait3A_168 = tpu.memref_slice %arg4[%dma_wait3A_166, %dma_wait3A_167] : memref<16x128xi32, #tpu.memory_space<vmem>> -> memref<1x128xi32, #tpu.memory_space<vmem>>
      %dma_wait3A_169 = tpu.memref_squeeze %dma_wait3A_168 : memref<1x128xi32, #tpu.memory_space<vmem>> -> memref<128xi32, #tpu.memory_space<vmem>>
      %dma_wait3A_170 = arith.constant 0 : i32
      %dma_wait3A_171 = tpu.memref_slice %arg7[%dma_wait3A_170] : memref<10240xf32, #tpu.memory_space<vmem_shared>> -> memref<10240xf32, #tpu.memory_space<vmem_shared>>
      tpu.wait_indirect_dma semaphore(%arg8 : memref<!tpu.dma_semaphore, #tpu.memory_space<semaphore_mem>>) src(%arg5 : memref<128xf32, #tpu.memory_space<vmem>>) dst(%dma_wait3A_171 : memref<10240xf32, #tpu.memory_space<vmem_shared>>)
      %dma_wait3A_172 = arith.constant 9 : i32
      %dma_wait3A_173 = arith.constant 0 : i32
      %dma_wait3A_174 = tpu.memref_slice %arg4[%dma_wait3A_172, %dma_wait3A_173] : memref<16x128xi32, #tpu.memory_space<vmem>> -> memref<1x128xi32, #tpu.memory_space<vmem>>
      %dma_wait3A_175 = tpu.memref_squeeze %dma_wait3A_174 : memref<1x128xi32, #tpu.memory_space<vmem>> -> memref<128xi32, #tpu.memory_space<vmem>>
      %dma_wait3A_176 = arith.constant 0 : i32
      %dma_wait3A_177 = tpu.memref_slice %arg7[%dma_wait3A_176] : memref<10240xf32, #tpu.memory_space<vmem_shared>> -> memref<10240xf32, #tpu.memory_space<vmem_shared>>
      tpu.wait_indirect_dma semaphore(%arg8 : memref<!tpu.dma_semaphore, #tpu.memory_space<semaphore_mem>>) src(%arg5 : memref<128xf32, #tpu.memory_space<vmem>>) dst(%dma_wait3A_177 : memref<10240xf32, #tpu.memory_space<vmem_shared>>)
      %dma_wait3A_178 = arith.constant 10 : i32
      %dma_wait3A_179 = arith.constant 0 : i32
      %dma_wait3A_180 = tpu.memref_slice %arg4[%dma_wait3A_178, %dma_wait3A_179] : memref<16x128xi32, #tpu.memory_space<vmem>> -> memref<1x128xi32, #tpu.memory_space<vmem>>
      %dma_wait3A_181 = tpu.memref_squeeze %dma_wait3A_180 : memref<1x128xi32, #tpu.memory_space<vmem>> -> memref<128xi32, #tpu.memory_space<vmem>>
      %dma_wait3A_182 = arith.constant 0 : i32
      %dma_wait3A_183 = tpu.memref_slice %arg7[%dma_wait3A_182] : memref<10240xf32, #tpu.memory_space<vmem_shared>> -> memref<10240xf32, #tpu.memory_space<vmem_shared>>
      tpu.wait_indirect_dma semaphore(%arg8 : memref<!tpu.dma_semaphore, #tpu.memory_space<semaphore_mem>>) src(%arg5 : memref<128xf32, #tpu.memory_space<vmem>>) dst(%dma_wait3A_183 : memref<10240xf32, #tpu.memory_space<vmem_shared>>)
      %dma_wait3A_184 = arith.constant 11 : i32
      %dma_wait3A_185 = arith.constant 0 : i32
      %dma_wait3A_186 = tpu.memref_slice %arg4[%dma_wait3A_184, %dma_wait3A_185] : memref<16x128xi32, #tpu.memory_space<vmem>> -> memref<1x128xi32, #tpu.memory_space<vmem>>
      %dma_wait3A_187 = tpu.memref_squeeze %dma_wait3A_186 : memref<1x128xi32, #tpu.memory_space<vmem>> -> memref<128xi32, #tpu.memory_space<vmem>>
      %dma_wait3A_188 = arith.constant 0 : i32
      %dma_wait3A_189 = tpu.memref_slice %arg7[%dma_wait3A_188] : memref<10240xf32, #tpu.memory_space<vmem_shared>> -> memref<10240xf32, #tpu.memory_space<vmem_shared>>
      tpu.wait_indirect_dma semaphore(%arg8 : memref<!tpu.dma_semaphore, #tpu.memory_space<semaphore_mem>>) src(%arg5 : memref<128xf32, #tpu.memory_space<vmem>>) dst(%dma_wait3A_189 : memref<10240xf32, #tpu.memory_space<vmem_shared>>)
      %dma_wait3A_190 = arith.constant 12 : i32
      %dma_wait3A_191 = arith.constant 0 : i32
      %dma_wait3A_192 = tpu.memref_slice %arg4[%dma_wait3A_190, %dma_wait3A_191] : memref<16x128xi32, #tpu.memory_space<vmem>> -> memref<1x128xi32, #tpu.memory_space<vmem>>
      %dma_wait3A_193 = tpu.memref_squeeze %dma_wait3A_192 : memref<1x128xi32, #tpu.memory_space<vmem>> -> memref<128xi32, #tpu.memory_space<vmem>>
      %dma_wait3A_194 = arith.constant 0 : i32
      %dma_wait3A_195 = tpu.memref_slice %arg7[%dma_wait3A_194] : memref<10240xf32, #tpu.memory_space<vmem_shared>> -> memref<10240xf32, #tpu.memory_space<vmem_shared>>
      tpu.wait_indirect_dma semaphore(%arg8 : memref<!tpu.dma_semaphore, #tpu.memory_space<semaphore_mem>>) src(%arg5 : memref<128xf32, #tpu.memory_space<vmem>>) dst(%dma_wait3A_195 : memref<10240xf32, #tpu.memory_space<vmem_shared>>)
      %dma_wait3A_196 = arith.constant 13 : i32
      %dma_wait3A_197 = arith.constant 0 : i32
      %dma_wait3A_198 = tpu.memref_slice %arg4[%dma_wait3A_196, %dma_wait3A_197] : memref<16x128xi32, #tpu.memory_space<vmem>> -> memref<1x128xi32, #tpu.memory_space<vmem>>
      %dma_wait3A_199 = tpu.memref_squeeze %dma_wait3A_198 : memref<1x128xi32, #tpu.memory_space<vmem>> -> memref<128xi32, #tpu.memory_space<vmem>>
      %dma_wait3A_200 = arith.constant 0 : i32
      %dma_wait3A_201 = tpu.memref_slice %arg7[%dma_wait3A_200] : memref<10240xf32, #tpu.memory_space<vmem_shared>> -> memref<10240xf32, #tpu.memory_space<vmem_shared>>
      tpu.wait_indirect_dma semaphore(%arg8 : memref<!tpu.dma_semaphore, #tpu.memory_space<semaphore_mem>>) src(%arg5 : memref<128xf32, #tpu.memory_space<vmem>>) dst(%dma_wait3A_201 : memref<10240xf32, #tpu.memory_space<vmem_shared>>)
      %dma_wait3A_202 = arith.constant 14 : i32
      %dma_wait3A_203 = arith.constant 0 : i32
      %dma_wait3A_204 = tpu.memref_slice %arg4[%dma_wait3A_202, %dma_wait3A_203] : memref<16x128xi32, #tpu.memory_space<vmem>> -> memref<1x128xi32, #tpu.memory_space<vmem>>
      %dma_wait3A_205 = tpu.memref_squeeze %dma_wait3A_204 : memref<1x128xi32, #tpu.memory_space<vmem>> -> memref<128xi32, #tpu.memory_space<vmem>>
      %dma_wait3A_206 = arith.constant 0 : i32
      %dma_wait3A_207 = tpu.memref_slice %arg7[%dma_wait3A_206] : memref<10240xf32, #tpu.memory_space<vmem_shared>> -> memref<10240xf32, #tpu.memory_space<vmem_shared>>
      tpu.wait_indirect_dma semaphore(%arg8 : memref<!tpu.dma_semaphore, #tpu.memory_space<semaphore_mem>>) src(%arg5 : memref<128xf32, #tpu.memory_space<vmem>>) dst(%dma_wait3A_207 : memref<10240xf32, #tpu.memory_space<vmem_shared>>)
      %dma_wait3A_208 = arith.constant 15 : i32
      %dma_wait3A_209 = arith.constant 0 : i32
      %dma_wait3A_210 = tpu.memref_slice %arg4[%dma_wait3A_208, %dma_wait3A_209] : memref<16x128xi32, #tpu.memory_space<vmem>> -> memref<1x128xi32, #tpu.memory_space<vmem>>
      %dma_wait3A_211 = tpu.memref_squeeze %dma_wait3A_210 : memref<1x128xi32, #tpu.memory_space<vmem>> -> memref<128xi32, #tpu.memory_space<vmem>>
      %dma_wait3A_212 = arith.constant 0 : i32
      %dma_wait3A_213 = tpu.memref_slice %arg7[%dma_wait3A_212] : memref<10240xf32, #tpu.memory_space<vmem_shared>> -> memref<10240xf32, #tpu.memory_space<vmem_shared>>
      tpu.wait_indirect_dma semaphore(%arg8 : memref<!tpu.dma_semaphore, #tpu.memory_space<semaphore_mem>>) src(%arg5 : memref<128xf32, #tpu.memory_space<vmem>>) dst(%dma_wait3A_213 : memref<10240xf32, #tpu.memory_space<vmem_shared>>)
    }
    %scan3A_17 = arith.constant 10 : i32
    %barrier3A_18 = arith.constant 0 : index
    tpu.barrier barrier_id(%barrier3A_18)
    %mul3A_19 = arith.constant 640 : i32
    %mul3A_20 = arith.muli %arg1, %mul3A_19 : i32
    "tpu.region"() ({
      %run_scoped3A = tpu.sem_alloc : memref<!tpu.dma_semaphore, #tpu.memory_space<semaphore_mem>>
      %dma_start3A = arith.constant 0 : i32
      %dma_start3A_21 = tpu.memref_slice %arg3[%arg0, %dma_start3A] : memref<2x10240xf32, #tpu.memory_space<hbm>> -> memref<1x10240xf32, #tpu.memory_space<hbm>>
      %dma_start3A_22 = tpu.memref_squeeze %dma_start3A_21 : memref<1x10240xf32, #tpu.memory_space<hbm>> -> memref<10240xf32, #tpu.memory_space<hbm>>
      %dma_start3A_23 = tpu.memref_slice %dma_start3A_22[%mul3A_20] : memref<10240xf32, #tpu.memory_space<hbm>> -> memref<640xf32, #tpu.memory_space<hbm>>
      %dma_start3A_24 = tpu.memref_slice %arg7[%mul3A_20] : memref<10240xf32, #tpu.memory_space<vmem_shared>> -> memref<640xf32, #tpu.memory_space<vmem_shared>>
      tpu.enqueue_dma source(%dma_start3A_24 : memref<640xf32, #tpu.memory_space<vmem_shared>>) target(%dma_start3A_23 : memref<640xf32, #tpu.memory_space<hbm>>) target_semaphore(%run_scoped3A : memref<!tpu.dma_semaphore, #tpu.memory_space<semaphore_mem>>)
      %dma_wait3A = arith.constant 0 : i32
      %dma_wait3A_25 = tpu.memref_slice %arg3[%arg0, %dma_wait3A] : memref<2x10240xf32, #tpu.memory_space<hbm>> -> memref<1x10240xf32, #tpu.memory_space<hbm>>
      %dma_wait3A_26 = tpu.memref_squeeze %dma_wait3A_25 : memref<1x10240xf32, #tpu.memory_space<hbm>> -> memref<10240xf32, #tpu.memory_space<hbm>>
      %dma_wait3A_27 = tpu.memref_slice %dma_wait3A_26[%mul3A_20] : memref<10240xf32, #tpu.memory_space<hbm>> -> memref<640xf32, #tpu.memory_space<hbm>>
      %dma_wait3A_28 = tpu.memref_slice %arg7[%mul3A_20] : memref<10240xf32, #tpu.memory_space<vmem_shared>> -> memref<640xf32, #tpu.memory_space<vmem_shared>>
      tpu.wait_dma2 semaphore(%run_scoped3A : memref<!tpu.dma_semaphore, #tpu.memory_space<semaphore_mem>>) src(%dma_wait3A_28 : memref<640xf32, #tpu.memory_space<vmem_shared>>) dst(%dma_wait3A_27 : memref<640xf32, #tpu.memory_space<hbm>>)
      tpu.yield
    }) : () -> ()
    return
  }
}

module attributes {stable_mosaic.version = 14 : i64} {
  func.func @_mm_body(%arg0: i32, %arg1: i32, %arg2: memref<1x1000x128xf32, #tpu.memory_space<vmem>>, %arg3: memref<1x128x128xf32, #tpu.memory_space<vmem>>, %arg4: memref<1x1x128xf32, #tpu.memory_space<vmem>>, %arg5: memref<1x1000x128xf32, #tpu.memory_space<vmem>>) attributes {dimension_semantics = [#tpu.dimension_semantics<arbitrary>, #tpu.dimension_semantics<arbitrary>], iteration_bounds = array<i64: 2, 10>, scalar_prefetch = 0 : i64, scratch_operands = 0 : i64, tpu.core_type = #tpu.core_type<tc>, window_params = [{transform_indices = @transform_0, window_bounds = array<i64: 1, 1000, 128>}, {transform_indices = @transform_1, window_bounds = array<i64: 1, 128, 128>}, {transform_indices = @transform_2, window_bounds = array<i64: 1, 1, 128>}, {transform_indices = @transform_3, window_bounds = array<i64: 1, 1000, 128>}]} {
    %get3A = arith.constant 0 : index
    %get3A_0 = arith.constant 0 : index
    %get3A_1 = arith.constant 0 : index
    %get3A_2 = vector.load %arg2[%get3A, %get3A_0, %get3A_1] : memref<1x1000x128xf32, #tpu.memory_space<vmem>>, vector<1x1000x128xf32>
    %get3A_3 = vector.shape_cast %get3A_2 : vector<1x1000x128xf32> to vector<1000x128xf32>
    %get3A_4 = arith.constant 0 : index
    %get3A_5 = arith.constant 0 : index
    %get3A_6 = arith.constant 0 : index
    %get3A_7 = vector.load %arg3[%get3A_4, %get3A_5, %get3A_6] : memref<1x128x128xf32, #tpu.memory_space<vmem>>, vector<1x128x128xf32>
    %get3A_8 = vector.shape_cast %get3A_7 : vector<1x128x128xf32> to vector<128x128xf32>
    %dot_general3A = arith.constant dense<0.000000e+00> : vector<1000x128xf32>
    %dot_general3A_9 = tpu.matmul %get3A_3, %get3A_8, %dot_general3A {dimension_numbers = #tpu.dot_dimension_numbers<[1], [0], [0], [1], [0, 0, 1, 1], [], []>, precision = #tpu.contract_precision<fp32>, transpose_lhs_hint = false} : vector<1000x128xf32>, vector<128x128xf32>, vector<1000x128xf32> -> vector<1000x128xf32>
    %get3A_10 = arith.constant 0 : index
    %get3A_11 = arith.constant 0 : index
    %get3A_12 = arith.constant 0 : index
    %get3A_13 = vector.load %arg4[%get3A_10, %get3A_11, %get3A_12] : memref<1x1x128xf32, #tpu.memory_space<vmem>>, vector<1x1x128xf32>
    %get3A_14 = vector.shape_cast %get3A_13 : vector<1x1x128xf32> to vector<1x128xf32>
    %add3A = vector.broadcast %get3A_14 : vector<1x128xf32> to vector<1000x128xf32>
    %add3A_15 = arith.addf %dot_general3A_9, %add3A : vector<1000x128xf32>
    %swap3A = arith.constant 0 : index
    %swap3A_16 = arith.constant 0 : index
    %swap3A_17 = arith.constant 0 : index
    %swap3A_18 = vector.load %arg5[%swap3A, %swap3A_16, %swap3A_17] : memref<1x1000x128xf32, #tpu.memory_space<vmem>>, vector<1x1000x128xf32>
    %swap3A_19 = vector.shape_cast %swap3A_18 : vector<1x1000x128xf32> to vector<1000x128xf32>
    %swap3A_20 = vector.shape_cast %add3A_15 : vector<1000x128xf32> to vector<1x1000x128xf32>
    tpu.vector_store %arg5[%swap3A, %swap3A_16, %swap3A_17], %swap3A_20 {strides = array<i32>} : memref<1x1000x128xf32, #tpu.memory_space<vmem>>, vector<1x1000x128xf32>,
    return
  }
  func.func @transform_0(%arg0: i32, %arg1: i32) -> (i32, i32, i32) {
    %c0_i32 = arith.constant 0 : i32
    %c0_i32_0 = arith.constant 0 : i32
    return %arg0, %arg1, %c0_i32 : i32, i32, i32
  }
  func.func @transform_1(%arg0: i32, %arg1: i32) -> (i32, i32, i32) {
    %c0_i32 = arith.constant 0 : i32
    %c0_i32_0 = arith.constant 0 : i32
    %c0_i32_1 = arith.constant 0 : i32
    return %arg0, %c0_i32, %c0_i32_0 : i32, i32, i32
  }
  func.func @transform_2(%arg0: i32, %arg1: i32) -> (i32, i32, i32) {
    %c0_i32 = arith.constant 0 : i32
    %c0_i32_0 = arith.constant 0 : i32
    %c0_i32_1 = arith.constant 0 : i32
    return %arg0, %c0_i32, %c0_i32_0 : i32, i32, i32
  }
  func.func @transform_3(%arg0: i32, %arg1: i32) -> (i32, i32, i32) {
    %c0_i32 = arith.constant 0 : i32
    %c0_i32_0 = arith.constant 0 : i32
    return %arg0, %arg1, %c0_i32 : i32, i32, i32
  }
}

module attributes {stable_mosaic.version = 14 : i64} {
  func.func @_scale_body(%arg0: i32, %arg1: i32, %arg2: memref<1x1000x128xf32, #tpu.memory_space<vmem>>, %arg3: memref<1x1000x1xf32, #tpu.memory_space<vmem>>, %arg4: memref<1x1000x128xf32, #tpu.memory_space<vmem>>) attributes {dimension_semantics = [#tpu.dimension_semantics<arbitrary>, #tpu.dimension_semantics<arbitrary>], iteration_bounds = array<i64: 2, 10>, scalar_prefetch = 0 : i64, scratch_operands = 0 : i64, tpu.core_type = #tpu.core_type<tc>, window_params = [{transform_indices = @transform_0, window_bounds = array<i64: 1, 1000, 128>}, {transform_indices = @transform_1, window_bounds = array<i64: 1, 1000, 1>}, {transform_indices = @transform_2, window_bounds = array<i64: 1, 1000, 128>}]} {
    %get3A = arith.constant 0 : index
    %get3A_0 = arith.constant 0 : index
    %get3A_1 = arith.constant 0 : index
    %get3A_2 = vector.load %arg3[%get3A, %get3A_0, %get3A_1] : memref<1x1000x1xf32, #tpu.memory_space<vmem>>, vector<1x1000x1xf32>
    %get3A_3 = vector.shape_cast %get3A_2 : vector<1x1000x1xf32> to vector<1000x1xf32>
    %max3A = arith.constant 1.000000e+00 : f32
    %max3A_4 = vector.broadcast %max3A : f32 to vector<1000x1xf32>
    %max3A_5 = arith.maximumf %get3A_3, %max3A_4 : vector<1000x1xf32>
    %rsqrt3A = math.rsqrt %max3A_5 : vector<1000x1xf32>
    %get3A_6 = arith.constant 0 : index
    %get3A_7 = arith.constant 0 : index
    %get3A_8 = arith.constant 0 : index
    %get3A_9 = vector.load %arg2[%get3A_6, %get3A_7, %get3A_8] : memref<1x1000x128xf32, #tpu.memory_space<vmem>>, vector<1x1000x128xf32>
    %get3A_10 = vector.shape_cast %get3A_9 : vector<1x1000x128xf32> to vector<1000x128xf32>
    %mul3A = vector.broadcast %rsqrt3A : vector<1000x1xf32> to vector<1000x128xf32>
    %mul3A_11 = arith.mulf %get3A_10, %mul3A : vector<1000x128xf32>
    %swap3A = arith.constant 0 : index
    %swap3A_12 = arith.constant 0 : index
    %swap3A_13 = arith.constant 0 : index
    %swap3A_14 = vector.load %arg4[%swap3A, %swap3A_12, %swap3A_13] : memref<1x1000x128xf32, #tpu.memory_space<vmem>>, vector<1x1000x128xf32>
    %swap3A_15 = vector.shape_cast %swap3A_14 : vector<1x1000x128xf32> to vector<1000x128xf32>
    %swap3A_16 = vector.shape_cast %mul3A_11 : vector<1000x128xf32> to vector<1x1000x128xf32>
    tpu.vector_store %arg4[%swap3A, %swap3A_12, %swap3A_13], %swap3A_16 {strides = array<i32>} : memref<1x1000x128xf32, #tpu.memory_space<vmem>>, vector<1x1000x128xf32>,
    return
  }
  func.func @transform_0(%arg0: i32, %arg1: i32) -> (i32, i32, i32) {
    %c0_i32 = arith.constant 0 : i32
    %c0_i32_0 = arith.constant 0 : i32
    return %arg0, %arg1, %c0_i32 : i32, i32, i32
  }
  func.func @transform_1(%arg0: i32, %arg1: i32) -> (i32, i32, i32) {
    %c0_i32 = arith.constant 0 : i32
    %c0_i32_0 = arith.constant 0 : i32
    return %arg0, %arg1, %c0_i32 : i32, i32, i32
  }
  func.func @transform_2(%arg0: i32, %arg1: i32) -> (i32, i32, i32) {
    %c0_i32 = arith.constant 0 : i32
    %c0_i32_0 = arith.constant 0 : i32
    return %arg0, %arg1, %c0_i32 : i32, i32, i32
  }
}

module attributes {stable_mosaic.version = 14 : i64} {
  func.func @_out_body(%arg0: i32, %arg1: i32, %arg2: memref<1x1000x128xf32, #tpu.memory_space<vmem>>, %arg3: memref<1x128x128xf32, #tpu.memory_space<vmem>>, %arg4: memref<1x1x128xf32, #tpu.memory_space<vmem>>, %arg5: memref<1x1000x1xf32, #tpu.memory_space<vmem>>, %arg6: memref<1x1000x128xf32, #tpu.memory_space<vmem>>) attributes {dimension_semantics = [#tpu.dimension_semantics<arbitrary>, #tpu.dimension_semantics<arbitrary>], iteration_bounds = array<i64: 2, 10>, scalar_prefetch = 0 : i64, scratch_operands = 0 : i64, tpu.core_type = #tpu.core_type<tc>, window_params = [{transform_indices = @transform_0, window_bounds = array<i64: 1, 1000, 128>}, {transform_indices = @transform_1, window_bounds = array<i64: 1, 128, 128>}, {transform_indices = @transform_2, window_bounds = array<i64: 1, 1, 128>}, {transform_indices = @transform_3, window_bounds = array<i64: 1, 1000, 1>}, {transform_indices = @transform_4, window_bounds = array<i64: 1, 1000, 128>}]} {
    %get3A = arith.constant 0 : index
    %get3A_0 = arith.constant 0 : index
    %get3A_1 = arith.constant 0 : index
    %get3A_2 = vector.load %arg5[%get3A, %get3A_0, %get3A_1] : memref<1x1000x1xf32, #tpu.memory_space<vmem>>, vector<1x1000x1xf32>
    %get3A_3 = vector.shape_cast %get3A_2 : vector<1x1000x1xf32> to vector<1000x1xf32>
    %max3A = arith.constant 1.000000e+00 : f32
    %max3A_4 = vector.broadcast %max3A : f32 to vector<1000x1xf32>
    %max3A_5 = arith.maximumf %get3A_3, %max3A_4 : vector<1000x1xf32>
    %rsqrt3A = math.rsqrt %max3A_5 : vector<1000x1xf32>
    %get3A_6 = arith.constant 0 : index
    %get3A_7 = arith.constant 0 : index
    %get3A_8 = arith.constant 0 : index
    %get3A_9 = vector.load %arg2[%get3A_6, %get3A_7, %get3A_8] : memref<1x1000x128xf32, #tpu.memory_space<vmem>>, vector<1x1000x128xf32>
    %get3A_10 = vector.shape_cast %get3A_9 : vector<1x1000x128xf32> to vector<1000x128xf32>
    %mul3A = vector.broadcast %rsqrt3A : vector<1000x1xf32> to vector<1000x128xf32>
    %mul3A_11 = arith.mulf %get3A_10, %mul3A : vector<1000x128xf32>
    %get3A_12 = arith.constant 0 : index
    %get3A_13 = arith.constant 0 : index
    %get3A_14 = arith.constant 0 : index
    %get3A_15 = vector.load %arg3[%get3A_12, %get3A_13, %get3A_14] : memref<1x128x128xf32, #tpu.memory_space<vmem>>, vector<1x128x128xf32>
    %get3A_16 = vector.shape_cast %get3A_15 : vector<1x128x128xf32> to vector<128x128xf32>
    %dot_general3A = arith.constant dense<0.000000e+00> : vector<1000x128xf32>
    %dot_general3A_17 = tpu.matmul %mul3A_11, %get3A_16, %dot_general3A {dimension_numbers = #tpu.dot_dimension_numbers<[1], [0], [0], [1], [0, 0, 1, 1], [], []>, precision = #tpu.contract_precision<fp32>, transpose_lhs_hint = false} : vector<1000x128xf32>, vector<128x128xf32>, vector<1000x128xf32> -> vector<1000x128xf32>
    %get3A_18 = arith.constant 0 : index
    %get3A_19 = arith.constant 0 : index
    %get3A_20 = arith.constant 0 : index
    %get3A_21 = vector.load %arg4[%get3A_18, %get3A_19, %get3A_20] : memref<1x1x128xf32, #tpu.memory_space<vmem>>, vector<1x1x128xf32>
    %get3A_22 = vector.shape_cast %get3A_21 : vector<1x1x128xf32> to vector<1x128xf32>
    %add3A = vector.broadcast %get3A_22 : vector<1x128xf32> to vector<1000x128xf32>
    %add3A_23 = arith.addf %dot_general3A_17, %add3A : vector<1000x128xf32>
    %swap3A = arith.constant 0 : index
    %swap3A_24 = arith.constant 0 : index
    %swap3A_25 = arith.constant 0 : index
    %swap3A_26 = vector.load %arg6[%swap3A, %swap3A_24, %swap3A_25] : memref<1x1000x128xf32, #tpu.memory_space<vmem>>, vector<1x1000x128xf32>
    %swap3A_27 = vector.shape_cast %swap3A_26 : vector<1x1000x128xf32> to vector<1000x128xf32>
    %swap3A_28 = vector.shape_cast %add3A_23 : vector<1000x128xf32> to vector<1x1000x128xf32>
    tpu.vector_store %arg6[%swap3A, %swap3A_24, %swap3A_25], %swap3A_28 {strides = array<i32>} : memref<1x1000x128xf32, #tpu.memory_space<vmem>>, vector<1x1000x128xf32>,
    return
  }
  func.func @transform_0(%arg0: i32, %arg1: i32) -> (i32, i32, i32) {
    %c0_i32 = arith.constant 0 : i32
    %c0_i32_0 = arith.constant 0 : i32
    return %arg0, %arg1, %c0_i32 : i32, i32, i32
  }
  func.func @transform_1(%arg0: i32, %arg1: i32) -> (i32, i32, i32) {
    %c0_i32 = arith.constant 0 : i32
    %c0_i32_0 = arith.constant 0 : i32
    %c0_i32_1 = arith.constant 0 : i32
    return %arg0, %c0_i32, %c0_i32_0 : i32, i32, i32
  }
  func.func @transform_2(%arg0: i32, %arg1: i32) -> (i32, i32, i32) {
    %c0_i32 = arith.constant 0 : i32
    %c0_i32_0 = arith.constant 0 : i32
    %c0_i32_1 = arith.constant 0 : i32
    return %arg0, %c0_i32, %c0_i32_0 : i32, i32, i32
  }
  func.func @transform_3(%arg0: i32, %arg1: i32) -> (i32, i32, i32) {
    %c0_i32 = arith.constant 0 : i32
    %c0_i32_0 = arith.constant 0 : i32
    return %arg0, %arg1, %c0_i32 : i32, i32, i32
  }
  func.func @transform_4(%arg0: i32, %arg1: i32) -> (i32, i32, i32) {
    %c0_i32 = arith.constant 0 : i32
    %c0_i32_0 = arith.constant 0 : i32
    return %arg0, %arg1, %c0_i32 : i32, i32, i32
  }
}

</mosaic_0001>

<sc_bundles>
// kernel: kernel.10.cloned.1.call-start
scs
__scs_entry_jumppad:
0x0: {  	(pc) =	sbr.rel $0x88, $3  }
0x1: {  	(tag) =	ssettag $0x0;
	lr =	simm.s32 $0x1  }
0x2: {  	[smem:$0x3F95] =	sst lr;
	_ =	strace $0xD0000000  }
0x3: {  	_ = 	snop  }
0x4: {  	_ = 	snop  }
0x5: {  	_ = 	snop  }
0x6: {  	_ = 	snop  }
0x7: {  	_ = 	snop  }
__scs_overlays_trampoline_lowered:
0x8: {  	[smem:$0x3FA4] =	sst s0  }
0x9: {  	[smem:$0x3FA5] =	sst s1  }
0xa: {  	[smem:$0x3FA6] =	sst s2  }
0xb: {  	[smem:$0x3FA7] =	sst s3  }
0xc: {  	[smem:$0x3FA8] =	sst s4  }
0xd: {  	[smem:$0x3FA9] =	sst s5  }
0xe: {  	[smem:$0x3FAA] =	sst s6  }
0xf: {  	[smem:$0x3FAB] =	sst s7  }
0x10: {  	[smem:$0x3FAC] =	sst s8  }
0x11: {  	[smem:$0x3FAD] =	sst s9;
	s0 =	simm.s32 @!p0 $0x0  }
0x12: {  	s1 =	sld [smem:$0x3F93];
	s0 =	simm.s32 @p0 $0x1  }
0x13: {  	[smem:$0x3FAE] =	sst s0;
	s0 =	simm.s32 @!p1 $0x0  }
0x14: {  	s2 =	sld [smem:$0x3F92];
	s0 =	simm.s32 @p1 $0x1  }
0x15: {  	[smem:$0x3FAF] =	sst s0;
	s0 =	simm.s32 @!p2 $0x0  }
0x16: {  	s3 =	sld [smem:$0x3FDB];
	s0 =	simm.s32 @p2 $0x1  }
0x17: {  	s4 =	simm.s32 $0x1BF5;
	[smem:$0x3FB1] =	sst s0  }
0x18: {  	s0 =	sld [smem:$0x3F94];
	_ =	swait.ge [sflag:s4], $0x0  }
0x19: {  	s7 =	sld [smem:$0x3F95]  }
0x1a: {  	s8 =	sadd.s32 $0xFFFFE003, lr  }
0x1b: {  	s9 =	sadd.s32 $0xFFFFFEF7, lr;
	s5 =	simm.s32 $0xFFFFFFFF;
	p2 =	slt.u32 s8, $0xFFFFF086  }
0x1c: {  	p1 =	slt.u32 s9, $0xF7A;
	s5 =	simm.s32 @!p2 $0x0  }
0x1d: {  	s5 =	simm.s32 @p1 $0x1;
	p0 =	seq.s32 s7, s2  }
0x1e: {  	s7 =	smul.u32 @!p0 $0xF7A, s2;
	p2 =	seq.s32 @!p0 s5, $0x0  }
0x1f: {  	s9 =	smul.u32 $0xF7A, s1;
	s8 =	simm.s32 @!p0 $0x1BF5;
	p2 =	por !p2, p0  }
0x20: {  	[sflag:s8] =	ssyncset.s32 @!p0 $0xFFFFF086;
	s6 =	sadd.s32 @!p0 s3, s7;
	s7 =	simm.s32 @!p0 $0x108  }
0x21: {  	s3 =	sadd.s32 s3, s9;
	s6 =	sadd.s32 @!p0 $0x88, s6;
	s7 =	simm.s32 @p2 $0x1082  }
0x22: {  	[simem:s7], [sflag:s8] =	dma.local @!p0 [hbm:s6], $0xF7A  }
0x23: {  	s9 =	sor.u32 $0xD0000000, s2;
	s6 =	simm.s32 $0x108;
	_ =	swait.ge @!p0 [sflag:s8], $0x0  }
0x24: {  	s3 =	sadd.s32 $0x88, s3;
	s6 =	simm.s32 @!p1 $0x1082;
	[sflag:s4] =	ssyncset.s32 $0xFFFFF086  }
0x25: {  	[simem:s6], [sflag:s4] =	dma.local [hbm:s3], $0xF7A  }
0x26: {  	[smem:$0x3F95] =	sst s1;
	(tag) =	ssettag s2;
	_ =	strace s9  }
0x27: {  	s1 =	sld [smem:$0x3FA5]  }
0x28: {  	s2 =	sld [smem:$0x3FA6]  }
0x29: {  	s4 =	sld [smem:$0x3FA8]  }
0x2a: {  	p0 =	seq.s32 s5, $0x0;
	s5 =	sld [smem:$0x3FA9]  }
0x2b: {  	s6 =	sld [smem:$0x3FAA]  }
0x2c: {  	s7 =	sld [smem:$0x3FAB]  }
0x2d: {  	s3 =	simm.s32 $0x108;
	s8 =	sld [smem:$0x3FAC]  }
0x2e: {  	s3 =	simm.s32 @!p0 $0x1082;
	s9 =	sld [smem:$0x3FAD]  }
0x2f: {  	lr =	sadd.s32 s0, s3;
	s0 =	sld [smem:$0x3FA4]  }
0x30: {  	s3 =	sld [smem:$0x3FA7]  }
0x31: {  	[smem:$0x3FB0] =	sst s10  }
0x32: {  	s10 =	sld [smem:$0x3FAE];
	_ =	sdelay $0x3  }
0x33: {  	p0 =	seq.s32 s10, $0x1;
	s10 =	sld [smem:$0x3FB0];
	_ =	sdelay $0x3  }
0x34: {  	[smem:$0x3FB0] =	sst s10  }
0x35: {  	s10 =	sld [smem:$0x3FAF];
	_ =	sdelay $0x3  }
0x36: {  	p1 =	seq.s32 s10, $0x1;
	s10 =	sld [smem:$0x3FB0];
	_ =	sdelay $0x3  }
0x37: {  	[smem:$0x3FB0] =	sst s10  }
0x38: {  	s10 =	sld [smem:$0x3FB1]  }
0x39: {  	_ = 	snop;
	(pc) =	sbr.ind lr, $3  }
0x3a: {  	_ = 	snop  }
0x3b: {  	_ = 	snop  }
0x3c: {  	p2 =	seq.s32 s10, $0x1;
	s10 =	sld [smem:$0x3FB0]  }
0x3d: {  	_ =	shalt  }
0x3e: {  	_ =	shalt  }
0x3f: {  	_ =	shalt  }
0x40: {  	_ =	shalt  }
0x41: {  	_ =	shalt  }
0x42: {  	_ =	shalt  }
0x43: {  	_ =	shalt  }
0x44: {  	_ =	shalt  }
0x45: {  	_ =	shalt  }
0x46: {  	_ =	shalt  }
0x47: {  	_ =	shalt  }
0x48: {  	_ =	shalt  }
0x49: {  	_ =	shalt  }
0x4a: {  	_ =	shalt  }
0x4b: {  	_ =	shalt  }
0x4c: {  	_ =	shalt  }
0x4d: {  	_ =	shalt  }
0x4e: {  	_ =	shalt  }
0x4f: {  	_ =	shalt  }
0x50: {  	_ =	shalt  }
0x51: {  	_ =	shalt  }
0x52: {  	_ =	shalt  }
0x53: {  	_ =	shalt  }
0x54: {  	_ =	shalt  }
0x55: {  	_ =	shalt  }
0x56: {  	_ =	shalt  }
0x57: {  	_ =	shalt  }
0x58: {  	_ =	shalt  }
0x59: {  	_ =	shalt  }
0x5a: {  	_ =	shalt  }
0x5b: {  	_ =	shalt  }
0x5c: {  	_ =	shalt  }
0x5d: {  	_ =	shalt  }
0x5e: {  	_ =	shalt  }
0x5f: {  	_ =	shalt  }
0x60: {  	_ =	shalt  }
0x61: {  	_ =	shalt  }
0x62: {  	_ =	shalt  }
0x63: {  	_ =	shalt  }
0x64: {  	_ =	shalt  }
0x65: {  	_ =	shalt  }
0x66: {  	_ =	shalt  }
0x67: {  	_ =	shalt  }
0x68: {  	_ =	shalt  }
0x69: {  	_ =	shalt  }
0x6a: {  	_ =	shalt  }
0x6b: {  	_ =	shalt  }
0x6c: {  	_ =	shalt  }
0x6d: {  	_ =	shalt  }
0x6e: {  	_ =	shalt  }
0x6f: {  	_ =	shalt  }
0x70: {  	_ =	shalt  }
0x71: {  	_ =	shalt  }
0x72: {  	_ =	shalt  }
0x73: {  	_ =	shalt  }
0x74: {  	_ =	shalt  }
0x75: {  	_ =	shalt  }
0x76: {  	_ =	shalt  }
0x77: {  	_ =	shalt  }
0x78: {  	_ =	shalt  }
0x79: {  	_ =	shalt  }
0x7a: {  	_ =	shalt  }
0x7b: {  	_ =	shalt  }
0x7c: {  	_ =	shalt  }
0x7d: {  	_ =	shalt  }
0x7e: {  	_ =	shalt  }
0x7f: {  	_ =	shalt  }
0x80: {  	_ =	shalt  }
0x81: {  	_ =	shalt  }
0x82: {  	_ =	shalt  }
0x83: {  	_ =	shalt  }
0x84: {  	_ =	shalt  }
0x85: {  	_ =	shalt  }
0x86: {  	_ =	shalt  }
0x87: {  	_ =	shalt  }
.Lfunc_end0:
.L_simem_size_0:
called_computation.1_lowered:
.L_overlay_start_0:
0x88: {  	s2 =	sld [smem:$0x3FD9]  }
0x89: {  	s3 =	sld [smem:$0x3FFE];
	_ =	sdelay $0x1  }
0x8a: {  	s1 =	srdreg.scid  }
0x8b: {  	s0 =	sand.u32 $0x1, s1  }
0x8c: {  	s14 =	sshll.u32 s0, $0xA;
	s2 =	sadd.s32 s3, s2  }
0x8d: {  	s2 =	sadd.s32 s2, s14  }
0x8e: {  	[smem:$0x3FBC] =	sst s2  }
0x8f: {  	_ = 	snop  }
0x90: {  	s2 =	sld [smem:$0x3FD0];
	_ =	sdelay $0x2  }
0x91: {  	s15 =	simm.s32 $0xA;
	s4 =	simm.s32 $0x10  }
0x92: {  	[smem:s4], [sflag:s15] =	dma.local [hbm:s2], $0x1  }
0x93: {  	_ =	swait.eq [sflag:s15], $0x1  }
0x94: {  	[sflag:s15] =	ssyncset.done $0x0  }
0x95: {  	s16 =	sld [smem:$0x10];
	[sflag:s15] =	ssyncadd.s32 $0xFFFFFFFF  }
0x96: {  	s17 =	sld [smem:$0x11];
	(tm) =	ssettm $0x1  }
0x97: {  	s18 =	sld [smem:$0x3FFB];
	_ =	sdelay $0x3  }
0x98: {  	_ =	strace s18  }
0x99: {  	s4 =	sld [smem:$0x3FFC];
	_ =	sdelay $0x3  }
0x9a: {  	_ =	strace s4  }
0x9b: {  	s4 =	sld [smem:$0x3FFD];
	_ =	sdelay $0x3  }
0x9c: {  	_ =	strace s4  }
0x9d: {  	_ =	strace $0x8FFFFFFF  }
0x9e: {  	s19 =	sld [smem:$0x3FDB];
	_ =	sdelay $0x1  }
0x9f: {  	s5 =	simm.s32 $_scs_section_size  }
0xa0: {  	s6 =	simm.s32 $_size__tile_overlayer_lowered;
	s7 =	simm.s32 $_tile_overlayer_lowered  }
0xa1: {  	s22 =	simm.s32 $0x1BFF;
	s21 =	sshll.u32 s7, $0x1;
	s4 =	sadd.s32 s5, s19  }
0xa2: {  	s8 =	simm.s32 $0x0;
	s20 =	sshll.u32 s6, $0x1;
	s6 =	sadd.s32 s21, s4  }
0xa3: {  	[timem:s8], [sflag:s22] =	dma.local [hbm:s6], s20  }
0xa4: {  	_ =	swait.ge [sflag:s22], s20  }
0xa5: {  	s5 =	ssub.s32 $0x0, s20;
	[sflag:s22] =	ssyncset.done $0x0  }
0xa6: {  	[sflag:s22] =	ssyncadd.s32 s5;
	_ =	sdelay $0x1  }
0xa7: {  	s23 =	simm.s32 $0x1B8B  }
0xa8: {  	_ =	swait.ge [sflag:s23], $0x1  }
0xa9: {  	[sflag:s23] =	ssyncset.done $0x0  }
0xaa: {  	s25 =	simm.s32 $0x1B8E;
	s24 =	sld [smem:$0x3FFE];
	[sflag:s23] =	ssyncadd.s32 $0xFFFFFFFF  }
0xab: {  	s26 =	simm.s32 $execute0_lowered;
	[smem:$0x3FD2] =	sst s25  }
0xac: {  	s6 =	sshll.u32 s26, $0x1;
	_ =	strace $0x80000049;
	[dreg:$0x1] =	wrdreg $0xFFFFFFFF  }
0xad: {  	s28 =	simm.s32 $_size_execute0_lowered;
	s4 =	sadd.s32 s4, s6;
	[dreg:$0x0] =	wrdreg $0x0  }
0xae: {  	s6 =	sshll.u32 s28, $0x1;
	[dreg:$0x2] =	wrdreg s4  }
0xaf: {  	[dreg:$0x3] =	wrdreg s6  }
0xb0: {  	[dreg:$0x4] =	wrdreg $0xC0  }
0xb1: {  	_ =	task [dreg:s8], $0x5FFFF  }
0xb2: {  	[dreg:$0x1] =	wrdreg $0xFFFFFFFF  }
0xb3: {  	[dreg:$0x0] =	wrdreg $0x60  }
0xb4: {  	[dreg:$0x2] =	wrdreg s16  }
0xb5: {  	[dreg:$0x3] =	wrdreg s17  }
0xb6: {  	[dreg:$0x4] =	wrdreg s24  }
0xb7: {  	[dreg:$0x5] =	wrdreg $0xA4800  }
0xb8: {  	[dreg:$0x6] =	wrdreg $0x1E4800  }
0xb9: {  	[dreg:$0x7] =	wrdreg $0x9  }
0xba: {  	_ =	task.clear_ibuf [dreg:s8], $0x8FFFF;
	_ =	strace $0x90000049  }
0xbb: {  	s29 =	simm.s32 $0x9;
	_ =	strace $0x8000004B  }
0xbc: {  	_ =	swait.ge [sflag:s29], $0x1  }
0xbd: {  	[sflag:s29] =	ssyncadd.s32 $0xFFFFFFFF  }
0xbe: {  	_ =	strace $0x9000004B  }
0xbf: {  	_ =	sfence  }
0xc0: {  	s30 =	sld [smem:$0x0];
	_ =	sdelay $0x2  }
0xc1: {  	s31 =	sshll.u32 s1, $0xD;
	s1 =	sshrl.u32 s1, $0x2  }
0xc2: {  	s3 =	sand.u32 $0x4000, s31;
	s1 =	sadd.s32 s1, s30  }
0xc3: {  	s0 =	sor.u32 s3, s0;
	s1 =	sshll.u32 s1, $0x11  }
0xc4: {  	s0 =	sor.u32 s1, s0  }
0xc5: {  	s0 =	sadd.s32 $0x8F2B, s0  }
0xc6: {  	[sflag:s0] =	ssyncadd.remote.s32 $0x1  }
0xc7: {  	_ =	sfence.sel $0xFFFF  }
0xc8: {  	[dreg:$0x0] =	wrdreg $0xFFFFFFFF;
	(pc) =	sbr.abs _section_cstart, $3  }
0xc9: {  	[dreg:$0x1] =	wrdreg $0xFFFFFFFF  }
0xca: {  	_ =	task.clear_ibuf [dreg:s8], $0x2FFFF;
	_ =	strace $0x9FFFFFFF  }
0xcb: {  	(tm) =	ssettm $0x7FFFFFFF  }
tec
execute0_lowered:
.L_overlay_start_1:
0x0: {  	(tag) =	ssettag $0x1  }
0x1: {  	s0 =	rddreg [dreg:$0x0]  }
0x2: {  	s3 =	rddreg [dreg:$0x1]  }
0x3: {  	s5 =	rddreg [dreg:$0x2]  }
0x4: {  	s1 =	rddreg [dreg:$0x3]  }
0x5: {  	s2 =	rddreg [dreg:$0x4];
	s6 =	srdreg.scid;
	s4 =	simm.s32 $0x0  }
0x6: {  	s13 =	stileid.u32;
	s19 =	simm.s32 $0x100;
	[smem:$0x7FF] =	sst s4  }
0x7: {  	s21 =	simm.s32 $0x180;
	_ =	strace $0x8000004A;
	[dreg:$0x8] =	wrdreg s19  }
0x8: {  	s23 =	simm.s32 $0x200;
	s24 =	simm.s32 $0x280;
	[dreg:$0x9] =	wrdreg s21  }
0x9: {  	s25 =	simm.s32 $0x300;
	s28 =	simm.s32 $0xA80;
	[dreg:$0xa] =	wrdreg s23  }
0xa: {  	s6 =	sand.u32 $0x1, s6;
	s12 =	smul.u32 $0x50000, s13;
	[dreg:$0xb] =	wrdreg s24  }
0xb: {  	s18 =	smul.u32 $0xA00, s13;
	[dreg:$0xc] =	wrdreg s25;
	s19 =	simm.s32 $0x500  }
0xc: {  	s9 =	ssub.s32 $0x2, s6;
	s21 =	simm.s32 $0x580;
	[dreg:$0x10] =	wrdreg s19  }
0xd: {  	s23 =	simm.s32 $0x600;
	s25 =	simm.s32 $0x680;
	[dreg:$0x11] =	wrdreg s21  }
0xe: {  	s11 =	sshrl.u32 s9, $0x1;
	s16 =	sshrl.u32 s12, $0x2;
	[dreg:$0x12] =	wrdreg s23  }
0xf: {  	s20 =	sshrl.u32 s18, $0x2;
	s18 =	simm.s32 $0x480;
	[dreg:$0x13] =	wrdreg s25  }
0x10: {  	s9 =	ssub.s32 s9, s11;
	s11 =	simm.s32 $0x380;
	[dreg:$0xf] =	wrdreg s18  }
0x11: {  	s14 =	sadd.s32 s16, s1;
	s16 =	simm.s32 $0x400;
	[dreg:$0xd] =	wrdreg s11  }
0x12: {  	s7 =	smul.u32 $0x27100, s6;
	s22 =	sadd.s32 s20, s2;
	[dreg:$0xe] =	wrdreg s16  }
0x13: {  	s8 =	smul.u32 $0x50000, s6;
	s6 =	sshll.u32 s6, $0x4;
	[dreg:$0x18] =	wrdreg s22  }
0x14: {  	s6 =	sadd.s32 s6, s5;
	s9 =	smax.u32 s9, $0x1;
	[dreg:$0x17] =	wrdreg s14  }
0x15: {  	s7 =	sadd.s32 s7, s5;
	s26 =	sadd.s32 $0x80, s22;
	[dreg:$0x19] =	wrdreg s9  }
0x16: {  	s5 =	sadd.s32 $0x2800, s7;
	s15 =	sadd.s32 $0x100, s22;
	[dreg:$0x1a] =	wrdreg s26  }
0x17: {  	s12 =	sadd.s32 $0x51400, s7;
	s7 =	sadd.s32 $0x200, s22;
	[dreg:$0x1b] =	wrdreg s15  }
0x18: {  	s29 =	simm.s32 $0xB00;
	s20 =	sadd.s32 $0x1400, s14;
	[dreg:$0x1d] =	wrdreg s7  }
0x19: {  	s30 =	simm.s32 $0xB80;
	s24 =	sadd.s32 $0x3C00, s14;
	[dreg:$0x1e] =	wrdreg s20  }
0x1a: {  	s31 =	simm.s32 $0xC00;
	s11 =	sadd.s32 $0x6400, s14;
	[smem:$0x7EE] =	sst s24  }
0x1b: {  	s10 =	smul.u32 $0x5000, s13;
	s16 =	sadd.s32 $0x7800, s14;
	[smem:$0x7F0] =	sst s11  }
0x1c: {  	p0 =	seq.s32 s13, $0xF;
	s18 =	sadd.s32 $0xA000, s14;
	[smem:$0x7F1] =	sst s16  }
0x1d: {  	s8 =	sadd.s32 s10, s8;
	s10 =	sadd.s32 $0x12C000, s1;
	[smem:$0x7F3] =	sst s18  }
0x1e: {  	s17 =	sshrl.u32 s8, $0x3;
	s21 =	sadd.s32 $0xC800, s14;
	[dreg:$0x16] =	wrdreg s12  }
0x1f: {  	s8 =	smul.u32 $0x2800, s13;
	s23 =	sadd.s32 $0xF000, s14;
	[smem:$0x7F8] =	sst s21  }
0x20: {  	s25 =	sadd.s32 $0x11800, s14;
	s3 =	sadd.s32 s17, s3;
	[smem:$0x7FA] =	sst s23  }
0x21: {  	s0 =	sadd.s32 s17, s0;
	s17 =	sadd.s32 $0x180, s22;
	[smem:$0x7FC] =	sst s25  }
0x22: {  	s22 =	sadd.s32 $0x2800, s14;
	s26 =	sadd.s32 $0x5000, s14;
	[dreg:$0x6] =	wrdreg s3  }
0x23: {  	s9 =	simm.s32 $0x700;
	s15 =	simm.s32 $0x780;
	[dreg:$0x7] =	wrdreg s0  }
0x24: {  	s20 =	sadd.s32 $0xB400, s14;
	s24 =	sadd.s32 $0x10400, s14;
	[dreg:$0x1c] =	wrdreg s17  }
0x25: {  	s16 =	simm.s32 $0x1;
	s18 =	simm.s32 $0x3;
	[dreg:$0x1f] =	wrdreg s22  }
0x26: {  	s23 =	simm.s32 $0x880;
	s25 =	simm.s32 $0x980;
	[smem:$0x7EF] =	sst s26  }
0x27: {  	s7 =	simm.s32 $0xE00;
	s11 =	simm.s32 $0x0;
	[dreg:$0x14] =	wrdreg s9  }
0x28: {  	s3 =	sadd.s32 $0x50A00, s6;
	s6 =	smul.u32 $0xA0, s13;
	[dreg:$0x15] =	wrdreg s15  }
0x29: {  	s17 =	sadd.s32 $0x8C00, s14;
	[smem:$0x7F5] =	sst s20;
	s0 =	sshrl.u32 @p0 s10, $0x3  }
0x2a: {  	s22 =	sadd.s32 $0xDC00, s14;
	[smem:$0x7FB] =	sst s24;
	s26 =	sadd.s32 $0x12C00, s14  }
0x2b: {  	s10 =	simm.s32 $0x6;
	s13 =	simm.s32 $0x1000;
	[smem:$0x7F2] =	sst s17  }
0x2c: {  	s14 =	simm.s32 $0x9000;
	s20 =	simm.s32 $0x4;
	[smem:$0x7F6] =	sst s0  }
0x2d: {  	s24 =	simm.s32 $0x900;
	s0 =	sadd.s32 @!p0 s8, s12;
	[smem:$0x7F9] =	sst s22  }
0x2e: {  	[smem:$0x7FD] =	sst s26;
	s12 =	simm.s32 $0x80;
	s17 =	simm.s32 $0x2  }
0x2f: {  	s26 =	simm.s32 $0xA00;
	s8 =	simm.s32 $0xD80;
	s19 =	sadd.s32 s6, s3  }
0x30: {  	[smem:$0x7F7] =	sst s0;
	s0 =	simm.s32 $0x800;
	s6 =	simm.s32 $0x5000  }
0x31: {  	v0 =	vimm.f32 $0.0e+00;
	v1 =	vimm.f32 $1.000000000e+00;
	s3 =	simm.s32 $0x0;
	[smem:$0x7F4] =	sst s19;
	s19 =	simm.s32 $0x5  }
.LBB2_1:
0x32: {  	s9 =	sand.u32 $0x7E00, s4  }
0x33: {  	[smem:$0x7ED] =	sst s3;
	s15 =	sand.u32 $0x70, s4;
	s21 =	sshrl.u32 s9, $0x2  }
0x34: {  	s9 =	simm.s32 $0x40;
	s21 =	sor.u32 s15, s21;
	s15 =	simm.s32 $0x0  }
.LBB2_2:
0x35: {  	p1 =	sne.s32 s9, $0x4FC0  }
0x36: {  	[tilespmem:s21+$0x9080] =	vst v0;
	s15 =	sadd.s32 $0x10, s15;
	s21 =	smov.u32 s9;
	s9 =	sadd.s32 $0x40, s9  }
.Ltmp0:
0x37: {  	(pc) =	sbr.rel @p1 .LBB2_2-.Ltmp0, $4  }
0x38: {  	_ = 	snop  }
0x39: {  	s21 =	sand.u32 $0x7E00, s21  }
0x3a: {  	s22 =	sand.u32 $0x70, s15;
	s21 =	sshrl.u32 s21, $0x2  }
0x3b: {  	s21 =	sor.u32 s22, s21  }
0x3c: {  	[tilespmem:s21+$0x9080] =	vst v0  }
0x3d: {  	[tilespmem:$0x9000] =	vst v1  }
0x3e: {  	[tilespmem:$0x9010] =	vst v1  }
0x3f: {  	[tilespmem:$0x9020] =	vst v1  }
0x40: {  	[tilespmem:$0x9030] =	vst v1  }
0x41: {  	[tilespmem:$0x9040] =	vst v1  }
0x42: {  	[tilespmem:$0x9050] =	vst v1  }
0x43: {  	[tilespmem:$0x9060] =	vst v1  }
0x44: {  	s9 =	rddreg [dreg:$0x18];
	s15 =	simm.s32 $0x9080;
	[tilespmem:$0x9070] =	vst v1  }
0x45: {  	[spmem:s9] =	stream.linear.scatter [tilespmem:s15], [sflag:$0x6], $0x80, $0x38;
	[tilespmem:$0x1E700] =	vst v63  }
0x46: {  	_ =	swait.ge [sflag:s10], $0x80  }
0x47: {  	[sflag:s10] =	ssyncset.done $0x0  }
0x48: {  	s22 =	rddreg [dreg:$0x1a];
	[sflag:s10] =	ssyncadd.s32 $0xFFFFFF80  }
0x49: {  	[spmem:s22] =	stream.linear.scatter [tilespmem:s15], [sflag:$0x6], $0x80, $0x38;
	[tilespmem:$0x1E700] =	vst v63  }
0x4a: {  	_ =	swait.ge [sflag:s10], $0x80  }
0x4b: {  	[sflag:s10] =	ssyncset.done $0x0  }
0x4c: {  	s3 =	rddreg [dreg:$0x1b];
	[sflag:s10] =	ssyncadd.s32 $0xFFFFFF80  }
0x4d: {  	[spmem:s3] =	stream.linear.scatter [tilespmem:s15], [sflag:$0x6], $0x80, $0x38;
	[tilespmem:$0x1E700] =	vst v63  }
0x4e: {  	_ =	swait.ge [sflag:s10], $0x80  }
0x4f: {  	[sflag:s10] =	ssyncset.done $0x0  }
0x50: {  	s21 =	rddreg [dreg:$0x1c];
	[sflag:s10] =	ssyncadd.s32 $0xFFFFFF80  }
0x51: {  	[spmem:s21] =	stream.linear.scatter [tilespmem:s15], [sflag:$0x6], $0x80, $0x38;
	[tilespmem:$0x1E700] =	vst v63  }
0x52: {  	_ =	swait.ge [sflag:s10], $0x80  }
0x53: {  	[sflag:s10] =	ssyncset.done $0x0  }
0x54: {  	s22 =	rddreg [dreg:$0x1d];
	[sflag:s10] =	ssyncadd.s32 $0xFFFFFF80  }
0x55: {  	[spmem:s22] =	stream.linear.scatter [tilespmem:s15], [sflag:$0x6], $0x80, $0x38;
	[tilespmem:$0x1E700] =	vst v63  }
0x56: {  	_ =	swait.ge [sflag:s10], $0x80  }
0x57: {  	[sflag:s10] =	ssyncset.done $0x0  }
0x58: {  	s3 =	rddreg [dreg:$0x17];
	[sflag:s10] =	ssyncadd.s32 $0xFFFFFF80  }
0x59: {  	[spmem:s3] =	stream.linear.scatter [tilespmem:s15], [sflag:$0x6], $0x1400, $0x38;
	[tilespmem:$0x1E700] =	vst v63  }
0x5a: {  	_ =	swait.ge [sflag:s10], $0x1400  }
0x5b: {  	[sflag:s10] =	ssyncset.done $0x0  }
0x5c: {  	s21 =	rddreg [dreg:$0x1e];
	[sflag:s10] =	ssyncadd.s32 $0xFFFFEC00  }
0x5d: {  	[spmem:s21] =	stream.linear.scatter [tilespmem:s15], [sflag:$0x6], $0x1400, $0x38;
	[tilespmem:$0x1E700] =	vst v63  }
0x5e: {  	_ =	swait.ge [sflag:s10], $0x1400  }
0x5f: {  	[sflag:s10] =	ssyncset.done $0x0  }
0x60: {  	s22 =	rddreg [dreg:$0x1f];
	[sflag:s10] =	ssyncadd.s32 $0xFFFFEC00  }
0x61: {  	[spmem:s22] =	stream.linear.scatter [tilespmem:s15], [sflag:$0x6], $0x1400, $0x38;
	[tilespmem:$0x1E700] =	vst v63  }
0x62: {  	_ =	swait.ge [sflag:s10], $0x1400  }
0x63: {  	s3 =	sld [smem:$0x7EE]  }
0x64: {  	[sflag:s10] =	ssyncset.done $0x0  }
0x65: {  	[sflag:s10] =	ssyncadd.s32 $0xFFFFEC00  }
0x66: {  	[spmem:s3] =	stream.linear.scatter [tilespmem:s15], [sflag:$0x6], $0x1400, $0x38;
	[tilespmem:$0x1E700] =	vst v63  }
0x67: {  	_ =	swait.ge [sflag:s10], $0x1400  }
0x68: {  	s21 =	sld [smem:$0x7EF]  }
0x69: {  	[sflag:s10] =	ssyncset.done $0x0  }
0x6a: {  	[sflag:s10] =	ssyncadd.s32 $0xFFFFEC00  }
0x6b: {  	[spmem:s21] =	stream.linear.scatter [tilespmem:s15], [sflag:$0x6], $0x1400, $0x38;
	[tilespmem:$0x1E700] =	vst v63  }
0x6c: {  	_ =	swait.ge [sflag:s10], $0x1400  }
0x6d: {  	s22 =	sld [smem:$0x7F0]  }
0x6e: {  	[sflag:s10] =	ssyncset.done $0x0  }
0x6f: {  	[sflag:s10] =	ssyncadd.s32 $0xFFFFEC00  }
0x70: {  	[spmem:s22] =	stream.linear.scatter [tilespmem:s15], [sflag:$0x6], $0x1400, $0x38;
	[tilespmem:$0x1E700] =	vst v63  }
0x71: {  	_ =	swait.ge [sflag:s10], $0x1400  }
0x72: {  	s3 =	sld [smem:$0x7F1]  }
0x73: {  	[sflag:s10] =	ssyncset.done $0x0  }
0x74: {  	[sflag:s10] =	ssyncadd.s32 $0xFFFFEC00  }
0x75: {  	[spmem:s3] =	stream.linear.scatter [tilespmem:s15], [sflag:$0x6], $0x1400, $0x38;
	[tilespmem:$0x1E700] =	vst v63  }
0x76: {  	_ =	swait.ge [sflag:s10], $0x1400  }
0x77: {  	s21 =	sld [smem:$0x7F2]  }
0x78: {  	[sflag:s10] =	ssyncset.done $0x0  }
0x79: {  	[sflag:s10] =	ssyncadd.s32 $0xFFFFEC00  }
0x7a: {  	[spmem:s21] =	stream.linear.scatter [tilespmem:s15], [sflag:$0x6], $0x1400, $0x38;
	[tilespmem:$0x1E700] =	vst v63  }
0x7b: {  	_ =	swait.ge [sflag:s10], $0x1400  }
0x7c: {  	s22 =	sld [smem:$0x7F3]  }
0x7d: {  	[sflag:s10] =	ssyncset.done $0x0  }
0x7e: {  	[sflag:s10] =	ssyncadd.s32 $0xFFFFEC00  }
0x7f: {  	[spmem:s22] =	stream.linear.scatter [tilespmem:s15], [sflag:$0x6], $0x1400, $0x38;
	[tilespmem:$0x1E700] =	vst v63  }
0x80: {  	_ =	swait.ge [sflag:s10], $0x1400  }
0x81: {  	s3 =	sld [smem:$0x7F5]  }
0x82: {  	[sflag:s10] =	ssyncset.done $0x0  }
0x83: {  	[sflag:s10] =	ssyncadd.s32 $0xFFFFEC00  }
0x84: {  	[spmem:s3] =	stream.linear.scatter [tilespmem:s15], [sflag:$0x6], $0x1400, $0x38;
	[tilespmem:$0x1E700] =	vst v63  }
0x85: {  	_ =	swait.ge [sflag:s10], $0x1400  }
0x86: {  	s21 =	sld [smem:$0x7F8]  }
0x87: {  	[sflag:s10] =	ssyncset.done $0x0  }
0x88: {  	[sflag:s10] =	ssyncadd.s32 $0xFFFFEC00  }
0x89: {  	[spmem:s21] =	stream.linear.scatter [tilespmem:s15], [sflag:$0x6], $0x1400, $0x38;
	[tilespmem:$0x1E700] =	vst v63  }
0x8a: {  	_ =	swait.ge [sflag:s10], $0x1400  }
0x8b: {  	s22 =	sld [smem:$0x7F9]  }
0x8c: {  	[sflag:s10] =	ssyncset.done $0x0  }
0x8d: {  	[sflag:s10] =	ssyncadd.s32 $0xFFFFEC00  }
0x8e: {  	[spmem:s22] =	stream.linear.scatter [tilespmem:s15], [sflag:$0x6], $0x1400, $0x38;
	[tilespmem:$0x1E700] =	vst v63  }
0x8f: {  	_ =	swait.ge [sflag:s10], $0x1400  }
0x90: {  	s3 =	sld [smem:$0x7FA]  }
0x91: {  	[sflag:s10] =	ssyncset.done $0x0  }
0x92: {  	[sflag:s10] =	ssyncadd.s32 $0xFFFFEC00  }
0x93: {  	[spmem:s3] =	stream.linear.scatter [tilespmem:s15], [sflag:$0x6], $0x1400, $0x38;
	[tilespmem:$0x1E700] =	vst v63  }
0x94: {  	_ =	swait.ge [sflag:s10], $0x1400  }
0x95: {  	s21 =	sld [smem:$0x7FB]  }
0x96: {  	[sflag:s10] =	ssyncset.done $0x0  }
0x97: {  	[sflag:s10] =	ssyncadd.s32 $0xFFFFEC00  }
0x98: {  	[spmem:s21] =	stream.linear.scatter [tilespmem:s15], [sflag:$0x6], $0x1400, $0x38;
	[tilespmem:$0x1E700] =	vst v63  }
0x99: {  	_ =	swait.ge [sflag:s10], $0x1400  }
0x9a: {  	s22 =	sld [smem:$0x7FC]  }
0x9b: {  	[sflag:s10] =	ssyncset.done $0x0  }
0x9c: {  	[sflag:s10] =	ssyncadd.s32 $0xFFFFEC00  }
0x9d: {  	[spmem:s22] =	stream.linear.scatter [tilespmem:s15], [sflag:$0x6], $0x1400, $0x38;
	[tilespmem:$0x1E700] =	vst v63  }
0x9e: {  	_ =	swait.ge [sflag:s10], $0x1400  }
0x9f: {  	s3 =	sld [smem:$0x7FD]  }
0xa0: {  	[sflag:s10] =	ssyncset.done $0x0  }
0xa1: {  	[sflag:s10] =	ssyncadd.s32 $0xFFFFEC00  }
0xa2: {  	[spmem:s3] =	stream.linear.scatter [tilespmem:s15], [sflag:$0x6], $0x1400, $0x38;
	[tilespmem:$0x1E700] =	vst v63  }
0xa3: {  	_ =	swait.ge [sflag:s10], $0x1400  }
0xa4: {  	[sflag:s10] =	ssyncset.done $0x0  }
0xa5: {  	[sflag:s10] =	ssyncadd.s32 $0xFFFFEC00  }
0xa6: {  	[bflag:$0x0] =	sbarrier.arrive $0xFFFF  }
0xa7: {  	s21 =	rddreg [dreg:$0x7]  }
0xa8: {  	s9 =	sadd.s32 $0x0, s21  }
0xa9: {  	[tilespmem:s4], [sflag:$0x6] =	stream.linear.gather [hbm4b:s9+s4], $0x800, $0x38;
	[tilespmem:$0x1E700] =	vst v63  }
0xaa: {  	_ =	swait.ge [sflag:s10], $0x800  }
0xab: {  	s22 =	rddreg [dreg:$0x6];
	[sflag:s10] =	ssyncset.done $0x0  }
0xac: {  	[sflag:s10] =	ssyncadd.s32 $0xFFFFF800;
	s9 =	sadd.s32 $0x0, s22  }
0xad: {  	[tilespmem:s0], [sflag:$0x6] =	stream.linear.gather [hbm4b:s9+s4], $0x800, $0x38;
	[tilespmem:$0x1E700] =	vst v63  }
0xae: {  	_ =	swait.ge [sflag:s10], $0x800  }
0xaf: {  	[sflag:s10] =	ssyncset.done $0x0  }
0xb0: {  	[sflag:s10] =	ssyncadd.s32 $0xFFFFF800  }
0xb1: {  	[tilespmem:s13], [sflag:$0x1] =	stream.indirect.gather [hbm4b:s5+s12], $0x80, s4, s12, $0xb8;
	[tilespmem:$0x1E700] =	vst v63  }
0xb2: {  	_ = 	snop  }
0xb3: {  	[tilespmem:s6], [sflag:$0x2] =	stream.indirect.gather [hbm4b:s5+s12], $0x80, s12, s12, $0xb8;
	[tilespmem:$0x1E700] =	vst v63  }
0xb4: {  	_ = 	snop  }
0xb5: {  	[spmem:s2] =	stream.indirect.scatter.add.f32 [tilespmem:s14], [sflag:$0x5], $0x1, s0, s12, $0xb8;
	[tilespmem:$0x1E700] =	vst v63  }
0xb6: {  	_ = 	snop  }
0xb7: {  	[spmem:s2] =	stream.indirect.scatter.add.f32 [tilespmem:s14], [sflag:$0x5], $0x1, s23, s12, $0xb8;
	[tilespmem:$0x1E700] =	vst v63  }
0xb8: {  	_ =	swait.ge [sflag:s16], $0x4000  }
0xb9: {  	[sflag:s16] =	ssyncset.done $0x0  }
0xba: {  	[sflag:s16] =	ssyncadd.s32 $0xFFFFC000  }
0xbb: {  	[spmem:s1] =	stream.indirect.scatter.add.f32 [tilespmem:s13], [sflag:$0x3], $0x80, s0, s12, $0xb8;
	[tilespmem:$0x1E700] =	vst v63  }
0xbc: {  	_ =	swait.ge [sflag:s17], $0x4000  }
0xbd: {  	[sflag:s17] =	ssyncset.done $0x0  }
0xbe: {  	[sflag:s17] =	ssyncadd.s32 $0xFFFFC000  }
0xbf: {  	[spmem:s1] =	stream.indirect.scatter.add.f32 [tilespmem:s6], [sflag:$0x4], $0x80, s23, s12, $0xb8;
	[tilespmem:$0x1E700] =	vst v63  }
0xc0: {  	_ =	swait.ge [sflag:s18], $0x4000  }
0xc1: {  	[sflag:s18] =	ssyncset.done $0x0  }
0xc2: {  	[sflag:s18] =	ssyncadd.s32 $0xFFFFC000  }
0xc3: {  	_ =	swait.ge [sflag:s19], $0x80  }
0xc4: {  	[sflag:s19] =	ssyncset.done $0x0  }
0xc5: {  	[sflag:s19] =	ssyncadd.s32 $0xFFFFFF80  }
0xc6: {  	_ =	swait.ge [sflag:s20], $0x4000  }
0xc7: {  	[sflag:s20] =	ssyncset.done $0x0  }
0xc8: {  	[sflag:s20] =	ssyncadd.s32 $0xFFFFC000  }
0xc9: {  	_ =	swait.ge [sflag:s19], $0x80  }
0xca: {  	[sflag:s19] =	ssyncset.done $0x0  }
0xcb: {  	s3 =	rddreg [dreg:$0x8];
	[sflag:s19] =	ssyncadd.s32 $0xFFFFFF80  }
0xcc: {  	[tilespmem:s13], [sflag:$0x1] =	stream.indirect.gather [hbm4b:s5+s12], $0x80, s3, s12, $0xb8;
	[tilespmem:$0x1E700] =	vst v63  }
0xcd: {  	s4 =	rddreg [dreg:$0x9]  }
0xce: {  	[tilespmem:s6], [sflag:$0x2] =	stream.indirect.gather [hbm4b:s5+s12], $0x80, s4, s12, $0xb8;
	[tilespmem:$0x1E700] =	vst v63  }
0xcf: {  	_ = 	snop  }
0xd0: {  	[spmem:s2] =	stream.indirect.scatter.add.f32 [tilespmem:s14], [sflag:$0x5], $0x1, s24, s12, $0xb8;
	[tilespmem:$0x1E700] =	vst v63  }
0xd1: {  	_ = 	snop  }
0xd2: {  	[spmem:s2] =	stream.indirect.scatter.add.f32 [tilespmem:s14], [sflag:$0x5], $0x1, s25, s12, $0xb8;
	[tilespmem:$0x1E700] =	vst v63  }
0xd3: {  	_ =	swait.ge [sflag:s16], $0x4000  }
0xd4: {  	[sflag:s16] =	ssyncset.done $0x0  }
0xd5: {  	[sflag:s16] =	ssyncadd.s32 $0xFFFFC000  }
0xd6: {  	[spmem:s1] =	stream.indirect.scatter.add.f32 [tilespmem:s13], [sflag:$0x3], $0x80, s24, s12, $0xb8;
	[tilespmem:$0x1E700] =	vst v63  }
0xd7: {  	_ =	swait.ge [sflag:s17], $0x4000  }
0xd8: {  	[sflag:s17] =	ssyncset.done $0x0  }
0xd9: {  	[sflag:s17] =	ssyncadd.s32 $0xFFFFC000  }
0xda: {  	[spmem:s1] =	stream.indirect.scatter.add.f32 [tilespmem:s6], [sflag:$0x4], $0x80, s25, s12, $0xb8;
	[tilespmem:$0x1E700] =	vst v63  }
0xdb: {  	_ =	swait.ge [sflag:s18], $0x4000  }
0xdc: {  	[sflag:s18] =	ssyncset.done $0x0  }
0xdd: {  	[sflag:s18] =	ssyncadd.s32 $0xFFFFC000  }
0xde: {  	_ =	swait.ge [sflag:s19], $0x80  }
0xdf: {  	[sflag:s19] =	ssyncset.done $0x0  }
0xe0: {  	[sflag:s19] =	ssyncadd.s32 $0xFFFFFF80  }
0xe1: {  	_ =	swait.ge [sflag:s20], $0x4000  }
0xe2: {  	[sflag:s20] =	ssyncset.done $0x0  }
0xe3: {  	[sflag:s20] =	ssyncadd.s32 $0xFFFFC000  }
0xe4: {  	_ =	swait.ge [sflag:s19], $0x80  }
0xe5: {  	[sflag:s19] =	ssyncset.done $0x0  }
0xe6: {  	s15 =	rddreg [dreg:$0xa];
	[sflag:s19] =	ssyncadd.s32 $0xFFFFFF80  }
0xe7: {  	[tilespmem:s13], [sflag:$0x1] =	stream.indirect.gather [hbm4b:s5+s12], $0x80, s15, s12, $0xb8;
	[tilespmem:$0x1E700] =	vst v63  }
0xe8: {  	s21 =	rddreg [dreg:$0xb]  }
0xe9: {  	[tilespmem:s6], [sflag:$0x2] =	stream.indirect.gather [hbm4b:s5+s12], $0x80, s21, s12, $0xb8;
	[tilespmem:$0x1E700] =	vst v63  }
0xea: {  	_ = 	snop  }
0xeb: {  	[spmem:s2] =	stream.indirect.scatter.add.f32 [tilespmem:s14], [sflag:$0x5], $0x1, s26, s12, $0xb8;
	[tilespmem:$0x1E700] =	vst v63  }
0xec: {  	_ = 	snop  }
0xed: {  	[spmem:s2] =	stream.indirect.scatter.add.f32 [tilespmem:s14], [sflag:$0x5], $0x1, s28, s12, $0xb8;
	[tilespmem:$0x1E700] =	vst v63  }
0xee: {  	_ =	swait.ge [sflag:s16], $0x4000  }
0xef: {  	[sflag:s16] =	ssyncset.done $0x0  }
0xf0: {  	[sflag:s16] =	ssyncadd.s32 $0xFFFFC000  }
0xf1: {  	[spmem:s1] =	stream.indirect.scatter.add.f32 [tilespmem:s13], [sflag:$0x3], $0x80, s26, s12, $0xb8;
	[tilespmem:$0x1E700] =	vst v63  }
0xf2: {  	_ =	swait.ge [sflag:s17], $0x4000  }
0xf3: {  	[sflag:s17] =	ssyncset.done $0x0  }
0xf4: {  	[sflag:s17] =	ssyncadd.s32 $0xFFFFC000  }
0xf5: {  	[spmem:s1] =	stream.indirect.scatter.add.f32 [tilespmem:s6], [sflag:$0x4], $0x80, s28, s12, $0xb8;
	[tilespmem:$0x1E700] =	vst v63  }
0xf6: {  	_ =	swait.ge [sflag:s18], $0x4000  }
0xf7: {  	[sflag:s18] =	ssyncset.done $0x0  }
0xf8: {  	[sflag:s18] =	ssyncadd.s32 $0xFFFFC000  }
0xf9: {  	_ =	swait.ge [sflag:s19], $0x80  }
0xfa: {  	[sflag:s19] =	ssyncset.done $0x0  }
0xfb: {  	[sflag:s19] =	ssyncadd.s32 $0xFFFFFF80  }
0xfc: {  	_ =	swait.ge [sflag:s20], $0x4000  }
0xfd: {  	[sflag:s20] =	ssyncset.done $0x0  }
0xfe: {  	[sflag:s20] =	ssyncadd.s32 $0xFFFFC000  }
0xff: {  	_ =	swait.ge [sflag:s19], $0x80  }
0x100: {  	[sflag:s19] =	ssyncset.done $0x0  }
0x101: {  	s22 =	rddreg [dreg:$0xc];
	[sflag:s19] =	ssyncadd.s32 $0xFFFFFF80  }
0x102: {  	[tilespmem:s13], [sflag:$0x1] =	stream.indirect.gather [hbm4b:s5+s12], $0x80, s22, s12, $0xb8;
	[tilespmem:$0x1E700] =	vst v63  }
0x103: {  	s0 =	rddreg [dreg:$0xd]  }
0x104: {  	[tilespmem:s6], [sflag:$0x2] =	stream.indirect.gather [hbm4b:s5+s12], $0x80, s0, s12, $0xb8;
	[tilespmem:$0x1E700] =	vst v63  }
0x105: {  	_ = 	snop  }
0x106: {  	[spmem:s2] =	stream.indirect.scatter.add.f32 [tilespmem:s14], [sflag:$0x5], $0x1, s29, s12, $0xb8;
	[tilespmem:$0x1E700] =	vst v63  }
0x107: {  	_ = 	snop  }
0x108: {  	[spmem:s2] =	stream.indirect.scatter.add.f32 [tilespmem:s14], [sflag:$0x5], $0x1, s30, s12, $0xb8;
	[tilespmem:$0x1E700] =	vst v63  }
0x109: {  	_ =	swait.ge [sflag:s16], $0x4000  }
0x10a: {  	[sflag:s16] =	ssyncset.done $0x0  }
0x10b: {  	[sflag:s16] =	ssyncadd.s32 $0xFFFFC000  }
0x10c: {  	[spmem:s1] =	stream.indirect.scatter.add.f32 [tilespmem:s13], [sflag:$0x3], $0x80, s29, s12, $0xb8;
	[tilespmem:$0x1E700] =	vst v63  }
0x10d: {  	_ =	swait.ge [sflag:s17], $0x4000  }
0x10e: {  	[sflag:s17] =	ssyncset.done $0x0  }
0x10f: {  	[sflag:s17] =	ssyncadd.s32 $0xFFFFC000  }
0x110: {  	[spmem:s1] =	stream.indirect.scatter.add.f32 [tilespmem:s6], [sflag:$0x4], $0x80, s30, s12, $0xb8;
	[tilespmem:$0x1E700] =	vst v63  }
0x111: {  	_ =	swait.ge [sflag:s18], $0x4000  }
0x112: {  	[sflag:s18] =	ssyncset.done $0x0  }
0x113: {  	[sflag:s18] =	ssyncadd.s32 $0xFFFFC000  }
0x114: {  	_ =	swait.ge [sflag:s19], $0x80  }
0x115: {  	[sflag:s19] =	ssyncset.done $0x0  }
0x116: {  	[sflag:s19] =	ssyncadd.s32 $0xFFFFFF80  }
0x117: {  	_ =	swait.ge [sflag:s20], $0x4000  }
0x118: {  	[sflag:s20] =	ssyncset.done $0x0  }
0x119: {  	[sflag:s20] =	ssyncadd.s32 $0xFFFFC000  }
0x11a: {  	_ =	swait.ge [sflag:s19], $0x80  }
0x11b: {  	[sflag:s19] =	ssyncset.done $0x0  }
0x11c: {  	s3 =	rddreg [dreg:$0xe];
	[sflag:s19] =	ssyncadd.s32 $0xFFFFFF80  }
0x11d: {  	[tilespmem:s13], [sflag:$0x1] =	stream.indirect.gather [hbm4b:s5+s12], $0x80, s3, s12, $0xb8;
	[tilespmem:$0x1E700] =	vst v63  }
0x11e: {  	s4 =	rddreg [dreg:$0xf]  }
0x11f: {  	[tilespmem:s6], [sflag:$0x2] =	stream.indirect.gather [hbm4b:s5+s12], $0x80, s4, s12, $0xb8;
	[tilespmem:$0x1E700] =	vst v63  }
0x120: {  	_ = 	snop  }
0x121: {  	[spmem:s2] =	stream.indirect.scatter.add.f32 [tilespmem:s14], [sflag:$0x5], $0x1, s31, s12, $0xb8;
	[tilespmem:$0x1E700] =	vst v63  }
0x122: {  	s15 =	simm.s32 $0xC80  }
0x123: {  	[spmem:s2] =	stream.indirect.scatter.add.f32 [tilespmem:s14], [sflag:$0x5], $0x1, s15, s12, $0xb8;
	[tilespmem:$0x1E700] =	vst v63  }
0x124: {  	_ =	swait.ge [sflag:s16], $0x4000  }
0x125: {  	[sflag:s16] =	ssyncset.done $0x0  }
0x126: {  	[sflag:s16] =	ssyncadd.s32 $0xFFFFC000  }
0x127: {  	[spmem:s1] =	stream.indirect.scatter.add.f32 [tilespmem:s13], [sflag:$0x3], $0x80, s31, s12, $0xb8;
	[tilespmem:$0x1E700] =	vst v63  }
0x128: {  	_ =	swait.ge [sflag:s17], $0x4000  }
0x129: {  	[sflag:s17] =	ssyncset.done $0x0  }
0x12a: {  	[sflag:s17] =	ssyncadd.s32 $0xFFFFC000  }
0x12b: {  	[spmem:s1] =	stream.indirect.scatter.add.f32 [tilespmem:s6], [sflag:$0x4], $0x80, s15, s12, $0xb8;
	[tilespmem:$0x1E700] =	vst v63  }
0x12c: {  	_ =	swait.ge [sflag:s18], $0x4000  }
0x12d: {  	[sflag:s18] =	ssyncset.done $0x0  }
0x12e: {  	[sflag:s18] =	ssyncadd.s32 $0xFFFFC000  }
0x12f: {  	_ =	swait.ge [sflag:s19], $0x80  }
0x130: {  	[sflag:s19] =	ssyncset.done $0x0  }
0x131: {  	[sflag:s19] =	ssyncadd.s32 $0xFFFFFF80  }
0x132: {  	_ =	swait.ge [sflag:s20], $0x4000  }
0x133: {  	[sflag:s20] =	ssyncset.done $0x0  }
0x134: {  	[sflag:s20] =	ssyncadd.s32 $0xFFFFC000  }
0x135: {  	_ =	swait.ge [sflag:s19], $0x80  }
0x136: {  	[sflag:s19] =	ssyncset.done $0x0  }
0x137: {  	s21 =	rddreg [dreg:$0x10];
	[sflag:s19] =	ssyncadd.s32 $0xFFFFFF80  }
0x138: {  	[tilespmem:s13], [sflag:$0x1] =	stream.indirect.gather [hbm4b:s5+s12], $0x80, s21, s12, $0xb8;
	[tilespmem:$0x1E700] =	vst v63  }
0x139: {  	s22 =	rddreg [dreg:$0x11]  }
0x13a: {  	[tilespmem:s6], [sflag:$0x2] =	stream.indirect.gather [hbm4b:s5+s12], $0x80, s22, s12, $0xb8;
	[tilespmem:$0x1E700] =	vst v63  }
0x13b: {  	s3 =	simm.s32 $0xD00  }
0x13c: {  	[spmem:s2] =	stream.indirect.scatter.add.f32 [tilespmem:s14], [sflag:$0x5], $0x1, s3, s12, $0xb8;
	[tilespmem:$0x1E700] =	vst v63  }
0x13d: {  	_ = 	snop  }
0x13e: {  	[spmem:s2] =	stream.indirect.scatter.add.f32 [tilespmem:s14], [sflag:$0x5], $0x1, s8, s12, $0xb8;
	[tilespmem:$0x1E700] =	vst v63  }
0x13f: {  	_ =	swait.ge [sflag:s16], $0x4000  }
0x140: {  	[sflag:s16] =	ssyncset.done $0x0  }
0x141: {  	[sflag:s16] =	ssyncadd.s32 $0xFFFFC000  }
0x142: {  	[spmem:s1] =	stream.indirect.scatter.add.f32 [tilespmem:s13], [sflag:$0x3], $0x80, s3, s12, $0xb8;
	[tilespmem:$0x1E700] =	vst v63  }
0x143: {  	_ =	swait.ge [sflag:s17], $0x4000  }
0x144: {  	[sflag:s17] =	ssyncset.done $0x0  }
0x145: {  	[sflag:s17] =	ssyncadd.s32 $0xFFFFC000  }
0x146: {  	[spmem:s1] =	stream.indirect.scatter.add.f32 [tilespmem:s6], [sflag:$0x4], $0x80, s8, s12, $0xb8;
	[tilespmem:$0x1E700] =	vst v63  }
0x147: {  	_ =	swait.ge [sflag:s18], $0x4000  }
0x148: {  	[sflag:s18] =	ssyncset.done $0x0  }
0x149: {  	[sflag:s18] =	ssyncadd.s32 $0xFFFFC000  }
0x14a: {  	_ =	swait.ge [sflag:s19], $0x80  }
0x14b: {  	[sflag:s19] =	ssyncset.done $0x0  }
0x14c: {  	[sflag:s19] =	ssyncadd.s32 $0xFFFFFF80  }
0x14d: {  	_ =	swait.ge [sflag:s20], $0x4000  }
0x14e: {  	[sflag:s20] =	ssyncset.done $0x0  }
0x14f: {  	[sflag:s20] =	ssyncadd.s32 $0xFFFFC000  }
0x150: {  	_ =	swait.ge [sflag:s19], $0x80  }
0x151: {  	[sflag:s19] =	ssyncset.done $0x0  }
0x152: {  	s0 =	rddreg [dreg:$0x12];
	[sflag:s19] =	ssyncadd.s32 $0xFFFFFF80  }
0x153: {  	[tilespmem:s13], [sflag:$0x1] =	stream.indirect.gather [hbm4b:s5+s12], $0x80, s0, s12, $0xb8;
	[tilespmem:$0x1E700] =	vst v63  }
0x154: {  	s4 =	rddreg [dreg:$0x13]  }
0x155: {  	[tilespmem:s6], [sflag:$0x2] =	stream.indirect.gather [hbm4b:s5+s12], $0x80, s4, s12, $0xb8;
	[tilespmem:$0x1E700] =	vst v63  }
0x156: {  	_ = 	snop  }
0x157: {  	[spmem:s2] =	stream.indirect.scatter.add.f32 [tilespmem:s14], [sflag:$0x5], $0x1, s7, s12, $0xb8;
	[tilespmem:$0x1E700] =	vst v63  }
0x158: {  	s4 =	simm.s32 $0xE80  }
0x159: {  	[spmem:s2] =	stream.indirect.scatter.add.f32 [tilespmem:s14], [sflag:$0x5], $0x1, s4, s12, $0xb8;
	[tilespmem:$0x1E700] =	vst v63  }
0x15a: {  	_ =	swait.ge [sflag:s16], $0x4000  }
0x15b: {  	[sflag:s16] =	ssyncset.done $0x0  }
0x15c: {  	[sflag:s16] =	ssyncadd.s32 $0xFFFFC000  }
0x15d: {  	[spmem:s1] =	stream.indirect.scatter.add.f32 [tilespmem:s13], [sflag:$0x3], $0x80, s7, s12, $0xb8;
	[tilespmem:$0x1E700] =	vst v63  }
0x15e: {  	_ =	swait.ge [sflag:s17], $0x4000  }
0x15f: {  	[sflag:s17] =	ssyncset.done $0x0  }
0x160: {  	[sflag:s17] =	ssyncadd.s32 $0xFFFFC000  }
0x161: {  	[spmem:s1] =	stream.indirect.scatter.add.f32 [tilespmem:s6], [sflag:$0x4], $0x80, s4, s12, $0xb8;
	[tilespmem:$0x1E700] =	vst v63  }
0x162: {  	_ =	swait.ge [sflag:s18], $0x4000  }
0x163: {  	[sflag:s18] =	ssyncset.done $0x0  }
0x164: {  	[sflag:s18] =	ssyncadd.s32 $0xFFFFC000  }
0x165: {  	_ =	swait.ge [sflag:s19], $0x80  }
0x166: {  	[sflag:s19] =	ssyncset.done $0x0  }
0x167: {  	[sflag:s19] =	ssyncadd.s32 $0xFFFFFF80  }
0x168: {  	_ =	swait.ge [sflag:s20], $0x4000  }
0x169: {  	[sflag:s20] =	ssyncset.done $0x0  }
0x16a: {  	[sflag:s20] =	ssyncadd.s32 $0xFFFFC000  }
0x16b: {  	_ =	swait.ge [sflag:s19], $0x80  }
0x16c: {  	[sflag:s19] =	ssyncset.done $0x0  }
0x16d: {  	s21 =	rddreg [dreg:$0x14];
	[sflag:s19] =	ssyncadd.s32 $0xFFFFFF80  }
0x16e: {  	[tilespmem:s13], [sflag:$0x1] =	stream.indirect.gather [hbm4b:s5+s12], $0x80, s21, s12, $0xb8;
	[tilespmem:$0x1E700] =	vst v63  }
0x16f: {  	s22 =	rddreg [dreg:$0x15]  }
0x170: {  	[tilespmem:s6], [sflag:$0x2] =	stream.indirect.gather [hbm4b:s5+s12], $0x80, s22, s12, $0xb8;
	[tilespmem:$0x1E700] =	vst v63  }
0x171: {  	s21 =	simm.s32 $0xF00  }
0x172: {  	[spmem:s2] =	stream.indirect.scatter.add.f32 [tilespmem:s14], [sflag:$0x5], $0x1, s21, s12, $0xb8;
	[tilespmem:$0x1E700] =	vst v63  }
0x173: {  	s22 =	simm.s32 $0xF80  }
0x174: {  	[spmem:s2] =	stream.indirect.scatter.add.f32 [tilespmem:s14], [sflag:$0x5], $0x1, s22, s12, $0xb8;
	[tilespmem:$0x1E700] =	vst v63  }
0x175: {  	_ =	swait.ge [sflag:s16], $0x4000  }
0x176: {  	[sflag:s16] =	ssyncset.done $0x0  }
0x177: {  	[sflag:s16] =	ssyncadd.s32 $0xFFFFC000  }
0x178: {  	[spmem:s1] =	stream.indirect.scatter.add.f32 [tilespmem:s13], [sflag:$0x3], $0x80, s21, s12, $0xb8;
	[tilespmem:$0x1E700] =	vst v63  }
0x179: {  	_ =	swait.ge [sflag:s17], $0x4000  }
0x17a: {  	[sflag:s17] =	ssyncset.done $0x0  }
0x17b: {  	[sflag:s17] =	ssyncadd.s32 $0xFFFFC000  }
0x17c: {  	[spmem:s1] =	stream.indirect.scatter.add.f32 [tilespmem:s6], [sflag:$0x4], $0x80, s22, s12, $0xb8;
	[tilespmem:$0x1E700] =	vst v63  }
0x17d: {  	_ =	swait.ge [sflag:s18], $0x4000  }
0x17e: {  	[sflag:s18] =	ssyncset.done $0x0  }
0x17f: {  	[sflag:s18] =	ssyncadd.s32 $0xFFFFC000  }
0x180: {  	_ =	swait.ge [sflag:s19], $0x80  }
0x181: {  	[sflag:s19] =	ssyncset.done $0x0  }
0x182: {  	[sflag:s19] =	ssyncadd.s32 $0xFFFFFF80  }
0x183: {  	_ =	swait.ge [sflag:s20], $0x4000  }
0x184: {  	[sflag:s20] =	ssyncset.done $0x0  }
0x185: {  	[sflag:s20] =	ssyncadd.s32 $0xFFFFC000  }
0x186: {  	s9 =	simm.s32 $0x100;
	s15 =	simm.s32 $0x200;
	_ =	swait.ge [sflag:s19], $0x80  }
0x187: {  	s0 =	simm.s32 $0x800;
	s21 =	rddreg [dreg:$0x7];
	[sflag:s19] =	ssyncset.done $0x0  }
.LBB2_4:
0x188: {  	[sflag:s19] =	ssyncadd.s32 $0xFFFFFF80;
	s21 =	sadd.s32 s9, s21  }
0x189: {  	[tilespmem:s11], [sflag:$0x6] =	stream.linear.gather [hbm4b:s21+s11], $0x800, $0x38;
	[tilespmem:$0x1E700] =	vst v63  }
0x18a: {  	_ =	swait.ge [sflag:s10], $0x800  }
0x18b: {  	s21 =	rddreg [dreg:$0x6];
	[sflag:s10] =	ssyncset.done $0x0  }
0x18c: {  	[sflag:s10] =	ssyncadd.s32 $0xFFFFF800;
	s21 =	sadd.s32 s9, s21  }
0x18d: {  	[tilespmem:s0], [sflag:$0x6] =	stream.linear.gather [hbm4b:s21+s11], $0x800, $0x38;
	[tilespmem:$0x1E700] =	vst v63  }
0x18e: {  	_ =	swait.ge [sflag:s10], $0x800  }
0x18f: {  	[sflag:s10] =	ssyncset.done $0x0  }
0x190: {  	[sflag:s10] =	ssyncadd.s32 $0xFFFFF800  }
0x191: {  	[tilespmem:s13], [sflag:$0x1] =	stream.indirect.gather [hbm4b:s5+s12], $0x80, s11, s12, $0xb8;
	[tilespmem:$0x1E700] =	vst v63  }
0x192: {  	_ = 	snop  }
0x193: {  	[tilespmem:s6], [sflag:$0x2] =	stream.indirect.gather [hbm4b:s5+s12], $0x80, s12, s12, $0xb8;
	[tilespmem:$0x1E700] =	vst v63  }
0x194: {  	_ = 	snop  }
0x195: {  	[spmem:s2] =	stream.indirect.scatter.add.f32 [tilespmem:s14], [sflag:$0x5], $0x1, s0, s12, $0xb8;
	[tilespmem:$0x1E700] =	vst v63  }
0x196: {  	_ = 	snop  }
0x197: {  	[spmem:s2] =	stream.indirect.scatter.add.f32 [tilespmem:s14], [sflag:$0x5], $0x1, s23, s12, $0xb8;
	[tilespmem:$0x1E700] =	vst v63  }
0x198: {  	_ =	swait.ge [sflag:s16], $0x4000  }
0x199: {  	[sflag:s16] =	ssyncset.done $0x0  }
0x19a: {  	[sflag:s16] =	ssyncadd.s32 $0xFFFFC000  }
0x19b: {  	[spmem:s1] =	stream.indirect.scatter.add.f32 [tilespmem:s13], [sflag:$0x3], $0x80, s0, s12, $0xb8;
	[tilespmem:$0x1E700] =	vst v63  }
0x19c: {  	_ =	swait.ge [sflag:s17], $0x4000  }
0x19d: {  	[sflag:s17] =	ssyncset.done $0x0  }
0x19e: {  	[sflag:s17] =	ssyncadd.s32 $0xFFFFC000  }
0x19f: {  	[spmem:s1] =	stream.indirect.scatter.add.f32 [tilespmem:s6], [sflag:$0x4], $0x80, s23, s12, $0xb8;
	[tilespmem:$0x1E700] =	vst v63  }
0x1a0: {  	_ =	swait.ge [sflag:s18], $0x4000  }
0x1a1: {  	[sflag:s18] =	ssyncset.done $0x0  }
0x1a2: {  	[sflag:s18] =	ssyncadd.s32 $0xFFFFC000  }
0x1a3: {  	_ =	swait.ge [sflag:s19], $0x80  }
0x1a4: {  	[sflag:s19] =	ssyncset.done $0x0  }
0x1a5: {  	[sflag:s19] =	ssyncadd.s32 $0xFFFFFF80  }
0x1a6: {  	_ =	swait.ge [sflag:s20], $0x4000  }
0x1a7: {  	[sflag:s20] =	ssyncset.done $0x0  }
0x1a8: {  	[sflag:s20] =	ssyncadd.s32 $0xFFFFC000  }
0x1a9: {  	_ =	swait.ge [sflag:s19], $0x80  }
0x1aa: {  	[sflag:s19] =	ssyncset.done $0x0  }
0x1ab: {  	s22 =	smov.u32 s15;
	s21 =	rddreg [dreg:$0x8];
	[sflag:s19] =	ssyncadd.s32 $0xFFFFFF80  }
0x1ac: {  	[tilespmem:s13], [sflag:$0x1] =	stream.indirect.gather [hbm4b:s5+s12], $0x80, s21, s12, $0xb8;
	[tilespmem:$0x1E700] =	vst v63  }
0x1ad: {  	s9 =	smov.u32 s22;
	s22 =	rddreg [dreg:$0x9]  }
0x1ae: {  	[tilespmem:s6], [sflag:$0x2] =	stream.indirect.gather [hbm4b:s5+s12], $0x80, s22, s12, $0xb8;
	[tilespmem:$0x1E700] =	vst v63  }
0x1af: {  	_ = 	snop  }
0x1b0: {  	[spmem:s2] =	stream.indirect.scatter.add.f32 [tilespmem:s14], [sflag:$0x5], $0x1, s24, s12, $0xb8;
	[tilespmem:$0x1E700] =	vst v63  }
0x1b1: {  	_ = 	snop  }
0x1b2: {  	[spmem:s2] =	stream.indirect.scatter.add.f32 [tilespmem:s14], [sflag:$0x5], $0x1, s25, s12, $0xb8;
	[tilespmem:$0x1E700] =	vst v63  }
0x1b3: {  	_ =	swait.ge [sflag:s16], $0x4000  }
0x1b4: {  	[sflag:s16] =	ssyncset.done $0x0  }
0x1b5: {  	[sflag:s16] =	ssyncadd.s32 $0xFFFFC000  }
0x1b6: {  	[spmem:s1] =	stream.indirect.scatter.add.f32 [tilespmem:s13], [sflag:$0x3], $0x80, s24, s12, $0xb8;
	[tilespmem:$0x1E700] =	vst v63  }
0x1b7: {  	_ =	swait.ge [sflag:s17], $0x4000  }
0x1b8: {  	[sflag:s17] =	ssyncset.done $0x0  }
0x1b9: {  	[sflag:s17] =	ssyncadd.s32 $0xFFFFC000  }
0x1ba: {  	[spmem:s1] =	stream.indirect.scatter.add.f32 [tilespmem:s6], [sflag:$0x4], $0x80, s25, s12, $0xb8;
	[tilespmem:$0x1E700] =	vst v63  }
0x1bb: {  	_ =	swait.ge [sflag:s18], $0x4000  }
0x1bc: {  	[sflag:s18] =	ssyncset.done $0x0  }
0x1bd: {  	[sflag:s18] =	ssyncadd.s32 $0xFFFFC000  }
0x1be: {  	_ =	swait.ge [sflag:s19], $0x80  }
0x1bf: {  	[sflag:s19] =	ssyncset.done $0x0  }
0x1c0: {  	[sflag:s19] =	ssyncadd.s32 $0xFFFFFF80  }
0x1c1: {  	_ =	swait.ge [sflag:s20], $0x4000  }
0x1c2: {  	[sflag:s20] =	ssyncset.done $0x0  }
0x1c3: {  	[sflag:s20] =	ssyncadd.s32 $0xFFFFC000  }
0x1c4: {  	_ =	swait.ge [sflag:s19], $0x80  }
0x1c5: {  	[sflag:s19] =	ssyncset.done $0x0  }
0x1c6: {  	s21 =	rddreg [dreg:$0xa];
	[sflag:s19] =	ssyncadd.s32 $0xFFFFFF80  }
0x1c7: {  	[tilespmem:s13], [sflag:$0x1] =	stream.indirect.gather [hbm4b:s5+s12], $0x80, s21, s12, $0xb8;
	[tilespmem:$0x1E700] =	vst v63  }
0x1c8: {  	s22 =	rddreg [dreg:$0xb]  }
0x1c9: {  	[tilespmem:s6], [sflag:$0x2] =	stream.indirect.gather [hbm4b:s5+s12], $0x80, s22, s12, $0xb8;
	[tilespmem:$0x1E700] =	vst v63  }
0x1ca: {  	_ = 	snop  }
0x1cb: {  	[spmem:s2] =	stream.indirect.scatter.add.f32 [tilespmem:s14], [sflag:$0x5], $0x1, s26, s12, $0xb8;
	[tilespmem:$0x1E700] =	vst v63  }
0x1cc: {  	_ = 	snop  }
0x1cd: {  	[spmem:s2] =	stream.indirect.scatter.add.f32 [tilespmem:s14], [sflag:$0x5], $0x1, s28, s12, $0xb8;
	[tilespmem:$0x1E700] =	vst v63  }
0x1ce: {  	_ =	swait.ge [sflag:s16], $0x4000  }
0x1cf: {  	[sflag:s16] =	ssyncset.done $0x0  }
0x1d0: {  	[sflag:s16] =	ssyncadd.s32 $0xFFFFC000  }
0x1d1: {  	[spmem:s1] =	stream.indirect.scatter.add.f32 [tilespmem:s13], [sflag:$0x3], $0x80, s26, s12, $0xb8;
	[tilespmem:$0x1E700] =	vst v63  }
0x1d2: {  	_ =	swait.ge [sflag:s17], $0x4000  }
0x1d3: {  	[sflag:s17] =	ssyncset.done $0x0  }
0x1d4: {  	[sflag:s17] =	ssyncadd.s32 $0xFFFFC000  }
0x1d5: {  	[spmem:s1] =	stream.indirect.scatter.add.f32 [tilespmem:s6], [sflag:$0x4], $0x80, s28, s12, $0xb8;
	[tilespmem:$0x1E700] =	vst v63  }
0x1d6: {  	_ =	swait.ge [sflag:s18], $0x4000  }
0x1d7: {  	[sflag:s18] =	ssyncset.done $0x0  }
0x1d8: {  	[sflag:s18] =	ssyncadd.s32 $0xFFFFC000  }
0x1d9: {  	_ =	swait.ge [sflag:s19], $0x80  }
0x1da: {  	[sflag:s19] =	ssyncset.done $0x0  }
0x1db: {  	[sflag:s19] =	ssyncadd.s32 $0xFFFFFF80  }
0x1dc: {  	_ =	swait.ge [sflag:s20], $0x4000  }
0x1dd: {  	[sflag:s20] =	ssyncset.done $0x0  }
0x1de: {  	[sflag:s20] =	ssyncadd.s32 $0xFFFFC000  }
0x1df: {  	_ =	swait.ge [sflag:s19], $0x80  }
0x1e0: {  	[sflag:s19] =	ssyncset.done $0x0  }
0x1e1: {  	s21 =	rddreg [dreg:$0xc];
	[sflag:s19] =	ssyncadd.s32 $0xFFFFFF80  }
0x1e2: {  	[tilespmem:s13], [sflag:$0x1] =	stream.indirect.gather [hbm4b:s5+s12], $0x80, s21, s12, $0xb8;
	[tilespmem:$0x1E700] =	vst v63  }
0x1e3: {  	s22 =	rddreg [dreg:$0xd]  }
0x1e4: {  	[tilespmem:s6], [sflag:$0x2] =	stream.indirect.gather [hbm4b:s5+s12], $0x80, s22, s12, $0xb8;
	[tilespmem:$0x1E700] =	vst v63  }
0x1e5: {  	_ = 	snop  }
0x1e6: {  	[spmem:s2] =	stream.indirect.scatter.add.f32 [tilespmem:s14], [sflag:$0x5], $0x1, s29, s12, $0xb8;
	[tilespmem:$0x1E700] =	vst v63  }
0x1e7: {  	_ = 	snop  }
0x1e8: {  	[spmem:s2] =	stream.indirect.scatter.add.f32 [tilespmem:s14], [sflag:$0x5], $0x1, s30, s12, $0xb8;
	[tilespmem:$0x1E700] =	vst v63  }
0x1e9: {  	_ =	swait.ge [sflag:s16], $0x4000  }
0x1ea: {  	[sflag:s16] =	ssyncset.done $0x0  }
0x1eb: {  	[sflag:s16] =	ssyncadd.s32 $0xFFFFC000  }
0x1ec: {  	[spmem:s1] =	stream.indirect.scatter.add.f32 [tilespmem:s13], [sflag:$0x3], $0x80, s29, s12, $0xb8;
	[tilespmem:$0x1E700] =	vst v63  }
0x1ed: {  	_ =	swait.ge [sflag:s17], $0x4000  }
0x1ee: {  	[sflag:s17] =	ssyncset.done $0x0  }
0x1ef: {  	[sflag:s17] =	ssyncadd.s32 $0xFFFFC000  }
0x1f0: {  	[spmem:s1] =	stream.indirect.scatter.add.f32 [tilespmem:s6], [sflag:$0x4], $0x80, s30, s12, $0xb8;
	[tilespmem:$0x1E700] =	vst v63  }
0x1f1: {  	_ =	swait.ge [sflag:s18], $0x4000  }
0x1f2: {  	[sflag:s18] =	ssyncset.done $0x0  }
0x1f3: {  	[sflag:s18] =	ssyncadd.s32 $0xFFFFC000  }
0x1f4: {  	_ =	swait.ge [sflag:s19], $0x80  }
0x1f5: {  	[sflag:s19] =	ssyncset.done $0x0  }
0x1f6: {  	[sflag:s19] =	ssyncadd.s32 $0xFFFFFF80  }
0x1f7: {  	_ =	swait.ge [sflag:s20], $0x4000  }
0x1f8: {  	[sflag:s20] =	ssyncset.done $0x0  }
0x1f9: {  	[sflag:s20] =	ssyncadd.s32 $0xFFFFC000  }
0x1fa: {  	_ =	swait.ge [sflag:s19], $0x80  }
0x1fb: {  	[sflag:s19] =	ssyncset.done $0x0  }
0x1fc: {  	s21 =	rddreg [dreg:$0xe];
	[sflag:s19] =	ssyncadd.s32 $0xFFFFFF80  }
0x1fd: {  	[tilespmem:s13], [sflag:$0x1] =	stream.indirect.gather [hbm4b:s5+s12], $0x80, s21, s12, $0xb8;
	[tilespmem:$0x1E700] =	vst v63  }
0x1fe: {  	s22 =	rddreg [dreg:$0xf]  }
0x1ff: {  	[tilespmem:s6], [sflag:$0x2] =	stream.indirect.gather [hbm4b:s5+s12], $0x80, s22, s12, $0xb8;
	[tilespmem:$0x1E700] =	vst v63  }
0x200: {  	_ = 	snop  }
0x201: {  	[spmem:s2] =	stream.indirect.scatter.add.f32 [tilespmem:s14], [sflag:$0x5], $0x1, s31, s12, $0xb8;
	[tilespmem:$0x1E700] =	vst v63  }
0x202: {  	s22 =	simm.s32 $0xC80  }
0x203: {  	[spmem:s2] =	stream.indirect.scatter.add.f32 [tilespmem:s14], [sflag:$0x5], $0x1, s22, s12, $0xb8;
	[tilespmem:$0x1E700] =	vst v63  }
0x204: {  	_ =	swait.ge [sflag:s16], $0x4000  }
0x205: {  	[sflag:s16] =	ssyncset.done $0x0  }
0x206: {  	[sflag:s16] =	ssyncadd.s32 $0xFFFFC000  }
0x207: {  	[spmem:s1] =	stream.indirect.scatter.add.f32 [tilespmem:s13], [sflag:$0x3], $0x80, s31, s12, $0xb8;
	[tilespmem:$0x1E700] =	vst v63  }
0x208: {  	_ =	swait.ge [sflag:s17], $0x4000  }
0x209: {  	[sflag:s17] =	ssyncset.done $0x0  }
0x20a: {  	[sflag:s17] =	ssyncadd.s32 $0xFFFFC000  }
0x20b: {  	[spmem:s1] =	stream.indirect.scatter.add.f32 [tilespmem:s6], [sflag:$0x4], $0x80, s22, s12, $0xb8;
	[tilespmem:$0x1E700] =	vst v63  }
0x20c: {  	_ =	swait.ge [sflag:s18], $0x4000  }
0x20d: {  	[sflag:s18] =	ssyncset.done $0x0  }
0x20e: {  	[sflag:s18] =	ssyncadd.s32 $0xFFFFC000  }
0x20f: {  	_ =	swait.ge [sflag:s19], $0x80  }
0x210: {  	[sflag:s19] =	ssyncset.done $0x0  }
0x211: {  	[sflag:s19] =	ssyncadd.s32 $0xFFFFFF80  }
0x212: {  	_ =	swait.ge [sflag:s20], $0x4000  }
0x213: {  	[sflag:s20] =	ssyncset.done $0x0  }
0x214: {  	[sflag:s20] =	ssyncadd.s32 $0xFFFFC000  }
0x215: {  	_ =	swait.ge [sflag:s19], $0x80  }
0x216: {  	[sflag:s19] =	ssyncset.done $0x0  }
0x217: {  	s21 =	rddreg [dreg:$0x10];
	[sflag:s19] =	ssyncadd.s32 $0xFFFFFF80  }
0x218: {  	[tilespmem:s13], [sflag:$0x1] =	stream.indirect.gather [hbm4b:s5+s12], $0x80, s21, s12, $0xb8;
	[tilespmem:$0x1E700] =	vst v63  }
0x219: {  	s22 =	rddreg [dreg:$0x11]  }
0x21a: {  	[tilespmem:s6], [sflag:$0x2] =	stream.indirect.gather [hbm4b:s5+s12], $0x80, s22, s12, $0xb8;
	[tilespmem:$0x1E700] =	vst v63  }
0x21b: {  	_ = 	snop  }
0x21c: {  	[spmem:s2] =	stream.indirect.scatter.add.f32 [tilespmem:s14], [sflag:$0x5], $0x1, s3, s12, $0xb8;
	[tilespmem:$0x1E700] =	vst v63  }
0x21d: {  	_ = 	snop  }
0x21e: {  	[spmem:s2] =	stream.indirect.scatter.add.f32 [tilespmem:s14], [sflag:$0x5], $0x1, s8, s12, $0xb8;
	[tilespmem:$0x1E700] =	vst v63  }
0x21f: {  	_ =	swait.ge [sflag:s16], $0x4000  }
0x220: {  	[sflag:s16] =	ssyncset.done $0x0  }
0x221: {  	[sflag:s16] =	ssyncadd.s32 $0xFFFFC000  }
0x222: {  	[spmem:s1] =	stream.indirect.scatter.add.f32 [tilespmem:s13], [sflag:$0x3], $0x80, s3, s12, $0xb8;
	[tilespmem:$0x1E700] =	vst v63  }
0x223: {  	_ =	swait.ge [sflag:s17], $0x4000  }
0x224: {  	[sflag:s17] =	ssyncset.done $0x0  }
0x225: {  	[sflag:s17] =	ssyncadd.s32 $0xFFFFC000  }
0x226: {  	[spmem:s1] =	stream.indirect.scatter.add.f32 [tilespmem:s6], [sflag:$0x4], $0x80, s8, s12, $0xb8;
	[tilespmem:$0x1E700] =	vst v63  }
0x227: {  	_ =	swait.ge [sflag:s18], $0x4000  }
0x228: {  	[sflag:s18] =	ssyncset.done $0x0  }
0x229: {  	[sflag:s18] =	ssyncadd.s32 $0xFFFFC000  }
0x22a: {  	_ =	swait.ge [sflag:s19], $0x80  }
0x22b: {  	[sflag:s19] =	ssyncset.done $0x0  }
0x22c: {  	[sflag:s19] =	ssyncadd.s32 $0xFFFFFF80  }
0x22d: {  	_ =	swait.ge [sflag:s20], $0x4000  }
0x22e: {  	[sflag:s20] =	ssyncset.done $0x0  }
0x22f: {  	[sflag:s20] =	ssyncadd.s32 $0xFFFFC000  }
0x230: {  	_ =	swait.ge [sflag:s19], $0x80  }
0x231: {  	[sflag:s19] =	ssyncset.done $0x0  }
0x232: {  	s21 =	rddreg [dreg:$0x12];
	[sflag:s19] =	ssyncadd.s32 $0xFFFFFF80  }
0x233: {  	[tilespmem:s13], [sflag:$0x1] =	stream.indirect.gather [hbm4b:s5+s12], $0x80, s21, s12, $0xb8;
	[tilespmem:$0x1E700] =	vst v63  }
0x234: {  	s22 =	rddreg [dreg:$0x13]  }
0x235: {  	[tilespmem:s6], [sflag:$0x2] =	stream.indirect.gather [hbm4b:s5+s12], $0x80, s22, s12, $0xb8;
	[tilespmem:$0x1E700] =	vst v63  }
0x236: {  	_ = 	snop  }
0x237: {  	[spmem:s2] =	stream.indirect.scatter.add.f32 [tilespmem:s14], [sflag:$0x5], $0x1, s7, s12, $0xb8;
	[tilespmem:$0x1E700] =	vst v63  }
0x238: {  	_ = 	snop  }
0x239: {  	[spmem:s2] =	stream.indirect.scatter.add.f32 [tilespmem:s14], [sflag:$0x5], $0x1, s4, s12, $0xb8;
	[tilespmem:$0x1E700] =	vst v63  }
0x23a: {  	_ =	swait.ge [sflag:s16], $0x4000  }
0x23b: {  	[sflag:s16] =	ssyncset.done $0x0  }
0x23c: {  	[sflag:s16] =	ssyncadd.s32 $0xFFFFC000  }
0x23d: {  	[spmem:s1] =	stream.indirect.scatter.add.f32 [tilespmem:s13], [sflag:$0x3], $0x80, s7, s12, $0xb8;
	[tilespmem:$0x1E700] =	vst v63  }
0x23e: {  	_ =	swait.ge [sflag:s17], $0x4000  }
0x23f: {  	[sflag:s17] =	ssyncset.done $0x0  }
0x240: {  	[sflag:s17] =	ssyncadd.s32 $0xFFFFC000  }
0x241: {  	[spmem:s1] =	stream.indirect.scatter.add.f32 [tilespmem:s6], [sflag:$0x4], $0x80, s4, s12, $0xb8;
	[tilespmem:$0x1E700] =	vst v63  }
0x242: {  	_ =	swait.ge [sflag:s18], $0x4000  }
0x243: {  	[sflag:s18] =	ssyncset.done $0x0  }
0x244: {  	[sflag:s18] =	ssyncadd.s32 $0xFFFFC000  }
0x245: {  	_ =	swait.ge [sflag:s19], $0x80  }
0x246: {  	[sflag:s19] =	ssyncset.done $0x0  }
0x247: {  	[sflag:s19] =	ssyncadd.s32 $0xFFFFFF80  }
0x248: {  	_ =	swait.ge [sflag:s20], $0x4000  }
0x249: {  	[sflag:s20] =	ssyncset.done $0x0  }
0x24a: {  	[sflag:s20] =	ssyncadd.s32 $0xFFFFC000  }
0x24b: {  	_ =	swait.ge [sflag:s19], $0x80  }
0x24c: {  	[sflag:s19] =	ssyncset.done $0x0  }
0x24d: {  	s21 =	rddreg [dreg:$0x14];
	[sflag:s19] =	ssyncadd.s32 $0xFFFFFF80  }
0x24e: {  	[tilespmem:s13], [sflag:$0x1] =	stream.indirect.gather [hbm4b:s5+s12], $0x80, s21, s12, $0xb8;
	[tilespmem:$0x1E700] =	vst v63  }
0x24f: {  	s22 =	rddreg [dreg:$0x15]  }
0x250: {  	[tilespmem:s6], [sflag:$0x2] =	stream.indirect.gather [hbm4b:s5+s12], $0x80, s22, s12, $0xb8;
	[tilespmem:$0x1E700] =	vst v63  }
0x251: {  	s22 =	simm.s32 $0xF00  }
0x252: {  	[spmem:s2] =	stream.indirect.scatter.add.f32 [tilespmem:s14], [sflag:$0x5], $0x1, s22, s12, $0xb8;
	[tilespmem:$0x1E700] =	vst v63  }
0x253: {  	s21 =	simm.s32 $0xF80  }
0x254: {  	[spmem:s2] =	stream.indirect.scatter.add.f32 [tilespmem:s14], [sflag:$0x5], $0x1, s21, s12, $0xb8;
	[tilespmem:$0x1E700] =	vst v63  }
0x255: {  	_ =	swait.ge [sflag:s16], $0x4000  }
0x256: {  	[sflag:s16] =	ssyncset.done $0x0  }
0x257: {  	[sflag:s16] =	ssyncadd.s32 $0xFFFFC000  }
0x258: {  	[spmem:s1] =	stream.indirect.scatter.add.f32 [tilespmem:s13], [sflag:$0x3], $0x80, s22, s12, $0xb8;
	[tilespmem:$0x1E700] =	vst v63  }
0x259: {  	_ =	swait.ge [sflag:s17], $0x4000  }
0x25a: {  	[sflag:s17] =	ssyncset.done $0x0  }
0x25b: {  	[sflag:s17] =	ssyncadd.s32 $0xFFFFC000  }
0x25c: {  	[spmem:s1] =	stream.indirect.scatter.add.f32 [tilespmem:s6], [sflag:$0x4], $0x80, s21, s12, $0xb8;
	[tilespmem:$0x1E700] =	vst v63  }
0x25d: {  	_ =	swait.ge [sflag:s18], $0x4000  }
0x25e: {  	[sflag:s18] =	ssyncset.done $0x0  }
0x25f: {  	[sflag:s18] =	ssyncadd.s32 $0xFFFFC000  }
0x260: {  	_ =	swait.ge [sflag:s19], $0x80  }
0x261: {  	[sflag:s19] =	ssyncset.done $0x0  }
0x262: {  	p1 =	sne.s32 s15, $0x900;
	[sflag:s19] =	ssyncadd.s32 $0xFFFFFF80  }
.Ltmp1:
0x263: {  	_ =	swait.ge [sflag:s20], $0x4000;
	(pc) =	sbr.rel @p1 .LBB2_4-.Ltmp1, $4  }
0x264: {  	[sflag:s20] =	ssyncset.done $0x0  }
0x265: {  	[sflag:s20] =	ssyncadd.s32 $0xFFFFC000  }
0x266: {  	_ =	swait.ge [sflag:s19], $0x80  }
0x267: {  	s15 =	sadd.s32 $0x100, s15;
	s21 =	rddreg [dreg:$0x7];
	[sflag:s19] =	ssyncset.done $0x0  }
0x268: {  	[sflag:s19] =	ssyncadd.s32 $0xFFFFFF80;
	s15 =	sadd.s32 s9, s21  }
0x269: {  	[tilespmem:s11], [sflag:$0x6] =	stream.linear.gather [hbm4b:s15+s11], $0x800, $0x38;
	[tilespmem:$0x1E700] =	vst v63  }
0x26a: {  	_ =	swait.ge [sflag:s10], $0x800  }
0x26b: {  	s21 =	rddreg [dreg:$0x6];
	[sflag:s10] =	ssyncset.done $0x0  }
0x26c: {  	[sflag:s10] =	ssyncadd.s32 $0xFFFFF800;
	s15 =	sadd.s32 s9, s21  }
0x26d: {  	[tilespmem:s0], [sflag:$0x6] =	stream.linear.gather [hbm4b:s15+s11], $0x800, $0x38;
	[tilespmem:$0x1E700] =	vst v63  }
0x26e: {  	_ =	swait.ge [sflag:s10], $0x800  }
0x26f: {  	[sflag:s10] =	ssyncset.done $0x0  }
0x270: {  	[sflag:s10] =	ssyncadd.s32 $0xFFFFF800  }
0x271: {  	[tilespmem:s13], [sflag:$0x1] =	stream.indirect.gather [hbm4b:s5+s12], $0x80, s11, s12, $0xb8;
	[tilespmem:$0x1E700] =	vst v63  }
0x272: {  	_ = 	snop  }
0x273: {  	[tilespmem:s6], [sflag:$0x2] =	stream.indirect.gather [hbm4b:s5+s12], $0x80, s12, s12, $0xb8;
	[tilespmem:$0x1E700] =	vst v63  }
0x274: {  	_ = 	snop  }
0x275: {  	[spmem:s2] =	stream.indirect.scatter.add.f32 [tilespmem:s14], [sflag:$0x5], $0x1, s0, s12, $0xb8;
	[tilespmem:$0x1E700] =	vst v63  }
0x276: {  	_ = 	snop  }
0x277: {  	[spmem:s2] =	stream.indirect.scatter.add.f32 [tilespmem:s14], [sflag:$0x5], $0x1, s23, s12, $0xb8;
	[tilespmem:$0x1E700] =	vst v63  }
0x278: {  	_ =	swait.ge [sflag:s16], $0x4000  }
0x279: {  	[sflag:s16] =	ssyncset.done $0x0  }
0x27a: {  	[sflag:s16] =	ssyncadd.s32 $0xFFFFC000  }
0x27b: {  	[spmem:s1] =	stream.indirect.scatter.add.f32 [tilespmem:s13], [sflag:$0x3], $0x80, s0, s12, $0xb8;
	[tilespmem:$0x1E700] =	vst v63  }
0x27c: {  	_ =	swait.ge [sflag:s17], $0x4000  }
0x27d: {  	[sflag:s17] =	ssyncset.done $0x0  }
0x27e: {  	[sflag:s17] =	ssyncadd.s32 $0xFFFFC000  }
0x27f: {  	[spmem:s1] =	stream.indirect.scatter.add.f32 [tilespmem:s6], [sflag:$0x4], $0x80, s23, s12, $0xb8;
	[tilespmem:$0x1E700] =	vst v63  }
0x280: {  	_ =	swait.ge [sflag:s18], $0x4000  }
0x281: {  	[sflag:s18] =	ssyncset.done $0x0  }
0x282: {  	[sflag:s18] =	ssyncadd.s32 $0xFFFFC000  }
0x283: {  	_ =	swait.ge [sflag:s19], $0x80  }
0x284: {  	[sflag:s19] =	ssyncset.done $0x0  }
0x285: {  	[sflag:s19] =	ssyncadd.s32 $0xFFFFFF80  }
0x286: {  	_ =	swait.ge [sflag:s20], $0x4000  }
0x287: {  	[sflag:s20] =	ssyncset.done $0x0  }
0x288: {  	[sflag:s20] =	ssyncadd.s32 $0xFFFFC000  }
0x289: {  	_ =	swait.ge [sflag:s19], $0x80  }
0x28a: {  	[sflag:s19] =	ssyncset.done $0x0  }
0x28b: {  	s21 =	rddreg [dreg:$0x8];
	[sflag:s19] =	ssyncadd.s32 $0xFFFFFF80  }
0x28c: {  	[tilespmem:s13], [sflag:$0x1] =	stream.indirect.gather [hbm4b:s5+s12], $0x80, s21, s12, $0xb8;
	[tilespmem:$0x1E700] =	vst v63  }
0x28d: {  	s0 =	rddreg [dreg:$0x9]  }
0x28e: {  	[tilespmem:s6], [sflag:$0x2] =	stream.indirect.gather [hbm4b:s5+s12], $0x80, s0, s12, $0xb8;
	[tilespmem:$0x1E700] =	vst v63  }
0x28f: {  	_ = 	snop  }
0x290: {  	[spmem:s2] =	stream.indirect.scatter.add.f32 [tilespmem:s14], [sflag:$0x5], $0x1, s24, s12, $0xb8;
	[tilespmem:$0x1E700] =	vst v63  }
0x291: {  	_ = 	snop  }
0x292: {  	[spmem:s2] =	stream.indirect.scatter.add.f32 [tilespmem:s14], [sflag:$0x5], $0x1, s25, s12, $0xb8;
	[tilespmem:$0x1E700] =	vst v63  }
0x293: {  	_ =	swait.ge [sflag:s16], $0x4000  }
0x294: {  	[sflag:s16] =	ssyncset.done $0x0  }
0x295: {  	[sflag:s16] =	ssyncadd.s32 $0xFFFFC000  }
0x296: {  	[spmem:s1] =	stream.indirect.scatter.add.f32 [tilespmem:s13], [sflag:$0x3], $0x80, s24, s12, $0xb8;
	[tilespmem:$0x1E700] =	vst v63  }
0x297: {  	_ =	swait.ge [sflag:s17], $0x4000  }
0x298: {  	[sflag:s17] =	ssyncset.done $0x0  }
0x299: {  	[sflag:s17] =	ssyncadd.s32 $0xFFFFC000  }
0x29a: {  	[spmem:s1] =	stream.indirect.scatter.add.f32 [tilespmem:s6], [sflag:$0x4], $0x80, s25, s12, $0xb8;
	[tilespmem:$0x1E700] =	vst v63  }
0x29b: {  	_ =	swait.ge [sflag:s18], $0x4000  }
0x29c: {  	[sflag:s18] =	ssyncset.done $0x0  }
0x29d: {  	[sflag:s18] =	ssyncadd.s32 $0xFFFFC000  }
0x29e: {  	_ =	swait.ge [sflag:s19], $0x80  }
0x29f: {  	[sflag:s19] =	ssyncset.done $0x0  }
0x2a0: {  	[sflag:s19] =	ssyncadd.s32 $0xFFFFFF80  }
0x2a1: {  	_ =	swait.ge [sflag:s20], $0x4000  }
0x2a2: {  	[sflag:s20] =	ssyncset.done $0x0  }
0x2a3: {  	[sflag:s20] =	ssyncadd.s32 $0xFFFFC000  }
0x2a4: {  	_ =	swait.ge [sflag:s19], $0x80  }
0x2a5: {  	[sflag:s19] =	ssyncset.done $0x0  }
0x2a6: {  	s21 =	rddreg [dreg:$0xa];
	[sflag:s19] =	ssyncadd.s32 $0xFFFFFF80  }
0x2a7: {  	[tilespmem:s13], [sflag:$0x1] =	stream.indirect.gather [hbm4b:s5+s12], $0x80, s21, s12, $0xb8;
	[tilespmem:$0x1E700] =	vst v63  }
0x2a8: {  	s0 =	rddreg [dreg:$0xb]  }
0x2a9: {  	[tilespmem:s6], [sflag:$0x2] =	stream.indirect.gather [hbm4b:s5+s12], $0x80, s0, s12, $0xb8;
	[tilespmem:$0x1E700] =	vst v63  }
0x2aa: {  	_ = 	snop  }
0x2ab: {  	[spmem:s2] =	stream.indirect.scatter.add.f32 [tilespmem:s14], [sflag:$0x5], $0x1, s26, s12, $0xb8;
	[tilespmem:$0x1E700] =	vst v63  }
0x2ac: {  	_ = 	snop  }
0x2ad: {  	[spmem:s2] =	stream.indirect.scatter.add.f32 [tilespmem:s14], [sflag:$0x5], $0x1, s28, s12, $0xb8;
	[tilespmem:$0x1E700] =	vst v63  }
0x2ae: {  	_ =	swait.ge [sflag:s16], $0x4000  }
0x2af: {  	[sflag:s16] =	ssyncset.done $0x0  }
0x2b0: {  	[sflag:s16] =	ssyncadd.s32 $0xFFFFC000  }
0x2b1: {  	[spmem:s1] =	stream.indirect.scatter.add.f32 [tilespmem:s13], [sflag:$0x3], $0x80, s26, s12, $0xb8;
	[tilespmem:$0x1E700] =	vst v63  }
0x2b2: {  	_ =	swait.ge [sflag:s17], $0x4000  }
0x2b3: {  	[sflag:s17] =	ssyncset.done $0x0  }
0x2b4: {  	[sflag:s17] =	ssyncadd.s32 $0xFFFFC000  }
0x2b5: {  	[spmem:s1] =	stream.indirect.scatter.add.f32 [tilespmem:s6], [sflag:$0x4], $0x80, s28, s12, $0xb8;
	[tilespmem:$0x1E700] =	vst v63  }
0x2b6: {  	_ =	swait.ge [sflag:s18], $0x4000  }
0x2b7: {  	[sflag:s18] =	ssyncset.done $0x0  }
0x2b8: {  	[sflag:s18] =	ssyncadd.s32 $0xFFFFC000  }
0x2b9: {  	_ =	swait.ge [sflag:s19], $0x80  }
0x2ba: {  	[sflag:s19] =	ssyncset.done $0x0  }
0x2bb: {  	[sflag:s19] =	ssyncadd.s32 $0xFFFFFF80  }
0x2bc: {  	_ =	swait.ge [sflag:s20], $0x4000  }
0x2bd: {  	[sflag:s20] =	ssyncset.done $0x0  }
0x2be: {  	[sflag:s20] =	ssyncadd.s32 $0xFFFFC000  }
0x2bf: {  	_ =	swait.ge [sflag:s19], $0x80  }
0x2c0: {  	[sflag:s19] =	ssyncset.done $0x0  }
0x2c1: {  	s21 =	rddreg [dreg:$0xc];
	[sflag:s19] =	ssyncadd.s32 $0xFFFFFF80  }
0x2c2: {  	[tilespmem:s13], [sflag:$0x1] =	stream.indirect.gather [hbm4b:s5+s12], $0x80, s21, s12, $0xb8;
	[tilespmem:$0x1E700] =	vst v63  }
0x2c3: {  	s0 =	rddreg [dreg:$0xd]  }
0x2c4: {  	[tilespmem:s6], [sflag:$0x2] =	stream.indirect.gather [hbm4b:s5+s12], $0x80, s0, s12, $0xb8;
	[tilespmem:$0x1E700] =	vst v63  }
0x2c5: {  	_ = 	snop  }
0x2c6: {  	[spmem:s2] =	stream.indirect.scatter.add.f32 [tilespmem:s14], [sflag:$0x5], $0x1, s29, s12, $0xb8;
	[tilespmem:$0x1E700] =	vst v63  }
0x2c7: {  	_ = 	snop  }
0x2c8: {  	[spmem:s2] =	stream.indirect.scatter.add.f32 [tilespmem:s14], [sflag:$0x5], $0x1, s30, s12, $0xb8;
	[tilespmem:$0x1E700] =	vst v63  }
0x2c9: {  	_ =	swait.ge [sflag:s16], $0x4000  }
0x2ca: {  	[sflag:s16] =	ssyncset.done $0x0  }
0x2cb: {  	[sflag:s16] =	ssyncadd.s32 $0xFFFFC000  }
0x2cc: {  	[spmem:s1] =	stream.indirect.scatter.add.f32 [tilespmem:s13], [sflag:$0x3], $0x80, s29, s12, $0xb8;
	[tilespmem:$0x1E700] =	vst v63  }
0x2cd: {  	_ =	swait.ge [sflag:s17], $0x4000  }
0x2ce: {  	[sflag:s17] =	ssyncset.done $0x0  }
0x2cf: {  	[sflag:s17] =	ssyncadd.s32 $0xFFFFC000  }
0x2d0: {  	[spmem:s1] =	stream.indirect.scatter.add.f32 [tilespmem:s6], [sflag:$0x4], $0x80, s30, s12, $0xb8;
	[tilespmem:$0x1E700] =	vst v63  }
0x2d1: {  	_ =	swait.ge [sflag:s18], $0x4000  }
0x2d2: {  	[sflag:s18] =	ssyncset.done $0x0  }
0x2d3: {  	[sflag:s18] =	ssyncadd.s32 $0xFFFFC000  }
0x2d4: {  	_ =	swait.ge [sflag:s19], $0x80  }
0x2d5: {  	[sflag:s19] =	ssyncset.done $0x0  }
0x2d6: {  	[sflag:s19] =	ssyncadd.s32 $0xFFFFFF80  }
0x2d7: {  	_ =	swait.ge [sflag:s20], $0x4000  }
0x2d8: {  	[sflag:s20] =	ssyncset.done $0x0  }
0x2d9: {  	[sflag:s20] =	ssyncadd.s32 $0xFFFFC000  }
0x2da: {  	_ =	swait.ge [sflag:s19], $0x80  }
0x2db: {  	[sflag:s19] =	ssyncset.done $0x0  }
0x2dc: {  	s21 =	rddreg [dreg:$0xe];
	[sflag:s19] =	ssyncadd.s32 $0xFFFFFF80  }
0x2dd: {  	[tilespmem:s13], [sflag:$0x1] =	stream.indirect.gather [hbm4b:s5+s12], $0x80, s21, s12, $0xb8;
	[tilespmem:$0x1E700] =	vst v63  }
0x2de: {  	s0 =	rddreg [dreg:$0xf]  }
0x2df: {  	[tilespmem:s6], [sflag:$0x2] =	stream.indirect.gather [hbm4b:s5+s12], $0x80, s0, s12, $0xb8;
	[tilespmem:$0x1E700] =	vst v63  }
0x2e0: {  	_ = 	snop  }
0x2e1: {  	[spmem:s2] =	stream.indirect.scatter.add.f32 [tilespmem:s14], [sflag:$0x5], $0x1, s31, s12, $0xb8;
	[tilespmem:$0x1E700] =	vst v63  }
0x2e2: {  	s9 =	simm.s32 $0xC80  }
0x2e3: {  	[spmem:s2] =	stream.indirect.scatter.add.f32 [tilespmem:s14], [sflag:$0x5], $0x1, s9, s12, $0xb8;
	[tilespmem:$0x1E700] =	vst v63  }
0x2e4: {  	_ =	swait.ge [sflag:s16], $0x4000  }
0x2e5: {  	[sflag:s16] =	ssyncset.done $0x0  }
0x2e6: {  	[sflag:s16] =	ssyncadd.s32 $0xFFFFC000  }
0x2e7: {  	[spmem:s1] =	stream.indirect.scatter.add.f32 [tilespmem:s13], [sflag:$0x3], $0x80, s31, s12, $0xb8;
	[tilespmem:$0x1E700] =	vst v63  }
0x2e8: {  	_ =	swait.ge [sflag:s17], $0x4000  }
0x2e9: {  	[sflag:s17] =	ssyncset.done $0x0  }
0x2ea: {  	[sflag:s17] =	ssyncadd.s32 $0xFFFFC000  }
0x2eb: {  	[spmem:s1] =	stream.indirect.scatter.add.f32 [tilespmem:s6], [sflag:$0x4], $0x80, s9, s12, $0xb8;
	[tilespmem:$0x1E700] =	vst v63  }
0x2ec: {  	_ =	swait.ge [sflag:s18], $0x4000  }
0x2ed: {  	[sflag:s18] =	ssyncset.done $0x0  }
0x2ee: {  	[sflag:s18] =	ssyncadd.s32 $0xFFFFC000  }
0x2ef: {  	_ =	swait.ge [sflag:s19], $0x80  }
0x2f0: {  	[sflag:s19] =	ssyncset.done $0x0  }
0x2f1: {  	[sflag:s19] =	ssyncadd.s32 $0xFFFFFF80  }
0x2f2: {  	_ =	swait.ge [sflag:s20], $0x4000  }
0x2f3: {  	[sflag:s20] =	ssyncset.done $0x0  }
0x2f4: {  	[sflag:s20] =	ssyncadd.s32 $0xFFFFC000  }
0x2f5: {  	_ =	swait.ge [sflag:s19], $0x80  }
0x2f6: {  	[sflag:s19] =	ssyncset.done $0x0  }
0x2f7: {  	s15 =	rddreg [dreg:$0x10];
	[sflag:s19] =	ssyncadd.s32 $0xFFFFFF80  }
0x2f8: {  	[tilespmem:s13], [sflag:$0x1] =	stream.indirect.gather [hbm4b:s5+s12], $0x80, s15, s12, $0xb8;
	[tilespmem:$0x1E700] =	vst v63  }
0x2f9: {  	s21 =	rddreg [dreg:$0x11]  }
0x2fa: {  	[tilespmem:s6], [sflag:$0x2] =	stream.indirect.gather [hbm4b:s5+s12], $0x80, s21, s12, $0xb8;
	[tilespmem:$0x1E700] =	vst v63  }
0x2fb: {  	_ = 	snop  }
0x2fc: {  	[spmem:s2] =	stream.indirect.scatter.add.f32 [tilespmem:s14], [sflag:$0x5], $0x1, s3, s12, $0xb8;
	[tilespmem:$0x1E700] =	vst v63  }
0x2fd: {  	_ = 	snop  }
0x2fe: {  	[spmem:s2] =	stream.indirect.scatter.add.f32 [tilespmem:s14], [sflag:$0x5], $0x1, s8, s12, $0xb8;
	[tilespmem:$0x1E700] =	vst v63  }
0x2ff: {  	_ =	swait.ge [sflag:s16], $0x4000  }
0x300: {  	[sflag:s16] =	ssyncset.done $0x0  }
0x301: {  	[sflag:s16] =	ssyncadd.s32 $0xFFFFC000  }
0x302: {  	[spmem:s1] =	stream.indirect.scatter.add.f32 [tilespmem:s13], [sflag:$0x3], $0x80, s3, s12, $0xb8;
	[tilespmem:$0x1E700] =	vst v63  }
0x303: {  	_ =	swait.ge [sflag:s17], $0x4000  }
0x304: {  	[sflag:s17] =	ssyncset.done $0x0  }
0x305: {  	[sflag:s17] =	ssyncadd.s32 $0xFFFFC000  }
0x306: {  	[spmem:s1] =	stream.indirect.scatter.add.f32 [tilespmem:s6], [sflag:$0x4], $0x80, s8, s12, $0xb8;
	[tilespmem:$0x1E700] =	vst v63  }
0x307: {  	_ =	swait.ge [sflag:s18], $0x4000  }
0x308: {  	[sflag:s18] =	ssyncset.done $0x0  }
0x309: {  	[sflag:s18] =	ssyncadd.s32 $0xFFFFC000  }
0x30a: {  	_ =	swait.ge [sflag:s19], $0x80  }
0x30b: {  	[sflag:s19] =	ssyncset.done $0x0  }
0x30c: {  	[sflag:s19] =	ssyncadd.s32 $0xFFFFFF80  }
0x30d: {  	_ =	swait.ge [sflag:s20], $0x4000  }
0x30e: {  	[sflag:s20] =	ssyncset.done $0x0  }
0x30f: {  	[sflag:s20] =	ssyncadd.s32 $0xFFFFC000  }
0x310: {  	_ =	swait.ge [sflag:s19], $0x80  }
0x311: {  	[sflag:s19] =	ssyncset.done $0x0  }
0x312: {  	s0 =	rddreg [dreg:$0x12];
	[sflag:s19] =	ssyncadd.s32 $0xFFFFFF80  }
0x313: {  	[tilespmem:s13], [sflag:$0x1] =	stream.indirect.gather [hbm4b:s5+s12], $0x80, s0, s12, $0xb8;
	[tilespmem:$0x1E700] =	vst v63  }
0x314: {  	s3 =	rddreg [dreg:$0x13]  }
0x315: {  	[tilespmem:s6], [sflag:$0x2] =	stream.indirect.gather [hbm4b:s5+s12], $0x80, s3, s12, $0xb8;
	[tilespmem:$0x1E700] =	vst v63  }
0x316: {  	_ = 	snop  }
0x317: {  	[spmem:s2] =	stream.indirect.scatter.add.f32 [tilespmem:s14], [sflag:$0x5], $0x1, s7, s12, $0xb8;
	[tilespmem:$0x1E700] =	vst v63  }
0x318: {  	_ = 	snop  }
0x319: {  	[spmem:s2] =	stream.indirect.scatter.add.f32 [tilespmem:s14], [sflag:$0x5], $0x1, s4, s12, $0xb8;
	[tilespmem:$0x1E700] =	vst v63  }
0x31a: {  	_ =	swait.ge [sflag:s16], $0x4000  }
0x31b: {  	[sflag:s16] =	ssyncset.done $0x0  }
0x31c: {  	[sflag:s16] =	ssyncadd.s32 $0xFFFFC000  }
0x31d: {  	[spmem:s1] =	stream.indirect.scatter.add.f32 [tilespmem:s13], [sflag:$0x3], $0x80, s7, s12, $0xb8;
	[tilespmem:$0x1E700] =	vst v63  }
0x31e: {  	_ =	swait.ge [sflag:s17], $0x4000  }
0x31f: {  	[sflag:s17] =	ssyncset.done $0x0  }
0x320: {  	[sflag:s17] =	ssyncadd.s32 $0xFFFFC000  }
0x321: {  	[spmem:s1] =	stream.indirect.scatter.add.f32 [tilespmem:s6], [sflag:$0x4], $0x80, s4, s12, $0xb8;
	[tilespmem:$0x1E700] =	vst v63  }
0x322: {  	_ =	swait.ge [sflag:s18], $0x4000  }
0x323: {  	[sflag:s18] =	ssyncset.done $0x0  }
0x324: {  	[sflag:s18] =	ssyncadd.s32 $0xFFFFC000  }
0x325: {  	_ =	swait.ge [sflag:s19], $0x80  }
0x326: {  	[sflag:s19] =	ssyncset.done $0x0  }
0x327: {  	[sflag:s19] =	ssyncadd.s32 $0xFFFFFF80  }
0x328: {  	_ =	swait.ge [sflag:s20], $0x4000  }
0x329: {  	[sflag:s20] =	ssyncset.done $0x0  }
0x32a: {  	[sflag:s20] =	ssyncadd.s32 $0xFFFFC000  }
0x32b: {  	_ =	swait.ge [sflag:s19], $0x80  }
0x32c: {  	[sflag:s19] =	ssyncset.done $0x0  }
0x32d: {  	s21 =	rddreg [dreg:$0x14];
	[sflag:s19] =	ssyncadd.s32 $0xFFFFFF80  }
0x32e: {  	[tilespmem:s13], [sflag:$0x1] =	stream.indirect.gather [hbm4b:s5+s12], $0x80, s21, s12, $0xb8;
	[tilespmem:$0x1E700] =	vst v63  }
0x32f: {  	s0 =	rddreg [dreg:$0x15]  }
0x330: {  	[tilespmem:s6], [sflag:$0x2] =	stream.indirect.gather [hbm4b:s5+s12], $0x80, s0, s12, $0xb8;
	[tilespmem:$0x1E700] =	vst v63  }
0x331: {  	_ = 	snop  }
0x332: {  	[spmem:s2] =	stream.indirect.scatter.add.f32 [tilespmem:s14], [sflag:$0x5], $0x1, s22, s12, $0xb8;
	[tilespmem:$0x1E700] =	vst v63  }
0x333: {  	s3 =	simm.s32 $0xF80  }
0x334: {  	[spmem:s2] =	stream.indirect.scatter.add.f32 [tilespmem:s14], [sflag:$0x5], $0x1, s3, s12, $0xb8;
	[tilespmem:$0x1E700] =	vst v63  }
0x335: {  	_ =	swait.ge [sflag:s16], $0x4000  }
0x336: {  	[sflag:s16] =	ssyncset.done $0x0  }
0x337: {  	[sflag:s16] =	ssyncadd.s32 $0xFFFFC000  }
0x338: {  	[spmem:s1] =	stream.indirect.scatter.add.f32 [tilespmem:s13], [sflag:$0x3], $0x80, s22, s12, $0xb8;
	[tilespmem:$0x1E700] =	vst v63  }
0x339: {  	_ =	swait.ge [sflag:s17], $0x4000  }
0x33a: {  	[sflag:s17] =	ssyncset.done $0x0  }
0x33b: {  	[sflag:s17] =	ssyncadd.s32 $0xFFFFC000  }
0x33c: {  	[spmem:s1] =	stream.indirect.scatter.add.f32 [tilespmem:s6], [sflag:$0x4], $0x80, s3, s12, $0xb8;
	[tilespmem:$0x1E700] =	vst v63  }
0x33d: {  	_ =	swait.ge [sflag:s18], $0x4000  }
0x33e: {  	[sflag:s18] =	ssyncset.done $0x0  }
0x33f: {  	[sflag:s18] =	ssyncadd.s32 $0xFFFFC000  }
0x340: {  	_ =	swait.ge [sflag:s19], $0x80  }
0x341: {  	[sflag:s19] =	ssyncset.done $0x0  }
0x342: {  	[sflag:s19] =	ssyncadd.s32 $0xFFFFFF80  }
0x343: {  	_ =	swait.ge [sflag:s20], $0x4000  }
0x344: {  	[sflag:s20] =	ssyncset.done $0x0  }
0x345: {  	[sflag:s20] =	ssyncadd.s32 $0xFFFFC000  }
0x346: {  	_ =	swait.ge [sflag:s19], $0x80  }
0x347: {  	[sflag:s19] =	ssyncset.done $0x0  }
0x348: {  	[sflag:s19] =	ssyncadd.s32 $0xFFFFFF80  }
0x349: {  	[bflag:$0x0] =	sbarrier.arrive $0xFFFF  }
0x34a: {  	s21 =	sld [smem:$0x7F6]  }
0x34b: {  	s9 =	rddreg [dreg:$0x16]  }
0x34c: {  	s15 =	simm.s32 @p0 $0x1FC6;
	s9 =	sadd.s32 @p0 $0x25800, s9  }
0x34d: {  	[hbm:s9], [sflag:s15] =	dma.local @p0 [spmem:s21], $0x1900  }
0x34e: {  	s9 =	simm.s32 @p0 $0x6  }
0x34f: {  	s22 =	stileid.u32;
	_ =	swait.ge @p0 [sflag:s9], $0x1900  }
0x350: {  	s15 =	sshll.u32 @!p0 s22, $0x6;
	[sflag:s9] =	ssyncset.done @p0 $0x0;
	s21 =	sld [smem:$0x7F7]  }
0x351: {  	[sflag:s9] =	ssyncadd.s32 @p0 $0xFFFFE700;
	s9 =	sor.u32 @!p0 $0x1C06, s15;
	s15 =	rddreg [dreg:$0x17]  }
0x352: {  	s15 =	sshrl.u32 @!p0 s15, $0x3  }
0x353: {  	[hbm:s21], [sflag:s9] =	dma.local @!p0 [spmem:s15], $0x2800  }
0x354: {  	s9 =	simm.s32 @!p0 $0x6  }
0x355: {  	_ =	swait.ge @!p0 [sflag:s9], $0x2800  }
0x356: {  	s4 =	sshll.u32 s22, $0x6;
	[sflag:s9] =	ssyncset.done @!p0 $0x0;
	s0 =	sld [smem:$0x7F4]  }
0x357: {  	s3 =	simm.s32 $0x20;
	s22 =	rddreg [dreg:$0x18];
	[sflag:s9] =	ssyncadd.s32 @!p0 $0xFFFFD800  }
0x358: {  	s9 =	sor.u32 $0x1C06, s4;
	s15 =	sshrl.u32 s22, $0x3;
	s4 =	simm.s32 $0x10  }
0x359: {  	[hbm:s0@s3], [sflag:s9] =	dma.strided [spmem:s15@s4], $0x50, s16, $0x10   }
0x35a: {  	_ =	swait.ge [sflag:s10], $0x50  }
0x35b: {  	s15 =	sld [smem:$0x7ED];
	_ =	sdelay $0x2  }
0x35c: {  	s22 =	rddreg [dreg:$0x19];
	s3 =	sadd.s32 $0x1, s15  }
0x35d: {  	p1 =	sne.s32 s3, s22  }
.Ltmp2:
0x35e: {  	_ = 	snop;
	(pc) =	sbr.rel @p1 .LBB2_1-.Ltmp2, $3  }
0x35f: {  	_ =	sdelay $0x1  }
0x360: {  	s21 =	stileid.u32;
	[sflag:s10] =	ssyncset.done $0x0  }
0x361: {  	s4 =	simm.s32 $0x0;
	s0 =	simm.s32 $0x800;
	[sflag:s10] =	ssyncadd.s32 $0xFFFFFFB0  }
0x362: {  	_ =	sfence.sel $0x180000  }
0x363: {  	[bflag:$0x0] =	sbarrier.arrive $0xFFFF  }
0x364: {  	_ =	strace $0x9000004A  }
0x365: {  	[bflag:$0x2] =	sbarrier.arrive $0xFFFF  }
0x366: {  	p0 =	sne.s32 s21, $0x0;
	s0 =	rddreg [dreg:$0x5]  }
0x367: {  	s0 =	sadd.s32 @!p0 $0x100000, s0  }
0x368: {  	[sflag:s0] =	ssyncadd.tile.s32 @!p0 $0x1;
	_ =	shalt  }
.Lfunc_end2:
_tile_overlayer_lowered:
.L_overlay_start_2:
0x369: {  	(tag) =	ssettag $0x2  }
0x36a: {  	s0 =	rddreg [dreg:$0x0];
	s2 =	stileid.u32  }
0x36b: {  	s1 =	rddreg [dreg:$0x1];
	p0 =	sne.s32 s2, $0x0  }
0x36c: {  	s3 =	rddreg [dreg:$0x2];
	[bflag:$0x3] =	sbarrier.arrive $0xFFFF;
	s2 =	simm.s32 @!p0 $0x1C06  }
0x36d: {  	[timem:s3], [sflag:s2] =	dma.local @!p0 [hbm:s0], s1  }
0x36e: {  	s0 =	simm.s32 @!p0 $0x6  }
0x36f: {  	_ =	swait.ge @!p0 [sflag:s0], s1  }
0x370: {  	s1 =	ssub.s32 @!p0 $0x0, s1;
	[sflag:s0] =	ssyncset.done @!p0 $0x0  }
0x371: {  	[sflag:s0] =	ssyncadd.s32 @!p0 s1  }
0x372: {  	[bflag:$0x3] =	sbarrier.arrive $0xFFFF  }
0x373: {  	_ =	shalt  }

// kernel: kernel.7.cloned.1.call-start
scs
__scs_entry_jumppad:
0x0: {  	(pc) =	sbr.rel $0x88, $3  }
0x1: {  	(tag) =	ssettag $0x0;
	lr =	simm.s32 $0x1  }
0x2: {  	[smem:$0x3F95] =	sst lr;
	_ =	strace $0xD0000000  }
0x3: {  	_ = 	snop  }
0x4: {  	_ = 	snop  }
0x5: {  	_ = 	snop  }
0x6: {  	_ = 	snop  }
0x7: {  	_ = 	snop  }
__scs_overlays_trampoline_lowered:
0x8: {  	[smem:$0x3FA4] =	sst s0  }
0x9: {  	[smem:$0x3FA5] =	sst s1  }
0xa: {  	[smem:$0x3FA6] =	sst s2  }
0xb: {  	[smem:$0x3FA7] =	sst s3  }
0xc: {  	[smem:$0x3FA8] =	sst s4  }
0xd: {  	[smem:$0x3FA9] =	sst s5  }
0xe: {  	[smem:$0x3FAA] =	sst s6  }
0xf: {  	[smem:$0x3FAB] =	sst s7  }
0x10: {  	[smem:$0x3FAC] =	sst s8  }
0x11: {  	[smem:$0x3FAD] =	sst s9;
	s0 =	simm.s32 @!p0 $0x0  }
0x12: {  	s1 =	sld [smem:$0x3F93];
	s0 =	simm.s32 @p0 $0x1  }
0x13: {  	[smem:$0x3FAE] =	sst s0;
	s0 =	simm.s32 @!p1 $0x0  }
0x14: {  	s2 =	sld [smem:$0x3F92];
	s0 =	simm.s32 @p1 $0x1  }
0x15: {  	[smem:$0x3FAF] =	sst s0;
	s0 =	simm.s32 @!p2 $0x0  }
0x16: {  	s3 =	sld [smem:$0x3FDB];
	s0 =	simm.s32 @p2 $0x1  }
0x17: {  	s4 =	simm.s32 $0x1BF5;
	[smem:$0x3FB1] =	sst s0  }
0x18: {  	s0 =	sld [smem:$0x3F94];
	_ =	swait.ge [sflag:s4], $0x0  }
0x19: {  	s7 =	sld [smem:$0x3F95]  }
0x1a: {  	s8 =	sadd.s32 $0xFFFFE003, lr  }
0x1b: {  	s9 =	sadd.s32 $0xFFFFFEF7, lr;
	s5 =	simm.s32 $0xFFFFFFFF;
	p2 =	slt.u32 s8, $0xFFFFF086  }
0x1c: {  	p1 =	slt.u32 s9, $0xF7A;
	s5 =	simm.s32 @!p2 $0x0  }
0x1d: {  	s5 =	simm.s32 @p1 $0x1;
	p0 =	seq.s32 s7, s2  }
0x1e: {  	s7 =	smul.u32 @!p0 $0xF7A, s2;
	p2 =	seq.s32 @!p0 s5, $0x0  }
0x1f: {  	s9 =	smul.u32 $0xF7A, s1;
	s8 =	simm.s32 @!p0 $0x1BF5;
	p2 =	por !p2, p0  }
0x20: {  	[sflag:s8] =	ssyncset.s32 @!p0 $0xFFFFF086;
	s6 =	sadd.s32 @!p0 s3, s7;
	s7 =	simm.s32 @!p0 $0x108  }
0x21: {  	s3 =	sadd.s32 s3, s9;
	s6 =	sadd.s32 @!p0 $0x88, s6;
	s7 =	simm.s32 @p2 $0x1082  }
0x22: {  	[simem:s7], [sflag:s8] =	dma.local @!p0 [hbm:s6], $0xF7A  }
0x23: {  	s9 =	sor.u32 $0xD0000000, s2;
	s6 =	simm.s32 $0x108;
	_ =	swait.ge @!p0 [sflag:s8], $0x0  }
0x24: {  	s3 =	sadd.s32 $0x88, s3;
	s6 =	simm.s32 @!p1 $0x1082;
	[sflag:s4] =	ssyncset.s32 $0xFFFFF086  }
0x25: {  	[simem:s6], [sflag:s4] =	dma.local [hbm:s3], $0xF7A  }
0x26: {  	[smem:$0x3F95] =	sst s1;
	(tag) =	ssettag s2;
	_ =	strace s9  }
0x27: {  	s1 =	sld [smem:$0x3FA5]  }
0x28: {  	s2 =	sld [smem:$0x3FA6]  }
0x29: {  	s4 =	sld [smem:$0x3FA8]  }
0x2a: {  	p0 =	seq.s32 s5, $0x0;
	s5 =	sld [smem:$0x3FA9]  }
0x2b: {  	s6 =	sld [smem:$0x3FAA]  }
0x2c: {  	s7 =	sld [smem:$0x3FAB]  }
0x2d: {  	s3 =	simm.s32 $0x108;
	s8 =	sld [smem:$0x3FAC]  }
0x2e: {  	s3 =	simm.s32 @!p0 $0x1082;
	s9 =	sld [smem:$0x3FAD]  }
0x2f: {  	lr =	sadd.s32 s0, s3;
	s0 =	sld [smem:$0x3FA4]  }
0x30: {  	s3 =	sld [smem:$0x3FA7]  }
0x31: {  	[smem:$0x3FB0] =	sst s10  }
0x32: {  	s10 =	sld [smem:$0x3FAE];
	_ =	sdelay $0x3  }
0x33: {  	p0 =	seq.s32 s10, $0x1;
	s10 =	sld [smem:$0x3FB0];
	_ =	sdelay $0x3  }
0x34: {  	[smem:$0x3FB0] =	sst s10  }
0x35: {  	s10 =	sld [smem:$0x3FAF];
	_ =	sdelay $0x3  }
0x36: {  	p1 =	seq.s32 s10, $0x1;
	s10 =	sld [smem:$0x3FB0];
	_ =	sdelay $0x3  }
0x37: {  	[smem:$0x3FB0] =	sst s10  }
0x38: {  	s10 =	sld [smem:$0x3FB1]  }
0x39: {  	_ = 	snop;
	(pc) =	sbr.ind lr, $3  }
0x3a: {  	_ = 	snop  }
0x3b: {  	_ = 	snop  }
0x3c: {  	p2 =	seq.s32 s10, $0x1;
	s10 =	sld [smem:$0x3FB0]  }
0x3d: {  	_ =	shalt  }
0x3e: {  	_ =	shalt  }
0x3f: {  	_ =	shalt  }
0x40: {  	_ =	shalt  }
0x41: {  	_ =	shalt  }
0x42: {  	_ =	shalt  }
0x43: {  	_ =	shalt  }
0x44: {  	_ =	shalt  }
0x45: {  	_ =	shalt  }
0x46: {  	_ =	shalt  }
0x47: {  	_ =	shalt  }
0x48: {  	_ =	shalt  }
0x49: {  	_ =	shalt  }
0x4a: {  	_ =	shalt  }
0x4b: {  	_ =	shalt  }
0x4c: {  	_ =	shalt  }
0x4d: {  	_ =	shalt  }
0x4e: {  	_ =	shalt  }
0x4f: {  	_ =	shalt  }
0x50: {  	_ =	shalt  }
0x51: {  	_ =	shalt  }
0x52: {  	_ =	shalt  }
0x53: {  	_ =	shalt  }
0x54: {  	_ =	shalt  }
0x55: {  	_ =	shalt  }
0x56: {  	_ =	shalt  }
0x57: {  	_ =	shalt  }
0x58: {  	_ =	shalt  }
0x59: {  	_ =	shalt  }
0x5a: {  	_ =	shalt  }
0x5b: {  	_ =	shalt  }
0x5c: {  	_ =	shalt  }
0x5d: {  	_ =	shalt  }
0x5e: {  	_ =	shalt  }
0x5f: {  	_ =	shalt  }
0x60: {  	_ =	shalt  }
0x61: {  	_ =	shalt  }
0x62: {  	_ =	shalt  }
0x63: {  	_ =	shalt  }
0x64: {  	_ =	shalt  }
0x65: {  	_ =	shalt  }
0x66: {  	_ =	shalt  }
0x67: {  	_ =	shalt  }
0x68: {  	_ =	shalt  }
0x69: {  	_ =	shalt  }
0x6a: {  	_ =	shalt  }
0x6b: {  	_ =	shalt  }
0x6c: {  	_ =	shalt  }
0x6d: {  	_ =	shalt  }
0x6e: {  	_ =	shalt  }
0x6f: {  	_ =	shalt  }
0x70: {  	_ =	shalt  }
0x71: {  	_ =	shalt  }
0x72: {  	_ =	shalt  }
0x73: {  	_ =	shalt  }
0x74: {  	_ =	shalt  }
0x75: {  	_ =	shalt  }
0x76: {  	_ =	shalt  }
0x77: {  	_ =	shalt  }
0x78: {  	_ =	shalt  }
0x79: {  	_ =	shalt  }
0x7a: {  	_ =	shalt  }
0x7b: {  	_ =	shalt  }
0x7c: {  	_ =	shalt  }
0x7d: {  	_ =	shalt  }
0x7e: {  	_ =	shalt  }
0x7f: {  	_ =	shalt  }
0x80: {  	_ =	shalt  }
0x81: {  	_ =	shalt  }
0x82: {  	_ =	shalt  }
0x83: {  	_ =	shalt  }
0x84: {  	_ =	shalt  }
0x85: {  	_ =	shalt  }
0x86: {  	_ =	shalt  }
0x87: {  	_ =	shalt  }
.Lfunc_end0:
.L_simem_size_0:
called_computation_lowered:
.L_overlay_start_0:
0x88: {  	s2 =	sld [smem:$0x3FD9]  }
0x89: {  	s3 =	sld [smem:$0x3FFE];
	_ =	sdelay $0x1  }
0x8a: {  	s1 =	srdreg.scid  }
0x8b: {  	s0 =	sand.u32 $0x1, s1  }
0x8c: {  	s16 =	sshll.u32 s0, $0xA;
	s2 =	sadd.s32 s3, s2  }
0x8d: {  	s2 =	sadd.s32 s2, s16  }
0x8e: {  	[smem:$0x3FBC] =	sst s2  }
0x8f: {  	_ = 	snop  }
0x90: {  	(tm) =	ssettm $0x1  }
0x91: {  	s17 =	sld [smem:$0x3FFB];
	_ =	sdelay $0x3  }
0x92: {  	_ =	strace s17  }
0x93: {  	s2 =	sld [smem:$0x3FFC];
	_ =	sdelay $0x3  }
0x94: {  	_ =	strace s2  }
0x95: {  	s2 =	sld [smem:$0x3FFD];
	_ =	sdelay $0x3  }
0x96: {  	_ =	strace s2  }
0x97: {  	_ =	strace $0x8FFFFFFF  }
0x98: {  	s18 =	sld [smem:$0x3FDB];
	_ =	sdelay $0x1  }
0x99: {  	s19 =	simm.s32 $_scs_section_size  }
0x9a: {  	s4 =	simm.s32 $_size__tile_overlayer_lowered;
	s5 =	simm.s32 $_tile_overlayer_lowered  }
0x9b: {  	s22 =	simm.s32 $0x1BFF;
	s21 =	sshll.u32 s5, $0x1;
	s2 =	sadd.s32 s19, s18  }
0x9c: {  	s6 =	simm.s32 $0x0;
	s20 =	sshll.u32 s4, $0x1;
	s4 =	sadd.s32 s21, s2  }
0x9d: {  	[timem:s6], [sflag:s22] =	dma.local [hbm:s4], s20  }
0x9e: {  	_ =	swait.ge [sflag:s22], s20  }
0x9f: {  	s3 =	ssub.s32 $0x0, s20;
	[sflag:s22] =	ssyncset.done $0x0  }
0xa0: {  	[sflag:s22] =	ssyncadd.s32 s3;
	_ =	sdelay $0x1  }
0xa1: {  	s23 =	simm.s32 $0x1B8B  }
0xa2: {  	_ =	swait.ge [sflag:s23], $0x1  }
0xa3: {  	[sflag:s23] =	ssyncset.done $0x0  }
0xa4: {  	s25 =	simm.s32 $0x1B8E;
	s24 =	sld [smem:$0x3FFE];
	[sflag:s23] =	ssyncadd.s32 $0xFFFFFFFF  }
0xa5: {  	s26 =	simm.s32 $execute0_lowered;
	[smem:$0x3FD2] =	sst s25  }
0xa6: {  	s4 =	sshll.u32 s26, $0x1;
	_ =	strace $0x80000046;
	[dreg:$0x1] =	wrdreg $0xFFFFFFFF  }
0xa7: {  	s28 =	simm.s32 $_size_execute0_lowered;
	s2 =	sadd.s32 s2, s4;
	[dreg:$0x0] =	wrdreg $0x0  }
0xa8: {  	s4 =	sshll.u32 s28, $0x1;
	[dreg:$0x2] =	wrdreg s2  }
0xa9: {  	[dreg:$0x3] =	wrdreg s4  }
0xaa: {  	[dreg:$0x4] =	wrdreg $0xC0  }
0xab: {  	_ =	task [dreg:s6], $0x5FFFF  }
0xac: {  	[dreg:$0x1] =	wrdreg $0xFFFFFFFF  }
0xad: {  	[dreg:$0x0] =	wrdreg $0x60  }
0xae: {  	[dreg:$0x2] =	wrdreg s24  }
0xaf: {  	[dreg:$0x3] =	wrdreg $0xB000  }
0xb0: {  	[dreg:$0x4] =	wrdreg $0x9  }
0xb1: {  	_ =	task.clear_ibuf [dreg:s6], $0x5FFFF;
	_ =	strace $0x90000046  }
0xb2: {  	s29 =	simm.s32 $0x9;
	_ =	strace $0x80000048  }
0xb3: {  	_ =	swait.ge [sflag:s29], $0x1  }
0xb4: {  	[sflag:s29] =	ssyncadd.s32 $0xFFFFFFFF  }
0xb5: {  	_ =	strace $0x90000048  }
0xb6: {  	_ =	sfence  }
0xb7: {  	s30 =	sld [smem:$0x0];
	_ =	sdelay $0x2  }
0xb8: {  	s31 =	sshll.u32 s1, $0xD;
	s1 =	sshrl.u32 s1, $0x2  }
0xb9: {  	s3 =	sand.u32 $0x4000, s31;
	s1 =	sadd.s32 s1, s30  }
0xba: {  	s0 =	sor.u32 s3, s0;
	s1 =	sshll.u32 s1, $0x11  }
0xbb: {  	s0 =	sor.u32 s1, s0  }
0xbc: {  	s0 =	sadd.s32 $0x8F2B, s0  }
0xbd: {  	[sflag:s0] =	ssyncadd.remote.s32 $0x1  }
0xbe: {  	_ =	sfence.sel $0xFFFF  }
0xbf: {  	[dreg:$0x0] =	wrdreg $0xFFFFFFFF;
	(pc) =	sbr.abs _section_cstart, $3  }
0xc0: {  	[dreg:$0x1] =	wrdreg $0xFFFFFFFF  }
0xc1: {  	_ =	task.clear_ibuf [dreg:s6], $0x2FFFF;
	_ =	strace $0x9FFFFFFF  }
0xc2: {  	(tm) =	ssettm $0x7FFFFFFF  }
0xc3: {  	_ =	shalt  }
tec
execute0_lowered:
.L_overlay_start_1:
0x0: {  	(tag) =	ssettag $0x1  }
0x1: {  	s0 =	srdreg.scid;
	s5 =	rddreg [dreg:$0x0]  }
0x2: {  	s24 =	stileid.u32;
	s2 =	rddreg [dreg:$0x1];
	s3 =	simm.s32 $0x0  }
0x3: {  	s9 =	simm.s32 $0x80;
	s10 =	simm.s32 $0x800;
	s11 =	simm.s32 $0x100  }
0x4: {  	s12 =	simm.s32 $0x180;
	s13 =	simm.s32 $0x200;
	s14 =	simm.s32 $0x280  }
0x5: {  	s15 =	simm.s32 $0x300;
	s16 =	simm.s32 $0x380;
	s17 =	simm.s32 $0x400  }
0x6: {  	s18 =	simm.s32 $0x480;
	s19 =	simm.s32 $0x500;
	s20 =	simm.s32 $0x580  }
0x7: {  	s21 =	simm.s32 $0x600;
	s22 =	simm.s32 $0x680;
	s6 =	smul.u32 $0x5000, s24  }
0x8: {  	s23 =	simm.s32 $0x700;
	s28 =	simm.s32 $0x20;
	s25 =	smul.u32 $0xA00, s24  }
0x9: {  	s29 =	simm.s32 $0x10;
	s1 =	sand.u32 $0x1, s0;
	s24 =	smul.u32 $0xA0, s24  }
0xa: {  	s30 =	simm.s32 $0x0;
	[smem:$0x7FF] =	sst s3;
	s4 =	smul.u32 $0x50000, s1  }
0xb: {  	_ =	strace $0x80000047;
	s26 =	ssub.s32 $0x2, s1;
	s1 =	sshll.u32 s1, $0x4  }
0xc: {  	s8 =	sshrl.u32 s26, $0x1;
	s1 =	sadd.s32 s1, s5;
	s4 =	sadd.s32 s6, s4  }
0xd: {  	s6 =	sshrl.u32 s25, $0x2;
	s31 =	ssub.s32 s26, s8;
	s1 =	sadd.s32 $0x16800, s1  }
0xe: {  	s8 =	simm.s32 $0x2;
	s25 =	simm.s32 $0x780;
	s4 =	sshrl.u32 s4, $0x3  }
0xf: {  	s26 =	simm.s32 $0x1;
	s24 =	sadd.s32 s24, s1;
	s7 =	sadd.s32 s4, s5  }
0x10: {  	v0 =	vimm.f32 $1.000000000e+00;
	v1 =	vimm.f32 $0.0e+00;
	s4 =	sadd.s32 s6, s2;
	s5 =	smax.u32 s31, $0x1;
	s6 =	sadd.s32 $0x2800, s7  }
.LBB2_1:
0x11: {  	[tilespmem:$0x800] =	vst v0  }
0x12: {  	[tilespmem:$0x810] =	vst v0  }
0x13: {  	[tilespmem:$0x820] =	vst v0  }
0x14: {  	[tilespmem:$0x830] =	vst v0  }
0x15: {  	[tilespmem:$0x840] =	vst v0  }
0x16: {  	[tilespmem:$0x850] =	vst v0  }
0x17: {  	[tilespmem:$0x860] =	vst v0  }
0x18: {  	[tilespmem:$0x870] =	vst v0  }
0x19: {  	[tilespmem:$0x880] =	vst v1  }
0x1a: {  	[tilespmem:$0x890] =	vst v1  }
0x1b: {  	[tilespmem:$0x8A0] =	vst v1  }
0x1c: {  	[tilespmem:$0x8B0] =	vst v1  }
0x1d: {  	[tilespmem:$0x8C0] =	vst v1  }
0x1e: {  	[tilespmem:$0x8D0] =	vst v1  }
0x1f: {  	[tilespmem:$0x8E0] =	vst v1  }
0x20: {  	[tilespmem:$0x8F0] =	vst v1  }
0x21: {  	[tilespmem:$0x900] =	vst v1  }
0x22: {  	[tilespmem:$0x910] =	vst v1  }
0x23: {  	[tilespmem:$0x920] =	vst v1  }
0x24: {  	[tilespmem:$0x930] =	vst v1  }
0x25: {  	[tilespmem:$0x940] =	vst v1  }
0x26: {  	[tilespmem:$0x950] =	vst v1  }
0x27: {  	[tilespmem:$0x960] =	vst v1  }
0x28: {  	[tilespmem:$0x970] =	vst v1  }
0x29: {  	[tilespmem:$0x980] =	vst v1  }
0x2a: {  	[tilespmem:$0x990] =	vst v1  }
0x2b: {  	[tilespmem:$0x9A0] =	vst v1  }
0x2c: {  	[tilespmem:$0x9B0] =	vst v1  }
0x2d: {  	[tilespmem:$0x9C0] =	vst v1  }
0x2e: {  	[tilespmem:$0x9D0] =	vst v1  }
0x2f: {  	[tilespmem:$0x9E0] =	vst v1  }
0x30: {  	[tilespmem:$0x9F0] =	vst v1  }
0x31: {  	[tilespmem:$0xA00] =	vst v1  }
0x32: {  	[tilespmem:$0xA10] =	vst v1  }
0x33: {  	[tilespmem:$0xA20] =	vst v1  }
0x34: {  	[tilespmem:$0xA30] =	vst v1  }
0x35: {  	[tilespmem:$0xA40] =	vst v1  }
0x36: {  	[tilespmem:$0xA50] =	vst v1  }
0x37: {  	[tilespmem:$0xA60] =	vst v1  }
0x38: {  	[tilespmem:$0xA70] =	vst v1  }
0x39: {  	[tilespmem:$0xA80] =	vst v1  }
0x3a: {  	[tilespmem:$0xA90] =	vst v1  }
0x3b: {  	[tilespmem:$0xAA0] =	vst v1  }
0x3c: {  	[tilespmem:$0xAB0] =	vst v1  }
0x3d: {  	[tilespmem:$0xAC0] =	vst v1  }
0x3e: {  	[tilespmem:$0xAD0] =	vst v1  }
0x3f: {  	[tilespmem:$0xAE0] =	vst v1  }
0x40: {  	[tilespmem:$0xAF0] =	vst v1;
	s0 =	simm.s32 $0x880  }
0x41: {  	[spmem:s4] =	stream.linear.scatter [tilespmem:s0], [sflag:$0x2], $0x280, $0x38;
	[tilespmem:$0xD80] =	vst v63  }
0x42: {  	_ =	swait.ge [sflag:s8], $0x280  }
0x43: {  	[sflag:s8] =	ssyncset.done $0x0  }
0x44: {  	[sflag:s8] =	ssyncadd.s32 $0xFFFFFD80  }
0x45: {  	s1 =	sadd.s32 $0x0, s6;
	[bflag:$0x0] =	sbarrier.arrive $0xFFFF  }
0x46: {  	[tilespmem:s3], [sflag:$0x2] =	stream.linear.gather [hbm4b:s1+s3], $0x800, $0x38;
	[tilespmem:$0xD80] =	vst v63  }
0x47: {  	_ =	swait.ge [sflag:s8], $0x800  }
0x48: {  	[sflag:s8] =	ssyncset.done $0x0  }
0x49: {  	[sflag:s8] =	ssyncadd.s32 $0xFFFFF800  }
0x4a: {  	[spmem:s2] =	stream.indirect.scatter.add.f32 [tilespmem:s10], [sflag:$0x1], $0x1, s3, s9, $0xb8;
	[tilespmem:$0xD80] =	vst v63  }
0x4b: {  	_ = 	snop  }
0x4c: {  	[spmem:s2] =	stream.indirect.scatter.add.f32 [tilespmem:s10], [sflag:$0x1], $0x1, s9, s9, $0xb8;
	[tilespmem:$0xD80] =	vst v63  }
0x4d: {  	_ = 	snop  }
0x4e: {  	[spmem:s2] =	stream.indirect.scatter.add.f32 [tilespmem:s10], [sflag:$0x1], $0x1, s11, s9, $0xb8;
	[tilespmem:$0xD80] =	vst v63  }
0x4f: {  	_ = 	snop  }
0x50: {  	[spmem:s2] =	stream.indirect.scatter.add.f32 [tilespmem:s10], [sflag:$0x1], $0x1, s12, s9, $0xb8;
	[tilespmem:$0xD80] =	vst v63  }
0x51: {  	_ = 	snop  }
0x52: {  	[spmem:s2] =	stream.indirect.scatter.add.f32 [tilespmem:s10], [sflag:$0x1], $0x1, s13, s9, $0xb8;
	[tilespmem:$0xD80] =	vst v63  }
0x53: {  	_ = 	snop  }
0x54: {  	[spmem:s2] =	stream.indirect.scatter.add.f32 [tilespmem:s10], [sflag:$0x1], $0x1, s14, s9, $0xb8;
	[tilespmem:$0xD80] =	vst v63  }
0x55: {  	_ = 	snop  }
0x56: {  	[spmem:s2] =	stream.indirect.scatter.add.f32 [tilespmem:s10], [sflag:$0x1], $0x1, s15, s9, $0xb8;
	[tilespmem:$0xD80] =	vst v63  }
0x57: {  	_ = 	snop  }
0x58: {  	[spmem:s2] =	stream.indirect.scatter.add.f32 [tilespmem:s10], [sflag:$0x1], $0x1, s16, s9, $0xb8;
	[tilespmem:$0xD80] =	vst v63  }
0x59: {  	_ = 	snop  }
0x5a: {  	[spmem:s2] =	stream.indirect.scatter.add.f32 [tilespmem:s10], [sflag:$0x1], $0x1, s17, s9, $0xb8;
	[tilespmem:$0xD80] =	vst v63  }
0x5b: {  	_ = 	snop  }
0x5c: {  	[spmem:s2] =	stream.indirect.scatter.add.f32 [tilespmem:s10], [sflag:$0x1], $0x1, s18, s9, $0xb8;
	[tilespmem:$0xD80] =	vst v63  }
0x5d: {  	_ = 	snop  }
0x5e: {  	[spmem:s2] =	stream.indirect.scatter.add.f32 [tilespmem:s10], [sflag:$0x1], $0x1, s19, s9, $0xb8;
	[tilespmem:$0xD80] =	vst v63  }
0x5f: {  	_ = 	snop  }
0x60: {  	[spmem:s2] =	stream.indirect.scatter.add.f32 [tilespmem:s10], [sflag:$0x1], $0x1, s20, s9, $0xb8;
	[tilespmem:$0xD80] =	vst v63  }
0x61: {  	_ = 	snop  }
0x62: {  	[spmem:s2] =	stream.indirect.scatter.add.f32 [tilespmem:s10], [sflag:$0x1], $0x1, s21, s9, $0xb8;
	[tilespmem:$0xD80] =	vst v63  }
0x63: {  	_ = 	snop  }
0x64: {  	[spmem:s2] =	stream.indirect.scatter.add.f32 [tilespmem:s10], [sflag:$0x1], $0x1, s22, s9, $0xb8;
	[tilespmem:$0xD80] =	vst v63  }
0x65: {  	_ = 	snop  }
0x66: {  	[spmem:s2] =	stream.indirect.scatter.add.f32 [tilespmem:s10], [sflag:$0x1], $0x1, s23, s9, $0xb8;
	[tilespmem:$0xD80] =	vst v63  }
0x67: {  	_ = 	snop  }
0x68: {  	[spmem:s2] =	stream.indirect.scatter.add.f32 [tilespmem:s10], [sflag:$0x1], $0x1, s25, s9, $0xb8;
	[tilespmem:$0xD80] =	vst v63  }
0x69: {  	_ =	swait.ge [sflag:s26], $0x80  }
0x6a: {  	[sflag:s26] =	ssyncset.done $0x0  }
0x6b: {  	[sflag:s26] =	ssyncadd.s32 $0xFFFFFF80  }
0x6c: {  	_ =	swait.ge [sflag:s26], $0x80  }
0x6d: {  	[sflag:s26] =	ssyncset.done $0x0  }
0x6e: {  	[sflag:s26] =	ssyncadd.s32 $0xFFFFFF80  }
0x6f: {  	_ =	swait.ge [sflag:s26], $0x80  }
0x70: {  	[sflag:s26] =	ssyncset.done $0x0  }
0x71: {  	[sflag:s26] =	ssyncadd.s32 $0xFFFFFF80  }
0x72: {  	_ =	swait.ge [sflag:s26], $0x80  }
0x73: {  	[sflag:s26] =	ssyncset.done $0x0  }
0x74: {  	[sflag:s26] =	ssyncadd.s32 $0xFFFFFF80  }
0x75: {  	_ =	swait.ge [sflag:s26], $0x80  }
0x76: {  	[sflag:s26] =	ssyncset.done $0x0  }
0x77: {  	[sflag:s26] =	ssyncadd.s32 $0xFFFFFF80  }
0x78: {  	_ =	swait.ge [sflag:s26], $0x80  }
0x79: {  	[sflag:s26] =	ssyncset.done $0x0  }
0x7a: {  	[sflag:s26] =	ssyncadd.s32 $0xFFFFFF80  }
0x7b: {  	_ =	swait.ge [sflag:s26], $0x80  }
0x7c: {  	[sflag:s26] =	ssyncset.done $0x0  }
0x7d: {  	[sflag:s26] =	ssyncadd.s32 $0xFFFFFF80  }
0x7e: {  	_ =	swait.ge [sflag:s26], $0x80  }
0x7f: {  	[sflag:s26] =	ssyncset.done $0x0  }
0x80: {  	[sflag:s26] =	ssyncadd.s32 $0xFFFFFF80  }
0x81: {  	_ =	swait.ge [sflag:s26], $0x80  }
0x82: {  	[sflag:s26] =	ssyncset.done $0x0  }
0x83: {  	[sflag:s26] =	ssyncadd.s32 $0xFFFFFF80  }
0x84: {  	_ =	swait.ge [sflag:s26], $0x80  }
0x85: {  	[sflag:s26] =	ssyncset.done $0x0  }
0x86: {  	[sflag:s26] =	ssyncadd.s32 $0xFFFFFF80  }
0x87: {  	_ =	swait.ge [sflag:s26], $0x80  }
0x88: {  	[sflag:s26] =	ssyncset.done $0x0  }
0x89: {  	[sflag:s26] =	ssyncadd.s32 $0xFFFFFF80  }
0x8a: {  	_ =	swait.ge [sflag:s26], $0x80  }
0x8b: {  	[sflag:s26] =	ssyncset.done $0x0  }
0x8c: {  	[sflag:s26] =	ssyncadd.s32 $0xFFFFFF80  }
0x8d: {  	_ =	swait.ge [sflag:s26], $0x80  }
0x8e: {  	[sflag:s26] =	ssyncset.done $0x0  }
0x8f: {  	[sflag:s26] =	ssyncadd.s32 $0xFFFFFF80  }
0x90: {  	_ =	swait.ge [sflag:s26], $0x80  }
0x91: {  	[sflag:s26] =	ssyncset.done $0x0  }
0x92: {  	[sflag:s26] =	ssyncadd.s32 $0xFFFFFF80  }
0x93: {  	_ =	swait.ge [sflag:s26], $0x80  }
0x94: {  	[sflag:s26] =	ssyncset.done $0x0  }
0x95: {  	[sflag:s26] =	ssyncadd.s32 $0xFFFFFF80  }
0x96: {  	_ =	swait.ge [sflag:s26], $0x80  }
0x97: {  	s31 =	simm.s32 $0x100;
	s1 =	simm.s32 $0x200;
	[sflag:s26] =	ssyncset.done $0x0  }
.LBB2_2:
0x98: {  	s0 =	sadd.s32 s31, s6  }
0x99: {  	[sflag:s26] =	ssyncadd.s32 $0xFFFFFF80;
	s31 =	smov.u32 s1;
	s7 =	sadd.s32 $0x100, s1  }
0x9a: {  	[tilespmem:s3], [sflag:$0x2] =	stream.linear.gather [hbm4b:s0+s3], $0x800, $0x38;
	[tilespmem:$0xD80] =	vst v63  }
0x9b: {  	p0 =	sne.s32 s1, $0x900;
	_ =	swait.ge [sflag:s8], $0x800  }
0x9c: {  	[sflag:s8] =	ssyncset.done $0x0  }
0x9d: {  	[sflag:s8] =	ssyncadd.s32 $0xFFFFF800  }
0x9e: {  	[spmem:s2] =	stream.indirect.scatter.add.f32 [tilespmem:s10], [sflag:$0x1], $0x1, s3, s9, $0xb8;
	[tilespmem:$0xD80] =	vst v63  }
0x9f: {  	_ = 	snop  }
0xa0: {  	[spmem:s2] =	stream.indirect.scatter.add.f32 [tilespmem:s10], [sflag:$0x1], $0x1, s9, s9, $0xb8;
	[tilespmem:$0xD80] =	vst v63  }
0xa1: {  	_ = 	snop  }
0xa2: {  	[spmem:s2] =	stream.indirect.scatter.add.f32 [tilespmem:s10], [sflag:$0x1], $0x1, s11, s9, $0xb8;
	[tilespmem:$0xD80] =	vst v63  }
0xa3: {  	_ = 	snop  }
0xa4: {  	[spmem:s2] =	stream.indirect.scatter.add.f32 [tilespmem:s10], [sflag:$0x1], $0x1, s12, s9, $0xb8;
	[tilespmem:$0xD80] =	vst v63  }
0xa5: {  	_ = 	snop  }
0xa6: {  	[spmem:s2] =	stream.indirect.scatter.add.f32 [tilespmem:s10], [sflag:$0x1], $0x1, s13, s9, $0xb8;
	[tilespmem:$0xD80] =	vst v63  }
0xa7: {  	_ = 	snop  }
0xa8: {  	[spmem:s2] =	stream.indirect.scatter.add.f32 [tilespmem:s10], [sflag:$0x1], $0x1, s14, s9, $0xb8;
	[tilespmem:$0xD80] =	vst v63  }
0xa9: {  	_ = 	snop  }
0xaa: {  	[spmem:s2] =	stream.indirect.scatter.add.f32 [tilespmem:s10], [sflag:$0x1], $0x1, s15, s9, $0xb8;
	[tilespmem:$0xD80] =	vst v63  }
0xab: {  	_ = 	snop  }
0xac: {  	[spmem:s2] =	stream.indirect.scatter.add.f32 [tilespmem:s10], [sflag:$0x1], $0x1, s16, s9, $0xb8;
	[tilespmem:$0xD80] =	vst v63  }
0xad: {  	_ = 	snop  }
0xae: {  	[spmem:s2] =	stream.indirect.scatter.add.f32 [tilespmem:s10], [sflag:$0x1], $0x1, s17, s9, $0xb8;
	[tilespmem:$0xD80] =	vst v63  }
0xaf: {  	_ = 	snop  }
0xb0: {  	[spmem:s2] =	stream.indirect.scatter.add.f32 [tilespmem:s10], [sflag:$0x1], $0x1, s18, s9, $0xb8;
	[tilespmem:$0xD80] =	vst v63  }
0xb1: {  	_ = 	snop  }
0xb2: {  	[spmem:s2] =	stream.indirect.scatter.add.f32 [tilespmem:s10], [sflag:$0x1], $0x1, s19, s9, $0xb8;
	[tilespmem:$0xD80] =	vst v63  }
0xb3: {  	_ = 	snop  }
0xb4: {  	[spmem:s2] =	stream.indirect.scatter.add.f32 [tilespmem:s10], [sflag:$0x1], $0x1, s20, s9, $0xb8;
	[tilespmem:$0xD80] =	vst v63  }
0xb5: {  	_ = 	snop  }
0xb6: {  	[spmem:s2] =	stream.indirect.scatter.add.f32 [tilespmem:s10], [sflag:$0x1], $0x1, s21, s9, $0xb8;
	[tilespmem:$0xD80] =	vst v63  }
0xb7: {  	_ = 	snop  }
0xb8: {  	[spmem:s2] =	stream.indirect.scatter.add.f32 [tilespmem:s10], [sflag:$0x1], $0x1, s22, s9, $0xb8;
	[tilespmem:$0xD80] =	vst v63  }
0xb9: {  	_ = 	snop  }
0xba: {  	[spmem:s2] =	stream.indirect.scatter.add.f32 [tilespmem:s10], [sflag:$0x1], $0x1, s23, s9, $0xb8;
	[tilespmem:$0xD80] =	vst v63  }
0xbb: {  	_ = 	snop  }
0xbc: {  	[spmem:s2] =	stream.indirect.scatter.add.f32 [tilespmem:s10], [sflag:$0x1], $0x1, s25, s9, $0xb8;
	[tilespmem:$0xD80] =	vst v63  }
0xbd: {  	_ =	swait.ge [sflag:s26], $0x80  }
0xbe: {  	[sflag:s26] =	ssyncset.done $0x0  }
0xbf: {  	[sflag:s26] =	ssyncadd.s32 $0xFFFFFF80  }
0xc0: {  	_ =	swait.ge [sflag:s26], $0x80  }
0xc1: {  	[sflag:s26] =	ssyncset.done $0x0  }
0xc2: {  	[sflag:s26] =	ssyncadd.s32 $0xFFFFFF80  }
0xc3: {  	_ =	swait.ge [sflag:s26], $0x80  }
0xc4: {  	[sflag:s26] =	ssyncset.done $0x0  }
0xc5: {  	[sflag:s26] =	ssyncadd.s32 $0xFFFFFF80  }
0xc6: {  	_ =	swait.ge [sflag:s26], $0x80  }
0xc7: {  	[sflag:s26] =	ssyncset.done $0x0  }
0xc8: {  	[sflag:s26] =	ssyncadd.s32 $0xFFFFFF80  }
0xc9: {  	_ =	swait.ge [sflag:s26], $0x80  }
0xca: {  	[sflag:s26] =	ssyncset.done $0x0  }
0xcb: {  	[sflag:s26] =	ssyncadd.s32 $0xFFFFFF80  }
0xcc: {  	_ =	swait.ge [sflag:s26], $0x80  }
0xcd: {  	[sflag:s26] =	ssyncset.done $0x0  }
0xce: {  	[sflag:s26] =	ssyncadd.s32 $0xFFFFFF80  }
0xcf: {  	_ =	swait.ge [sflag:s26], $0x80  }
0xd0: {  	[sflag:s26] =	ssyncset.done $0x0  }
0xd1: {  	[sflag:s26] =	ssyncadd.s32 $0xFFFFFF80  }
0xd2: {  	_ =	swait.ge [sflag:s26], $0x80  }
0xd3: {  	[sflag:s26] =	ssyncset.done $0x0  }
0xd4: {  	[sflag:s26] =	ssyncadd.s32 $0xFFFFFF80  }
0xd5: {  	_ =	swait.ge [sflag:s26], $0x80  }
0xd6: {  	[sflag:s26] =	ssyncset.done $0x0  }
0xd7: {  	[sflag:s26] =	ssyncadd.s32 $0xFFFFFF80  }
0xd8: {  	_ =	swait.ge [sflag:s26], $0x80  }
0xd9: {  	[sflag:s26] =	ssyncset.done $0x0  }
0xda: {  	[sflag:s26] =	ssyncadd.s32 $0xFFFFFF80  }
0xdb: {  	_ =	swait.ge [sflag:s26], $0x80  }
0xdc: {  	[sflag:s26] =	ssyncset.done $0x0  }
0xdd: {  	[sflag:s26] =	ssyncadd.s32 $0xFFFFFF80  }
0xde: {  	_ =	swait.ge [sflag:s26], $0x80  }
0xdf: {  	[sflag:s26] =	ssyncset.done $0x0  }
0xe0: {  	[sflag:s26] =	ssyncadd.s32 $0xFFFFFF80  }
0xe1: {  	_ =	swait.ge [sflag:s26], $0x80  }
0xe2: {  	[sflag:s26] =	ssyncset.done $0x0  }
0xe3: {  	[sflag:s26] =	ssyncadd.s32 $0xFFFFFF80  }
0xe4: {  	_ =	swait.ge [sflag:s26], $0x80  }
0xe5: {  	[sflag:s26] =	ssyncset.done $0x0  }
0xe6: {  	[sflag:s26] =	ssyncadd.s32 $0xFFFFFF80  }
.Ltmp0:
0xe7: {  	_ =	swait.ge [sflag:s26], $0x80;
	(pc) =	sbr.rel @p0 .LBB2_2-.Ltmp0, $4  }
0xe8: {  	[sflag:s26] =	ssyncset.done $0x0  }
0xe9: {  	[sflag:s26] =	ssyncadd.s32 $0xFFFFFF80  }
0xea: {  	_ =	swait.ge [sflag:s26], $0x80  }
0xeb: {  	s1 =	smov.u32 s7;
	[sflag:s26] =	ssyncset.done $0x0  }
0xec: {  	s0 =	sadd.s32 s31, s6;
	[sflag:s26] =	ssyncadd.s32 $0xFFFFFF80  }
0xed: {  	[tilespmem:s3], [sflag:$0x2] =	stream.linear.gather [hbm4b:s0+s3], $0x800, $0x38;
	[tilespmem:$0xD80] =	vst v63  }
0xee: {  	_ =	swait.ge [sflag:s8], $0x800  }
0xef: {  	[sflag:s8] =	ssyncset.done $0x0  }
0xf0: {  	[sflag:s8] =	ssyncadd.s32 $0xFFFFF800  }
0xf1: {  	[spmem:s2] =	stream.indirect.scatter.add.f32 [tilespmem:s10], [sflag:$0x1], $0x1, s3, s9, $0xb8;
	[tilespmem:$0xD80] =	vst v63  }
0xf2: {  	_ = 	snop  }
0xf3: {  	[spmem:s2] =	stream.indirect.scatter.add.f32 [tilespmem:s10], [sflag:$0x1], $0x1, s9, s9, $0xb8;
	[tilespmem:$0xD80] =	vst v63  }
0xf4: {  	_ = 	snop  }
0xf5: {  	[spmem:s2] =	stream.indirect.scatter.add.f32 [tilespmem:s10], [sflag:$0x1], $0x1, s11, s9, $0xb8;
	[tilespmem:$0xD80] =	vst v63  }
0xf6: {  	_ = 	snop  }
0xf7: {  	[spmem:s2] =	stream.indirect.scatter.add.f32 [tilespmem:s10], [sflag:$0x1], $0x1, s12, s9, $0xb8;
	[tilespmem:$0xD80] =	vst v63  }
0xf8: {  	_ = 	snop  }
0xf9: {  	[spmem:s2] =	stream.indirect.scatter.add.f32 [tilespmem:s10], [sflag:$0x1], $0x1, s13, s9, $0xb8;
	[tilespmem:$0xD80] =	vst v63  }
0xfa: {  	_ = 	snop  }
0xfb: {  	[spmem:s2] =	stream.indirect.scatter.add.f32 [tilespmem:s10], [sflag:$0x1], $0x1, s14, s9, $0xb8;
	[tilespmem:$0xD80] =	vst v63  }
0xfc: {  	_ = 	snop  }
0xfd: {  	[spmem:s2] =	stream.indirect.scatter.add.f32 [tilespmem:s10], [sflag:$0x1], $0x1, s15, s9, $0xb8;
	[tilespmem:$0xD80] =	vst v63  }
0xfe: {  	_ = 	snop  }
0xff: {  	[spmem:s2] =	stream.indirect.scatter.add.f32 [tilespmem:s10], [sflag:$0x1], $0x1, s16, s9, $0xb8;
	[tilespmem:$0xD80] =	vst v63  }
0x100: {  	_ = 	snop  }
0x101: {  	[spmem:s2] =	stream.indirect.scatter.add.f32 [tilespmem:s10], [sflag:$0x1], $0x1, s17, s9, $0xb8;
	[tilespmem:$0xD80] =	vst v63  }
0x102: {  	_ = 	snop  }
0x103: {  	[spmem:s2] =	stream.indirect.scatter.add.f32 [tilespmem:s10], [sflag:$0x1], $0x1, s18, s9, $0xb8;
	[tilespmem:$0xD80] =	vst v63  }
0x104: {  	_ = 	snop  }
0x105: {  	[spmem:s2] =	stream.indirect.scatter.add.f32 [tilespmem:s10], [sflag:$0x1], $0x1, s19, s9, $0xb8;
	[tilespmem:$0xD80] =	vst v63  }
0x106: {  	_ = 	snop  }
0x107: {  	[spmem:s2] =	stream.indirect.scatter.add.f32 [tilespmem:s10], [sflag:$0x1], $0x1, s20, s9, $0xb8;
	[tilespmem:$0xD80] =	vst v63  }
0x108: {  	_ = 	snop  }
0x109: {  	[spmem:s2] =	stream.indirect.scatter.add.f32 [tilespmem:s10], [sflag:$0x1], $0x1, s21, s9, $0xb8;
	[tilespmem:$0xD80] =	vst v63  }
0x10a: {  	_ = 	snop  }
0x10b: {  	[spmem:s2] =	stream.indirect.scatter.add.f32 [tilespmem:s10], [sflag:$0x1], $0x1, s22, s9, $0xb8;
	[tilespmem:$0xD80] =	vst v63  }
0x10c: {  	_ = 	snop  }
0x10d: {  	[spmem:s2] =	stream.indirect.scatter.add.f32 [tilespmem:s10], [sflag:$0x1], $0x1, s23, s9, $0xb8;
	[tilespmem:$0xD80] =	vst v63  }
0x10e: {  	_ = 	snop  }
0x10f: {  	[spmem:s2] =	stream.indirect.scatter.add.f32 [tilespmem:s10], [sflag:$0x1], $0x1, s25, s9, $0xb8;
	[tilespmem:$0xD80] =	vst v63  }
0x110: {  	_ =	swait.ge [sflag:s26], $0x80  }
0x111: {  	[sflag:s26] =	ssyncset.done $0x0  }
0x112: {  	[sflag:s26] =	ssyncadd.s32 $0xFFFFFF80  }
0x113: {  	_ =	swait.ge [sflag:s26], $0x80  }
0x114: {  	[sflag:s26] =	ssyncset.done $0x0  }
0x115: {  	[sflag:s26] =	ssyncadd.s32 $0xFFFFFF80  }
0x116: {  	_ =	swait.ge [sflag:s26], $0x80  }
0x117: {  	[sflag:s26] =	ssyncset.done $0x0  }
0x118: {  	[sflag:s26] =	ssyncadd.s32 $0xFFFFFF80  }
0x119: {  	_ =	swait.ge [sflag:s26], $0x80  }
0x11a: {  	[sflag:s26] =	ssyncset.done $0x0  }
0x11b: {  	[sflag:s26] =	ssyncadd.s32 $0xFFFFFF80  }
0x11c: {  	_ =	swait.ge [sflag:s26], $0x80  }
0x11d: {  	[sflag:s26] =	ssyncset.done $0x0  }
0x11e: {  	[sflag:s26] =	ssyncadd.s32 $0xFFFFFF80  }
0x11f: {  	_ =	swait.ge [sflag:s26], $0x80  }
0x120: {  	[sflag:s26] =	ssyncset.done $0x0  }
0x121: {  	[sflag:s26] =	ssyncadd.s32 $0xFFFFFF80  }
0x122: {  	_ =	swait.ge [sflag:s26], $0x80  }
0x123: {  	[sflag:s26] =	ssyncset.done $0x0  }
0x124: {  	[sflag:s26] =	ssyncadd.s32 $0xFFFFFF80  }
0x125: {  	_ =	swait.ge [sflag:s26], $0x80  }
0x126: {  	[sflag:s26] =	ssyncset.done $0x0  }
0x127: {  	[sflag:s26] =	ssyncadd.s32 $0xFFFFFF80  }
0x128: {  	_ =	swait.ge [sflag:s26], $0x80  }
0x129: {  	[sflag:s26] =	ssyncset.done $0x0  }
0x12a: {  	[sflag:s26] =	ssyncadd.s32 $0xFFFFFF80  }
0x12b: {  	_ =	swait.ge [sflag:s26], $0x80  }
0x12c: {  	[sflag:s26] =	ssyncset.done $0x0  }
0x12d: {  	[sflag:s26] =	ssyncadd.s32 $0xFFFFFF80  }
0x12e: {  	_ =	swait.ge [sflag:s26], $0x80  }
0x12f: {  	[sflag:s26] =	ssyncset.done $0x0  }
0x130: {  	[sflag:s26] =	ssyncadd.s32 $0xFFFFFF80  }
0x131: {  	_ =	swait.ge [sflag:s26], $0x80  }
0x132: {  	[sflag:s26] =	ssyncset.done $0x0  }
0x133: {  	[sflag:s26] =	ssyncadd.s32 $0xFFFFFF80  }
0x134: {  	_ =	swait.ge [sflag:s26], $0x80  }
0x135: {  	[sflag:s26] =	ssyncset.done $0x0  }
0x136: {  	[sflag:s26] =	ssyncadd.s32 $0xFFFFFF80  }
0x137: {  	_ =	swait.ge [sflag:s26], $0x80  }
0x138: {  	[sflag:s26] =	ssyncset.done $0x0  }
0x139: {  	[sflag:s26] =	ssyncadd.s32 $0xFFFFFF80  }
0x13a: {  	_ =	swait.ge [sflag:s26], $0x80  }
0x13b: {  	[sflag:s26] =	ssyncset.done $0x0  }
0x13c: {  	[sflag:s26] =	ssyncadd.s32 $0xFFFFFF80  }
0x13d: {  	s31 =	stileid.u32;
	_ =	swait.ge [sflag:s26], $0x80  }
0x13e: {  	s1 =	sshrl.u32 s4, $0x3;
	s30 =	sadd.s32 $0x1, s30;
	[sflag:s26] =	ssyncset.done $0x0  }
0x13f: {  	s0 =	sshll.u32 s31, $0x6;
	p0 =	sne.s32 s30, s5;
	[sflag:s26] =	ssyncadd.s32 $0xFFFFFF80  }
.Ltmp1:
0x140: {  	s0 =	sor.u32 $0x1C02, s0;
	[bflag:$0x0] =	sbarrier.arrive $0xFFFF;
	(pc) =	sbr.rel @p0 .LBB2_1-.Ltmp1, $4  }
0x141: {  	[hbm:s24@s28], [sflag:s0] =	dma.strided [spmem:s1@s29], $0x50, s26, $0x10   }
0x142: {  	_ =	swait.ge [sflag:s8], $0x50  }
0x143: {  	[sflag:s8] =	ssyncset.done $0x0  }
0x144: {  	[sflag:s8] =	ssyncadd.s32 $0xFFFFFFB0  }
0x145: {  	_ =	sfence.sel $0x180000  }
0x146: {  	[bflag:$0x0] =	sbarrier.arrive $0xFFFF  }
0x147: {  	_ =	strace $0x90000047  }
0x148: {  	s0 =	stileid.u32;
	[bflag:$0x2] =	sbarrier.arrive $0xFFFF  }
0x149: {  	p0 =	sne.s32 s0, $0x0;
	s0 =	rddreg [dreg:$0x2]  }
0x14a: {  	s0 =	sadd.s32 @!p0 $0x100000, s0  }
0x14b: {  	[sflag:s0] =	ssyncadd.tile.s32 @!p0 $0x1;
	_ =	shalt  }
.Lfunc_end2:
_tile_overlayer_lowered:
.L_overlay_start_2:
0x14c: {  	(tag) =	ssettag $0x2  }
0x14d: {  	s0 =	rddreg [dreg:$0x0];
	s2 =	stileid.u32  }
0x14e: {  	s1 =	rddreg [dreg:$0x1];
	p0 =	sne.s32 s2, $0x0  }
0x14f: {  	s3 =	rddreg [dreg:$0x2];
	[bflag:$0x3] =	sbarrier.arrive $0xFFFF;
	s2 =	simm.s32 @!p0 $0x1C02  }
0x150: {  	[timem:s3], [sflag:s2] =	dma.local @!p0 [hbm:s0], s1  }
0x151: {  	s0 =	simm.s32 @!p0 $0x2  }
0x152: {  	_ =	swait.ge @!p0 [sflag:s0], s1  }
0x153: {  	s1 =	ssub.s32 @!p0 $0x0, s1;
	[sflag:s0] =	ssyncset.done @!p0 $0x0  }
0x154: {  	[sflag:s0] =	ssyncadd.s32 @!p0 s1  }
0x155: {  	[bflag:$0x3] =	sbarrier.arrive $0xFFFF  }
0x156: {  	_ =	shalt  }

</sc_bundles>
